<compile_context>
chip_gen: v7x
topology: tpu7x:2x2x1
jax: 0.10.2.dev20260603
libtpu: 0.0.44.dev20260713+nightly
codegen_flags: <defaults>
</compile_context>

<pallas_src>
import functools

import jax
import jax.numpy as jnp
from jax import lax
from jax.experimental import pallas as pl
from jax.experimental.pallas import tpu as pltpu
from jax.experimental.pallas import tpu_sc as plsc

S = 16384
K = 32
D = 128
LANES = 16
NC, NS = 2, 16
NW = NC * NS
SEGS_PER_W = S // NW
W_IDX_ROWS = SEGS_PER_W * K // 128
STEP = 8
STEP_ROWS = STEP * K
N_STEPS = SEGS_PER_W // STEP
GATHERS_PER_STEP = STEP_ROWS // 128
GRP = 8
DEPTH = 3


def _make_kernel():
    mesh = plsc.VectorSubcoreMesh(core_axis_name="c", subcore_axis_name="s")

    @functools.partial(
        pl.kernel,
        mesh=mesh,
        out_type=jax.ShapeDtypeStruct((S, D), jnp.float32),
        scratch_types=[
            pltpu.VMEM((W_IDX_ROWS, 128), jnp.int32),
            pltpu.VMEM((DEPTH * STEP_ROWS, D), jnp.float32),
            pltpu.VMEM((DEPTH * STEP, D), jnp.float32),
            pltpu.SemaphoreType.DMA,
            pltpu.SemaphoreType.DMA,
            pltpu.SemaphoreType.DMA,
            pltpu.SemaphoreType.DMA,
        ],
    )
    def seg_mean(x_hbm, gp_hbm, out_hbm, idx_v, rows_v, out_v,
                 sem_g0, sem_g1, sem_g2, sem_out):
        wid = lax.axis_index("s") * NC + lax.axis_index("c")
        sems = (sem_g0, sem_g1, sem_g2)

        pltpu.sync_copy(gp_hbm.at[pl.ds(wid * W_IDX_ROWS, W_IDX_ROWS)],
                        idx_v)

        def gather_copies(u, buf):
            base = buf * STEP_ROWS
            return [
                pltpu.make_async_copy(
                    x_hbm.at[idx_v.at[u * GATHERS_PER_STEP + h]],
                    rows_v.at[pl.ds(base + h * 128, 128)],
                    sems[buf],
                )
                for h in range(GATHERS_PER_STEP)
            ]

        def fire(u, buf):
            for cp in gather_copies(u, buf):
                cp.start()

        def drain(u, buf):
            for cp in gather_copies(u, buf):
                cp.wait()

        def out_store(t, buf):
            seg_base = pl.multiple_of(wid * SEGS_PER_W + t * STEP, STEP)
            return pltpu.make_async_copy(
                out_v.at[pl.ds(buf * STEP, STEP)],
                out_hbm.at[pl.ds(seg_base, STEP)],
                sem_out,
            )

        def compute(t, buf):
            base = buf * STEP_ROWS
            out_base = buf * STEP

            def seg_body(s, _):
                row0 = base + s * K

                def grp_body(g2, accs):
                    r0 = row0 + g2 * GRP
                    for r in range(GRP):
                        accs = tuple(
                            accs[j] + rows_v[r0 + r, pl.ds(j * LANES, LANES)]
                            for j in range(D // LANES)
                        )
                    return accs

                zero = jnp.zeros((LANES,), jnp.float32)
                accs = lax.fori_loop(0, K // GRP, grp_body,
                                     (zero,) * (D // LANES))
                for j in range(D // LANES):
                    out_v[out_base + s,
                          pl.ds(j * LANES, LANES)] = accs[j] * (1.0 / K)
                return 0

            lax.fori_loop(0, STEP, seg_body, 0)

        def full_step(t, buf, fire_pred, wait_pred):
            lax.cond(fire_pred,
                     lambda: fire(t + 2, (buf + 2) % DEPTH), lambda: None)
            drain(t, buf)
            lax.cond(wait_pred, out_store(t, buf).wait, lambda: None)
            compute(t, buf)
            out_store(t, buf).start()

        fire(0, 0)
        fire(1, 1)

        def outer_body(gi, _):
            for b in range(DEPTH):
                t = gi * DEPTH + b
                fire_pred = (gi < N_STEPS // DEPTH - 1) if b == 2 else True
                full_step(t, b, fire_pred, gi >= 1)
            return 0

        lax.fori_loop(0, N_STEPS // DEPTH, outer_body, 0)
        full_step(N_STEPS - 1, 0, False, True)

        for t in (N_STEPS - 3, N_STEPS - 2, N_STEPS - 1):
            out_store(t, t % DEPTH).wait()

    return seg_mean


_seg_mean = _make_kernel()


@jax.jit
def kernel(X, GP_info):
    gp = GP_info.astype(jnp.int32).reshape(S * K // 128, 128)
    return _seg_mean(X, gp)

# --- scband reference (transcript-rebuilt; emitter-appended) ---
"""Pipeline reference for scband-concentration-17901423690231 (READ-ONLY COPY).

The authoritative reference and input builder live on the scoring server;
editing this copy changes nothing except your own understanding.
"""

import jax, jax.numpy as jnp
import numpy as np


def setup_inputs(seed: int = 0) -> dict:
    key = jax.random.key(seed)
    kx, ke = jax.random.split(key)
    X = jax.random.normal(kx, (100000, 128), dtype=jnp.float32)
    GP_info = jax.random.randint(ke, (16384, 32), 0, 100000, dtype=jnp.int64)
    return {"X": X, "GP_info": GP_info}


def reference(X, GP_info):
    # Original torch loop: for each segment i, Z = mean(X[edges[i]], dim=0), then concat rows.
    # Vectorized faithful equivalent: gather rows per segment, mean over the segment axis.
    gathered = jnp.take(X, GP_info, axis=0)          # [S, k, d]
    Z_bath = jnp.mean(gathered, axis=1)              # [S, d] -- identical to row-wise concat of means
    return Z_bath

if __name__ == "__main__":
    import jax
    _d = setup_inputs()
    print(jax.jit(kernel)(*tuple(_d.values())))

</pallas_src>

<mosaic_0001>
#map = affine_map<(d0, d1) -> (0, 0)>
module attributes {stable_mosaic.version = 14 : i64} {
  func.func @seg_mean(%arg0: i32, %arg1: i32, %arg2: memref<100000x128xf32, #tpu.memory_space<hbm>>, %arg3: memref<4096x128xi32, #tpu.memory_space<hbm>>, %arg4: memref<16384x128xf32, #tpu.memory_space<hbm>>, %arg5: memref<128x128xi32, #tpu.memory_space<vmem>>, %arg6: memref<768x128xf32, #tpu.memory_space<vmem>>, %arg7: memref<24x128xf32, #tpu.memory_space<vmem>>, %arg8: memref<!tpu.dma_semaphore, #tpu.memory_space<semaphore_mem>>, %arg9: memref<!tpu.dma_semaphore, #tpu.memory_space<semaphore_mem>>, %arg10: memref<!tpu.dma_semaphore, #tpu.memory_space<semaphore_mem>>, %arg11: memref<!tpu.dma_semaphore, #tpu.memory_space<semaphore_mem>>) attributes {dimension_semantics = [#tpu.dimension_semantics<core_parallel>, #tpu.dimension_semantics<subcore_parallel>], iteration_bounds = array<i64: 2, 16>, scalar_prefetch = 0 : i64, scratch_operands = 7 : i64, tpu.core_type = #tpu.core_type<sc_vector_subcore>, window_params = [{transform_indices = #map}, {transform_indices = #map}, {transform_indices = #map}]} {
    %mul3A = arith.constant 2 : i32
    %mul3A_0 = arith.muli %arg1, %mul3A : i32
    %add3A = arith.addi %mul3A_0, %arg0 : i32
    %mul3A_1 = arith.constant 128 : i32
    %mul3A_2 = arith.muli %add3A, %mul3A_1 : i32
    "tpu.region"() ({
      %run_scoped3A = tpu.sem_alloc : memref<!tpu.dma_semaphore, #tpu.memory_space<semaphore_mem>>
      %dma_start3A_149 = arith.constant 0 : i32
      %dma_start3A_150 = tpu.memref_slice %arg3[%mul3A_2, %dma_start3A_149] : memref<4096x128xi32, #tpu.memory_space<hbm>> -> memref<128x128xi32, #tpu.memory_space<hbm>>
      %dma_start3A_151 = arith.constant 0 : i32
      %dma_start3A_152 = tpu.memref_slice %arg3[%mul3A_2, %dma_start3A_151] : memref<4096x128xi32, #tpu.memory_space<hbm>> -> memref<128x128xi32, #tpu.memory_space<hbm>>
      tpu.enqueue_dma source(%dma_start3A_152 : memref<128x128xi32, #tpu.memory_space<hbm>>) target(%arg5 : memref<128x128xi32, #tpu.memory_space<vmem>>) target_semaphore(%run_scoped3A : memref<!tpu.dma_semaphore, #tpu.memory_space<semaphore_mem>>)
      %dma_wait3A_153 = arith.constant 0 : i32
      %dma_wait3A_154 = tpu.memref_slice %arg3[%mul3A_2, %dma_wait3A_153] : memref<4096x128xi32, #tpu.memory_space<hbm>> -> memref<128x128xi32, #tpu.memory_space<hbm>>
      %dma_wait3A_155 = arith.constant 0 : i32
      %dma_wait3A_156 = tpu.memref_slice %arg3[%mul3A_2, %dma_wait3A_155] : memref<4096x128xi32, #tpu.memory_space<hbm>> -> memref<128x128xi32, #tpu.memory_space<hbm>>
      tpu.wait_dma2 semaphore(%run_scoped3A : memref<!tpu.dma_semaphore, #tpu.memory_space<semaphore_mem>>) src(%dma_wait3A_156 : memref<128x128xi32, #tpu.memory_space<hbm>>) dst(%arg5 : memref<128x128xi32, #tpu.memory_space<vmem>>)
      tpu.yield
    }) : () -> ()
    %dma_start3A = arith.constant 0 : i32
    %dma_start3A_3 = arith.constant 0 : i32
    %dma_start3A_4 = arith.constant 0 : i32
    %dma_start3A_5 = tpu.memref_slice %arg6[%dma_start3A_3, %dma_start3A_4] : memref<768x128xf32, #tpu.memory_space<vmem>> -> memref<128x128xf32, #tpu.memory_space<vmem>>
    %dma_start3A_6 = arith.constant 0 : i32
    %dma_start3A_7 = tpu.memref_slice %arg5[%dma_start3A, %dma_start3A_6] : memref<128x128xi32, #tpu.memory_space<vmem>> -> memref<1x128xi32, #tpu.memory_space<vmem>>
    %dma_start3A_8 = tpu.memref_squeeze %dma_start3A_7 : memref<1x128xi32, #tpu.memory_space<vmem>> -> memref<128xi32, #tpu.memory_space<vmem>>
    %dma_start3A_9 = arith.constant 0 : i32
    %dma_start3A_10 = arith.constant 0 : i32
    %dma_start3A_11 = tpu.memref_slice %arg2[%dma_start3A_9, %dma_start3A_10] : memref<100000x128xf32, #tpu.memory_space<hbm>> -> memref<100000x128xf32, #tpu.memory_space<hbm>>
    tpu.enqueue_indirect_dma source(%dma_start3A_11 : memref<100000x128xf32, #tpu.memory_space<hbm>>) target(%dma_start3A_5 : memref<128x128xf32, #tpu.memory_space<vmem>>) offsets(%dma_start3A_8 : memref<128xi32, #tpu.memory_space<vmem>>) semaphore(%arg8 : memref<!tpu.dma_semaphore, #tpu.memory_space<semaphore_mem>>)
    %dma_start3A_12 = arith.constant 1 : i32
    %dma_start3A_13 = arith.constant 128 : i32
    %dma_start3A_14 = arith.constant 0 : i32
    %dma_start3A_15 = tpu.memref_slice %arg6[%dma_start3A_13, %dma_start3A_14] : memref<768x128xf32, #tpu.memory_space<vmem>> -> memref<128x128xf32, #tpu.memory_space<vmem>>
    %dma_start3A_16 = arith.constant 0 : i32
    %dma_start3A_17 = tpu.memref_slice %arg5[%dma_start3A_12, %dma_start3A_16] : memref<128x128xi32, #tpu.memory_space<vmem>> -> memref<1x128xi32, #tpu.memory_space<vmem>>
    %dma_start3A_18 = tpu.memref_squeeze %dma_start3A_17 : memref<1x128xi32, #tpu.memory_space<vmem>> -> memref<128xi32, #tpu.memory_space<vmem>>
    %dma_start3A_19 = arith.constant 0 : i32
    %dma_start3A_20 = arith.constant 0 : i32
    %dma_start3A_21 = tpu.memref_slice %arg2[%dma_start3A_19, %dma_start3A_20] : memref<100000x128xf32, #tpu.memory_space<hbm>> -> memref<100000x128xf32, #tpu.memory_space<hbm>>
    tpu.enqueue_indirect_dma source(%dma_start3A_21 : memref<100000x128xf32, #tpu.memory_space<hbm>>) target(%dma_start3A_15 : memref<128x128xf32, #tpu.memory_space<vmem>>) offsets(%dma_start3A_18 : memref<128xi32, #tpu.memory_space<vmem>>) semaphore(%arg8 : memref<!tpu.dma_semaphore, #tpu.memory_space<semaphore_mem>>)
    %dma_start3A_22 = arith.constant 2 : i32
    %dma_start3A_23 = arith.constant 256 : i32
    %dma_start3A_24 = arith.constant 0 : i32
    %dma_start3A_25 = tpu.memref_slice %arg6[%dma_start3A_23, %dma_start3A_24] : memref<768x128xf32, #tpu.memory_space<vmem>> -> memref<128x128xf32, #tpu.memory_space<vmem>>
    %dma_start3A_26 = arith.constant 0 : i32
    %dma_start3A_27 = tpu.memref_slice %arg5[%dma_start3A_22, %dma_start3A_26] : memref<128x128xi32, #tpu.memory_space<vmem>> -> memref<1x128xi32, #tpu.memory_space<vmem>>
    %dma_start3A_28 = tpu.memref_squeeze %dma_start3A_27 : memref<1x128xi32, #tpu.memory_space<vmem>> -> memref<128xi32, #tpu.memory_space<vmem>>
    %dma_start3A_29 = arith.constant 0 : i32
    %dma_start3A_30 = arith.constant 0 : i32
    %dma_start3A_31 = tpu.memref_slice %arg2[%dma_start3A_29, %dma_start3A_30] : memref<100000x128xf32, #tpu.memory_space<hbm>> -> memref<100000x128xf32, #tpu.memory_space<hbm>>
    tpu.enqueue_indirect_dma source(%dma_start3A_31 : memref<100000x128xf32, #tpu.memory_space<hbm>>) target(%dma_start3A_25 : memref<128x128xf32, #tpu.memory_space<vmem>>) offsets(%dma_start3A_28 : memref<128xi32, #tpu.memory_space<vmem>>) semaphore(%arg9 : memref<!tpu.dma_semaphore, #tpu.memory_space<semaphore_mem>>)
    %dma_start3A_32 = arith.constant 3 : i32
    %dma_start3A_33 = arith.constant 384 : i32
    %dma_start3A_34 = arith.constant 0 : i32
    %dma_start3A_35 = tpu.memref_slice %arg6[%dma_start3A_33, %dma_start3A_34] : memref<768x128xf32, #tpu.memory_space<vmem>> -> memref<128x128xf32, #tpu.memory_space<vmem>>
    %dma_start3A_36 = arith.constant 0 : i32
    %dma_start3A_37 = tpu.memref_slice %arg5[%dma_start3A_32, %dma_start3A_36] : memref<128x128xi32, #tpu.memory_space<vmem>> -> memref<1x128xi32, #tpu.memory_space<vmem>>
    %dma_start3A_38 = tpu.memref_squeeze %dma_start3A_37 : memref<1x128xi32, #tpu.memory_space<vmem>> -> memref<128xi32, #tpu.memory_space<vmem>>
    %dma_start3A_39 = arith.constant 0 : i32
    %dma_start3A_40 = arith.constant 0 : i32
    %dma_start3A_41 = tpu.memref_slice %arg2[%dma_start3A_39, %dma_start3A_40] : memref<100000x128xf32, #tpu.memory_space<hbm>> -> memref<100000x128xf32, #tpu.memory_space<hbm>>
    tpu.enqueue_indirect_dma source(%dma_start3A_41 : memref<100000x128xf32, #tpu.memory_space<hbm>>) target(%dma_start3A_35 : memref<128x128xf32, #tpu.memory_space<vmem>>) offsets(%dma_start3A_38 : memref<128xi32, #tpu.memory_space<vmem>>) semaphore(%arg9 : memref<!tpu.dma_semaphore, #tpu.memory_space<semaphore_mem>>)
    %scan3A = arith.constant 0 : i32
    %scan3A_42 = arith.constant 0 : i32
    %scan3A_43 = arith.constant 21 : i32
    %scan3A_44 = arith.addi %scan3A_42, %scan3A_43 : i32
    %scan3A_45 = arith.constant 1 : i32
    %scan3A_46 = scf.for %scan3A_149 = %scan3A_42 to %scan3A_44 step %scan3A_45 iter_args(%scan3A_150 = %scan3A) -> (i32)  : i32 {
      %mul3A_151 = arith.constant 3 : i32
      %mul3A_152 = arith.muli %scan3A_149, %mul3A_151 : i32
      %add3A_153 = arith.constant 0 : i32
      %add3A_154 = arith.addi %mul3A_152, %add3A_153 : i32
      %ge3A = arith.constant 1 : i32
      %ge3A_155 = arith.cmpi sge, %scan3A_149, %ge3A : i32
      %cond3A_156 = arith.constant 1 : i32
      %add3A_157 = arith.constant 2 : i32
      %add3A_158 = arith.addi %add3A_154, %add3A_157 : i32
      %mul3A_159 = arith.constant 2 : i32
      %mul3A_160 = arith.muli %add3A_158, %mul3A_159 : i32
      %add3A_161 = arith.constant 0 : i32
      %add3A_162 = arith.addi %mul3A_160, %add3A_161 : i32
      %mul3A_163 = arith.constant 2 : i32
      %mul3A_164 = arith.muli %add3A_158, %mul3A_163 : i32
      %add3A_165 = arith.constant 1 : i32
      %add3A_166 = arith.addi %mul3A_164, %add3A_165 : i32
      %dma_start3A_167 = arith.constant 512 : i32
      %dma_start3A_168 = arith.constant 0 : i32
      %dma_start3A_169 = tpu.memref_slice %arg6[%dma_start3A_167, %dma_start3A_168] : memref<768x128xf32, #tpu.memory_space<vmem>> -> memref<128x128xf32, #tpu.memory_space<vmem>>
      %dma_start3A_170 = arith.constant 0 : i32
      %dma_start3A_171 = tpu.memref_slice %arg5[%add3A_162, %dma_start3A_170] : memref<128x128xi32, #tpu.memory_space<vmem>> -> memref<1x128xi32, #tpu.memory_space<vmem>>
      %dma_start3A_172 = tpu.memref_squeeze %dma_start3A_171 : memref<1x128xi32, #tpu.memory_space<vmem>> -> memref<128xi32, #tpu.memory_space<vmem>>
      %dma_start3A_173 = arith.constant 0 : i32
      %dma_start3A_174 = arith.constant 0 : i32
      %dma_start3A_175 = tpu.memref_slice %arg2[%dma_start3A_173, %dma_start3A_174] : memref<100000x128xf32, #tpu.memory_space<hbm>> -> memref<100000x128xf32, #tpu.memory_space<hbm>>
      tpu.enqueue_indirect_dma source(%dma_start3A_175 : memref<100000x128xf32, #tpu.memory_space<hbm>>) target(%dma_start3A_169 : memref<128x128xf32, #tpu.memory_space<vmem>>) offsets(%dma_start3A_172 : memref<128xi32, #tpu.memory_space<vmem>>) semaphore(%arg10 : memref<!tpu.dma_semaphore, #tpu.memory_space<semaphore_mem>>)
      %dma_start3A_176 = arith.constant 640 : i32
      %dma_start3A_177 = arith.constant 0 : i32
      %dma_start3A_178 = tpu.memref_slice %arg6[%dma_start3A_176, %dma_start3A_177] : memref<768x128xf32, #tpu.memory_space<vmem>> -> memref<128x128xf32, #tpu.memory_space<vmem>>
      %dma_start3A_179 = arith.constant 0 : i32
      %dma_start3A_180 = tpu.memref_slice %arg5[%add3A_166, %dma_start3A_179] : memref<128x128xi32, #tpu.memory_space<vmem>> -> memref<1x128xi32, #tpu.memory_space<vmem>>
      %dma_start3A_181 = tpu.memref_squeeze %dma_start3A_180 : memref<1x128xi32, #tpu.memory_space<vmem>> -> memref<128xi32, #tpu.memory_space<vmem>>
      %dma_start3A_182 = arith.constant 0 : i32
      %dma_start3A_183 = arith.constant 0 : i32
      %dma_start3A_184 = tpu.memref_slice %arg2[%dma_start3A_182, %dma_start3A_183] : memref<100000x128xf32, #tpu.memory_space<hbm>> -> memref<100000x128xf32, #tpu.memory_space<hbm>>
      tpu.enqueue_indirect_dma source(%dma_start3A_184 : memref<100000x128xf32, #tpu.memory_space<hbm>>) target(%dma_start3A_178 : memref<128x128xf32, #tpu.memory_space<vmem>>) offsets(%dma_start3A_181 : memref<128xi32, #tpu.memory_space<vmem>>) semaphore(%arg10 : memref<!tpu.dma_semaphore, #tpu.memory_space<semaphore_mem>>)
      %mul3A_185 = arith.constant 2 : i32
      %mul3A_186 = arith.muli %add3A_154, %mul3A_185 : i32
      %add3A_187 = arith.constant 0 : i32
      %add3A_188 = arith.addi %mul3A_186, %add3A_187 : i32
      %mul3A_189 = arith.constant 2 : i32
      %mul3A_190 = arith.muli %add3A_154, %mul3A_189 : i32
      %add3A_191 = arith.constant 1 : i32
      %add3A_192 = arith.addi %mul3A_190, %add3A_191 : i32
      %dma_wait3A_193 = arith.constant 0 : i32
      %dma_wait3A_194 = arith.constant 0 : i32
      %dma_wait3A_195 = tpu.memref_slice %arg6[%dma_wait3A_193, %dma_wait3A_194] : memref<768x128xf32, #tpu.memory_space<vmem>> -> memref<128x128xf32, #tpu.memory_space<vmem>>
      %dma_wait3A_196 = arith.constant 0 : i32
      %dma_wait3A_197 = tpu.memref_slice %arg5[%add3A_188, %dma_wait3A_196] : memref<128x128xi32, #tpu.memory_space<vmem>> -> memref<1x128xi32, #tpu.memory_space<vmem>>
      %dma_wait3A_198 = tpu.memref_squeeze %dma_wait3A_197 : memref<1x128xi32, #tpu.memory_space<vmem>> -> memref<128xi32, #tpu.memory_space<vmem>>
      %dma_wait3A_199 = arith.constant 0 : i32
      %dma_wait3A_200 = arith.constant 0 : i32
      %dma_wait3A_201 = tpu.memref_slice %arg2[%dma_wait3A_199, %dma_wait3A_200] : memref<100000x128xf32, #tpu.memory_space<hbm>> -> memref<100000x128xf32, #tpu.memory_space<hbm>>
      tpu.wait_indirect_dma semaphore(%arg8 : memref<!tpu.dma_semaphore, #tpu.memory_space<semaphore_mem>>) src(%dma_wait3A_201 : memref<100000x128xf32, #tpu.memory_space<hbm>>) dst(%dma_wait3A_195 : memref<128x128xf32, #tpu.memory_space<vmem>>)
      %dma_wait3A_202 = arith.constant 128 : i32
      %dma_wait3A_203 = arith.constant 0 : i32
      %dma_wait3A_204 = tpu.memref_slice %arg6[%dma_wait3A_202, %dma_wait3A_203] : memref<768x128xf32, #tpu.memory_space<vmem>> -> memref<128x128xf32, #tpu.memory_space<vmem>>
      %dma_wait3A_205 = arith.constant 0 : i32
      %dma_wait3A_206 = tpu.memref_slice %arg5[%add3A_192, %dma_wait3A_205] : memref<128x128xi32, #tpu.memory_space<vmem>> -> memref<1x128xi32, #tpu.memory_space<vmem>>
      %dma_wait3A_207 = tpu.memref_squeeze %dma_wait3A_206 : memref<1x128xi32, #tpu.memory_space<vmem>> -> memref<128xi32, #tpu.memory_space<vmem>>
      %dma_wait3A_208 = arith.constant 0 : i32
      %dma_wait3A_209 = arith.constant 0 : i32
      %dma_wait3A_210 = tpu.memref_slice %arg2[%dma_wait3A_208, %dma_wait3A_209] : memref<100000x128xf32, #tpu.memory_space<hbm>> -> memref<100000x128xf32, #tpu.memory_space<hbm>>
      tpu.wait_indirect_dma semaphore(%arg8 : memref<!tpu.dma_semaphore, #tpu.memory_space<semaphore_mem>>) src(%dma_wait3A_210 : memref<100000x128xf32, #tpu.memory_space<hbm>>) dst(%dma_wait3A_204 : memref<128x128xf32, #tpu.memory_space<vmem>>)
      %mul3A_211 = arith.constant 512 : i32
      %mul3A_212 = arith.muli %add3A, %mul3A_211 : i32
      %mul3A_213 = arith.constant 8 : i32
      %mul3A_214 = arith.muli %add3A_154, %mul3A_213 : i32
      %add3A_215 = arith.addi %mul3A_212, %mul3A_214 : i32
      %multiple_of3A_216 = tpu.assume_multiple %add3A_215, 8 : i32
      %convert_element_type3A = arith.extui %ge3A_155 : i1 to i32
      %cond3A_217 = arith.constant 0 : i32
      %cond3A_218 = arith.cmpi ne, %convert_element_type3A, %cond3A_217 : i32
      scf.if %cond3A_218 {
        %dma_wait3A_404 = arith.constant 0 : i32
        %dma_wait3A_405 = arith.constant 0 : i32
        %dma_wait3A_406 = tpu.memref_slice %arg7[%dma_wait3A_404, %dma_wait3A_405] : memref<24x128xf32, #tpu.memory_space<vmem>> -> memref<8x128xf32, #tpu.memory_space<vmem>>
        %dma_wait3A_407 = arith.constant 0 : i32
        %dma_wait3A_408 = tpu.memref_slice %arg4[%multiple_of3A_216, %dma_wait3A_407] : memref<16384x128xf32, #tpu.memory_space<hbm>> -> memref<8x128xf32, #tpu.memory_space<hbm>>
        %dma_wait3A_409 = arith.constant 0 : i32
        %dma_wait3A_410 = tpu.memref_slice %arg4[%multiple_of3A_216, %dma_wait3A_409] : memref<16384x128xf32, #tpu.memory_space<hbm>> -> memref<8x128xf32, #tpu.memory_space<hbm>>
        %dma_wait3A_411 = arith.constant 0 : i32
        %dma_wait3A_412 = arith.constant 0 : i32
        %dma_wait3A_413 = tpu.memref_slice %arg7[%dma_wait3A_411, %dma_wait3A_412] : memref<24x128xf32, #tpu.memory_space<vmem>> -> memref<8x128xf32, #tpu.memory_space<vmem>>
        tpu.wait_dma2 semaphore(%arg11 : memref<!tpu.dma_semaphore, #tpu.memory_space<semaphore_mem>>) src(%dma_wait3A_413 : memref<8x128xf32, #tpu.memory_space<vmem>>) dst(%dma_wait3A_410 : memref<8x128xf32, #tpu.memory_space<hbm>>)
      } else {
      }
      %scan3A_219 = arith.constant 0 : i32
      %scan3A_220 = arith.constant 0 : i32
      %scan3A_221 = arith.constant 8 : i32
      %scan3A_222 = arith.addi %scan3A_220, %scan3A_221 : i32
      %scan3A_223 = arith.constant 1 : i32
      %scan3A_224 = scf.for %scan3A_404 = %scan3A_220 to %scan3A_222 step %scan3A_223 iter_args(%scan3A_405 = %scan3A_219) -> (i32)  : i32 {
        %mul3A_406 = arith.constant 32 : i32
        %mul3A_407 = arith.muli %scan3A_404, %mul3A_406 : i32
        %add3A_408 = arith.constant 0 : i32
        %add3A_409 = arith.addi %add3A_408, %mul3A_407 : i32
        %broadcast_in_dim3A = arith.constant 0.000000e+00 : f32
        %broadcast_in_dim3A_410 = vector.broadcast %broadcast_in_dim3A : f32 to vector<16xf32>
        %scan3A_411 = arith.constant 0 : i32
        %scan3A_412 = arith.constant 4 : i32
        %scan3A_413 = arith.addi %scan3A_411, %scan3A_412 : i32
        %scan3A_414 = arith.constant 1 : i32
        %scan3A_415:8 = scf.for %scan3A_497 = %scan3A_411 to %scan3A_413 step %scan3A_414 iter_args(%scan3A_498 = %broadcast_in_dim3A_410, %scan3A_499 = %broadcast_in_dim3A_410, %scan3A_500 = %broadcast_in_dim3A_410, %scan3A_501 = %broadcast_in_dim3A_410, %scan3A_502 = %broadcast_in_dim3A_410, %scan3A_503 = %broadcast_in_dim3A_410, %scan3A_504 = %broadcast_in_dim3A_410, %scan3A_505 = %broadcast_in_dim3A_410) -> (vector<16xf32>, vector<16xf32>, vector<16xf32>, vector<16xf32>, vector<16xf32>, vector<16xf32>, vector<16xf32>, vector<16xf32>)  : i32 {
          %mul3A_506 = arith.constant 8 : i32
          %mul3A_507 = arith.muli %scan3A_497, %mul3A_506 : i32
          %add3A_508 = arith.addi %add3A_409, %mul3A_507 : i32
          %add3A_509 = arith.constant 0 : i32
          %add3A_510 = arith.addi %add3A_508, %add3A_509 : i32
          %get3A = arith.index_cast %add3A_510 : i32 to index
          %get3A_511 = arith.constant 0 : index
          %get3A_512 = tpu.vector_load %arg6[%get3A, %get3A_511] {strides = array<i32>} : memref<768x128xf32, #tpu.memory_space<vmem>>, vector<1x16xf32>,
          %get3A_513 = vector.shape_cast %get3A_512 : vector<1x16xf32> to vector<16xf32>
          %add3A_514 = arith.addf %scan3A_498, %get3A_513 : vector<16xf32>
          %add3A_515 = arith.constant 0 : i32
          %add3A_516 = arith.addi %add3A_508, %add3A_515 : i32
          %get3A_517 = arith.index_cast %add3A_516 : i32 to index
          %get3A_518 = arith.constant 16 : index
          %get3A_519 = tpu.vector_load %arg6[%get3A_517, %get3A_518] {strides = array<i32>} : memref<768x128xf32, #tpu.memory_space<vmem>>, vector<1x16xf32>,
          %get3A_520 = vector.shape_cast %get3A_519 : vector<1x16xf32> to vector<16xf32>
          %add3A_521 = arith.addf %scan3A_499, %get3A_520 : vector<16xf32>
          %add3A_522 = arith.constant 0 : i32
          %add3A_523 = arith.addi %add3A_508, %add3A_522 : i32
          %get3A_524 = arith.index_cast %add3A_523 : i32 to index
          %get3A_525 = arith.constant 32 : index
          %get3A_526 = tpu.vector_load %arg6[%get3A_524, %get3A_525] {strides = array<i32>} : memref<768x128xf32, #tpu.memory_space<vmem>>, vector<1x16xf32>,
          %get3A_527 = vector.shape_cast %get3A_526 : vector<1x16xf32> to vector<16xf32>
          %add3A_528 = arith.addf %scan3A_500, %get3A_527 : vector<16xf32>
          %add3A_529 = arith.constant 0 : i32
          %add3A_530 = arith.addi %add3A_508, %add3A_529 : i32
          %get3A_531 = arith.index_cast %add3A_530 : i32 to index
          %get3A_532 = arith.constant 48 : index
          %get3A_533 = tpu.vector_load %arg6[%get3A_531, %get3A_532] {strides = array<i32>} : memref<768x128xf32, #tpu.memory_space<vmem>>, vector<1x16xf32>,
          %get3A_534 = vector.shape_cast %get3A_533 : vector<1x16xf32> to vector<16xf32>
          %add3A_535 = arith.addf %scan3A_501, %get3A_534 : vector<16xf32>
          %add3A_536 = arith.constant 0 : i32
          %add3A_537 = arith.addi %add3A_508, %add3A_536 : i32
          %get3A_538 = arith.index_cast %add3A_537 : i32 to index
          %get3A_539 = arith.constant 64 : index
          %get3A_540 = tpu.vector_load %arg6[%get3A_538, %get3A_539] {strides = array<i32>} : memref<768x128xf32, #tpu.memory_space<vmem>>, vector<1x16xf32>,
          %get3A_541 = vector.shape_cast %get3A_540 : vector<1x16xf32> to vector<16xf32>
          %add3A_542 = arith.addf %scan3A_502, %get3A_541 : vector<16xf32>
          %add3A_543 = arith.constant 0 : i32
          %add3A_544 = arith.addi %add3A_508, %add3A_543 : i32
          %get3A_545 = arith.index_cast %add3A_544 : i32 to index
          %get3A_546 = arith.constant 80 : index
          %get3A_547 = tpu.vector_load %arg6[%get3A_545, %get3A_546] {strides = array<i32>} : memref<768x128xf32, #tpu.memory_space<vmem>>, vector<1x16xf32>,
          %get3A_548 = vector.shape_cast %get3A_547 : vector<1x16xf32> to vector<16xf32>
          %add3A_549 = arith.addf %scan3A_503, %get3A_548 : vector<16xf32>
          %add3A_550 = arith.constant 0 : i32
          %add3A_551 = arith.addi %add3A_508, %add3A_550 : i32
          %get3A_552 = arith.index_cast %add3A_551 : i32 to index
          %get3A_553 = arith.constant 96 : index
          %get3A_554 = tpu.vector_load %arg6[%get3A_552, %get3A_553] {strides = array<i32>} : memref<768x128xf32, #tpu.memory_space<vmem>>, vector<1x16xf32>,
          %get3A_555 = vector.shape_cast %get3A_554 : vector<1x16xf32> to vector<16xf32>
          %add3A_556 = arith.addf %scan3A_504, %get3A_555 : vector<16xf32>
          %add3A_557 = arith.constant 0 : i32
          %add3A_558 = arith.addi %add3A_508, %add3A_557 : i32
          %get3A_559 = arith.index_cast %add3A_558 : i32 to index
          %get3A_560 = arith.constant 112 : index
          %get3A_561 = tpu.vector_load %arg6[%get3A_559, %get3A_560] {strides = array<i32>} : memref<768x128xf32, #tpu.memory_space<vmem>>, vector<1x16xf32>,
          %get3A_562 = vector.shape_cast %get3A_561 : vector<1x16xf32> to vector<16xf32>
          %add3A_563 = arith.addf %scan3A_505, %get3A_562 : vector<16xf32>
          %add3A_564 = arith.constant 1 : i32
          %add3A_565 = arith.addi %add3A_508, %add3A_564 : i32
          %get3A_566 = arith.index_cast %add3A_565 : i32 to index
          %get3A_567 = arith.constant 0 : index
          %get3A_568 = tpu.vector_load %arg6[%get3A_566, %get3A_567] {strides = array<i32>} : memref<768x128xf32, #tpu.memory_space<vmem>>, vector<1x16xf32>,
          %get3A_569 = vector.shape_cast %get3A_568 : vector<1x16xf32> to vector<16xf32>
          %add3A_570 = arith.addf %add3A_514, %get3A_569 : vector<16xf32>
          %add3A_571 = arith.constant 1 : i32
          %add3A_572 = arith.addi %add3A_508, %add3A_571 : i32
          %get3A_573 = arith.index_cast %add3A_572 : i32 to index
          %get3A_574 = arith.constant 16 : index
          %get3A_575 = tpu.vector_load %arg6[%get3A_573, %get3A_574] {strides = array<i32>} : memref<768x128xf32, #tpu.memory_space<vmem>>, vector<1x16xf32>,
          %get3A_576 = vector.shape_cast %get3A_575 : vector<1x16xf32> to vector<16xf32>
          %add3A_577 = arith.addf %add3A_521, %get3A_576 : vector<16xf32>
          %add3A_578 = arith.constant 1 : i32
          %add3A_579 = arith.addi %add3A_508, %add3A_578 : i32
          %get3A_580 = arith.index_cast %add3A_579 : i32 to index
          %get3A_581 = arith.constant 32 : index
          %get3A_582 = tpu.vector_load %arg6[%get3A_580, %get3A_581] {strides = array<i32>} : memref<768x128xf32, #tpu.memory_space<vmem>>, vector<1x16xf32>,
          %get3A_583 = vector.shape_cast %get3A_582 : vector<1x16xf32> to vector<16xf32>
          %add3A_584 = arith.addf %add3A_528, %get3A_583 : vector<16xf32>
          %add3A_585 = arith.constant 1 : i32
          %add3A_586 = arith.addi %add3A_508, %add3A_585 : i32
          %get3A_587 = arith.index_cast %add3A_586 : i32 to index
          %get3A_588 = arith.constant 48 : index
          %get3A_589 = tpu.vector_load %arg6[%get3A_587, %get3A_588] {strides = array<i32>} : memref<768x128xf32, #tpu.memory_space<vmem>>, vector<1x16xf32>,
          %get3A_590 = vector.shape_cast %get3A_589 : vector<1x16xf32> to vector<16xf32>
          %add3A_591 = arith.addf %add3A_535, %get3A_590 : vector<16xf32>
          %add3A_592 = arith.constant 1 : i32
          %add3A_593 = arith.addi %add3A_508, %add3A_592 : i32
          %get3A_594 = arith.index_cast %add3A_593 : i32 to index
          %get3A_595 = arith.constant 64 : index
          %get3A_596 = tpu.vector_load %arg6[%get3A_594, %get3A_595] {strides = array<i32>} : memref<768x128xf32, #tpu.memory_space<vmem>>, vector<1x16xf32>,
          %get3A_597 = vector.shape_cast %get3A_596 : vector<1x16xf32> to vector<16xf32>
          %add3A_598 = arith.addf %add3A_542, %get3A_597 : vector<16xf32>
          %add3A_599 = arith.constant 1 : i32
          %add3A_600 = arith.addi %add3A_508, %add3A_599 : i32
          %get3A_601 = arith.index_cast %add3A_600 : i32 to index
          %get3A_602 = arith.constant 80 : index
          %get3A_603 = tpu.vector_load %arg6[%get3A_601, %get3A_602] {strides = array<i32>} : memref<768x128xf32, #tpu.memory_space<vmem>>, vector<1x16xf32>,
          %get3A_604 = vector.shape_cast %get3A_603 : vector<1x16xf32> to vector<16xf32>
          %add3A_605 = arith.addf %add3A_549, %get3A_604 : vector<16xf32>
          %add3A_606 = arith.constant 1 : i32
          %add3A_607 = arith.addi %add3A_508, %add3A_606 : i32
          %get3A_608 = arith.index_cast %add3A_607 : i32 to index
          %get3A_609 = arith.constant 96 : index
          %get3A_610 = tpu.vector_load %arg6[%get3A_608, %get3A_609] {strides = array<i32>} : memref<768x128xf32, #tpu.memory_space<vmem>>, vector<1x16xf32>,
          %get3A_611 = vector.shape_cast %get3A_610 : vector<1x16xf32> to vector<16xf32>
          %add3A_612 = arith.addf %add3A_556, %get3A_611 : vector<16xf32>
          %add3A_613 = arith.constant 1 : i32
          %add3A_614 = arith.addi %add3A_508, %add3A_613 : i32
          %get3A_615 = arith.index_cast %add3A_614 : i32 to index
          %get3A_616 = arith.constant 112 : index
          %get3A_617 = tpu.vector_load %arg6[%get3A_615, %get3A_616] {strides = array<i32>} : memref<768x128xf32, #tpu.memory_space<vmem>>, vector<1x16xf32>,
          %get3A_618 = vector.shape_cast %get3A_617 : vector<1x16xf32> to vector<16xf32>
          %add3A_619 = arith.addf %add3A_563, %get3A_618 : vector<16xf32>
          %add3A_620 = arith.constant 2 : i32
          %add3A_621 = arith.addi %add3A_508, %add3A_620 : i32
          %get3A_622 = arith.index_cast %add3A_621 : i32 to index
          %get3A_623 = arith.constant 0 : index
          %get3A_624 = tpu.vector_load %arg6[%get3A_622, %get3A_623] {strides = array<i32>} : memref<768x128xf32, #tpu.memory_space<vmem>>, vector<1x16xf32>,
          %get3A_625 = vector.shape_cast %get3A_624 : vector<1x16xf32> to vector<16xf32>
          %add3A_626 = arith.addf %add3A_570, %get3A_625 : vector<16xf32>
          %add3A_627 = arith.constant 2 : i32
          %add3A_628 = arith.addi %add3A_508, %add3A_627 : i32
          %get3A_629 = arith.index_cast %add3A_628 : i32 to index
          %get3A_630 = arith.constant 16 : index
          %get3A_631 = tpu.vector_load %arg6[%get3A_629, %get3A_630] {strides = array<i32>} : memref<768x128xf32, #tpu.memory_space<vmem>>, vector<1x16xf32>,
          %get3A_632 = vector.shape_cast %get3A_631 : vector<1x16xf32> to vector<16xf32>
          %add3A_633 = arith.addf %add3A_577, %get3A_632 : vector<16xf32>
          %add3A_634 = arith.constant 2 : i32
          %add3A_635 = arith.addi %add3A_508, %add3A_634 : i32
          %get3A_636 = arith.index_cast %add3A_635 : i32 to index
          %get3A_637 = arith.constant 32 : index
          %get3A_638 = tpu.vector_load %arg6[%get3A_636, %get3A_637] {strides = array<i32>} : memref<768x128xf32, #tpu.memory_space<vmem>>, vector<1x16xf32>,
          %get3A_639 = vector.shape_cast %get3A_638 : vector<1x16xf32> to vector<16xf32>
          %add3A_640 = arith.addf %add3A_584, %get3A_639 : vector<16xf32>
          %add3A_641 = arith.constant 2 : i32
          %add3A_642 = arith.addi %add3A_508, %add3A_641 : i32
          %get3A_643 = arith.index_cast %add3A_642 : i32 to index
          %get3A_644 = arith.constant 48 : index
          %get3A_645 = tpu.vector_load %arg6[%get3A_643, %get3A_644] {strides = array<i32>} : memref<768x128xf32, #tpu.memory_space<vmem>>, vector<1x16xf32>,
          %get3A_646 = vector.shape_cast %get3A_645 : vector<1x16xf32> to vector<16xf32>
          %add3A_647 = arith.addf %add3A_591, %get3A_646 : vector<16xf32>
          %add3A_648 = arith.constant 2 : i32
          %add3A_649 = arith.addi %add3A_508, %add3A_648 : i32
          %get3A_650 = arith.index_cast %add3A_649 : i32 to index
          %get3A_651 = arith.constant 64 : index
          %get3A_652 = tpu.vector_load %arg6[%get3A_650, %get3A_651] {strides = array<i32>} : memref<768x128xf32, #tpu.memory_space<vmem>>, vector<1x16xf32>,
          %get3A_653 = vector.shape_cast %get3A_652 : vector<1x16xf32> to vector<16xf32>
          %add3A_654 = arith.addf %add3A_598, %get3A_653 : vector<16xf32>
          %add3A_655 = arith.constant 2 : i32
          %add3A_656 = arith.addi %add3A_508, %add3A_655 : i32
          %get3A_657 = arith.index_cast %add3A_656 : i32 to index
          %get3A_658 = arith.constant 80 : index
          %get3A_659 = tpu.vector_load %arg6[%get3A_657, %get3A_658] {strides = array<i32>} : memref<768x128xf32, #tpu.memory_space<vmem>>, vector<1x16xf32>,
          %get3A_660 = vector.shape_cast %get3A_659 : vector<1x16xf32> to vector<16xf32>
          %add3A_661 = arith.addf %add3A_605, %get3A_660 : vector<16xf32>
          %add3A_662 = arith.constant 2 : i32
          %add3A_663 = arith.addi %add3A_508, %add3A_662 : i32
          %get3A_664 = arith.index_cast %add3A_663 : i32 to index
          %get3A_665 = arith.constant 96 : index
          %get3A_666 = tpu.vector_load %arg6[%get3A_664, %get3A_665] {strides = array<i32>} : memref<768x128xf32, #tpu.memory_space<vmem>>, vector<1x16xf32>,
          %get3A_667 = vector.shape_cast %get3A_666 : vector<1x16xf32> to vector<16xf32>
          %add3A_668 = arith.addf %add3A_612, %get3A_667 : vector<16xf32>
          %add3A_669 = arith.constant 2 : i32
          %add3A_670 = arith.addi %add3A_508, %add3A_669 : i32
          %get3A_671 = arith.index_cast %add3A_670 : i32 to index
          %get3A_672 = arith.constant 112 : index
          %get3A_673 = tpu.vector_load %arg6[%get3A_671, %get3A_672] {strides = array<i32>} : memref<768x128xf32, #tpu.memory_space<vmem>>, vector<1x16xf32>,
          %get3A_674 = vector.shape_cast %get3A_673 : vector<1x16xf32> to vector<16xf32>
          %add3A_675 = arith.addf %add3A_619, %get3A_674 : vector<16xf32>
          %add3A_676 = arith.constant 3 : i32
          %add3A_677 = arith.addi %add3A_508, %add3A_676 : i32
          %get3A_678 = arith.index_cast %add3A_677 : i32 to index
          %get3A_679 = arith.constant 0 : index
          %get3A_680 = tpu.vector_load %arg6[%get3A_678, %get3A_679] {strides = array<i32>} : memref<768x128xf32, #tpu.memory_space<vmem>>, vector<1x16xf32>,
          %get3A_681 = vector.shape_cast %get3A_680 : vector<1x16xf32> to vector<16xf32>
          %add3A_682 = arith.addf %add3A_626, %get3A_681 : vector<16xf32>
          %add3A_683 = arith.constant 3 : i32
          %add3A_684 = arith.addi %add3A_508, %add3A_683 : i32
          %get3A_685 = arith.index_cast %add3A_684 : i32 to index
          %get3A_686 = arith.constant 16 : index
          %get3A_687 = tpu.vector_load %arg6[%get3A_685, %get3A_686] {strides = array<i32>} : memref<768x128xf32, #tpu.memory_space<vmem>>, vector<1x16xf32>,
          %get3A_688 = vector.shape_cast %get3A_687 : vector<1x16xf32> to vector<16xf32>
          %add3A_689 = arith.addf %add3A_633, %get3A_688 : vector<16xf32>
          %add3A_690 = arith.constant 3 : i32
          %add3A_691 = arith.addi %add3A_508, %add3A_690 : i32
          %get3A_692 = arith.index_cast %add3A_691 : i32 to index
          %get3A_693 = arith.constant 32 : index
          %get3A_694 = tpu.vector_load %arg6[%get3A_692, %get3A_693] {strides = array<i32>} : memref<768x128xf32, #tpu.memory_space<vmem>>, vector<1x16xf32>,
          %get3A_695 = vector.shape_cast %get3A_694 : vector<1x16xf32> to vector<16xf32>
          %add3A_696 = arith.addf %add3A_640, %get3A_695 : vector<16xf32>
          %add3A_697 = arith.constant 3 : i32
          %add3A_698 = arith.addi %add3A_508, %add3A_697 : i32
          %get3A_699 = arith.index_cast %add3A_698 : i32 to index
          %get3A_700 = arith.constant 48 : index
          %get3A_701 = tpu.vector_load %arg6[%get3A_699, %get3A_700] {strides = array<i32>} : memref<768x128xf32, #tpu.memory_space<vmem>>, vector<1x16xf32>,
          %get3A_702 = vector.shape_cast %get3A_701 : vector<1x16xf32> to vector<16xf32>
          %add3A_703 = arith.addf %add3A_647, %get3A_702 : vector<16xf32>
          %add3A_704 = arith.constant 3 : i32
          %add3A_705 = arith.addi %add3A_508, %add3A_704 : i32
          %get3A_706 = arith.index_cast %add3A_705 : i32 to index
          %get3A_707 = arith.constant 64 : index
          %get3A_708 = tpu.vector_load %arg6[%get3A_706, %get3A_707] {strides = array<i32>} : memref<768x128xf32, #tpu.memory_space<vmem>>, vector<1x16xf32>,
          %get3A_709 = vector.shape_cast %get3A_708 : vector<1x16xf32> to vector<16xf32>
          %add3A_710 = arith.addf %add3A_654, %get3A_709 : vector<16xf32>
          %add3A_711 = arith.constant 3 : i32
          %add3A_712 = arith.addi %add3A_508, %add3A_711 : i32
          %get3A_713 = arith.index_cast %add3A_712 : i32 to index
          %get3A_714 = arith.constant 80 : index
          %get3A_715 = tpu.vector_load %arg6[%get3A_713, %get3A_714] {strides = array<i32>} : memref<768x128xf32, #tpu.memory_space<vmem>>, vector<1x16xf32>,
          %get3A_716 = vector.shape_cast %get3A_715 : vector<1x16xf32> to vector<16xf32>
          %add3A_717 = arith.addf %add3A_661, %get3A_716 : vector<16xf32>
          %add3A_718 = arith.constant 3 : i32
          %add3A_719 = arith.addi %add3A_508, %add3A_718 : i32
          %get3A_720 = arith.index_cast %add3A_719 : i32 to index
          %get3A_721 = arith.constant 96 : index
          %get3A_722 = tpu.vector_load %arg6[%get3A_720, %get3A_721] {strides = array<i32>} : memref<768x128xf32, #tpu.memory_space<vmem>>, vector<1x16xf32>,
          %get3A_723 = vector.shape_cast %get3A_722 : vector<1x16xf32> to vector<16xf32>
          %add3A_724 = arith.addf %add3A_668, %get3A_723 : vector<16xf32>
          %add3A_725 = arith.constant 3 : i32
          %add3A_726 = arith.addi %add3A_508, %add3A_725 : i32
          %get3A_727 = arith.index_cast %add3A_726 : i32 to index
          %get3A_728 = arith.constant 112 : index
          %get3A_729 = tpu.vector_load %arg6[%get3A_727, %get3A_728] {strides = array<i32>} : memref<768x128xf32, #tpu.memory_space<vmem>>, vector<1x16xf32>,
          %get3A_730 = vector.shape_cast %get3A_729 : vector<1x16xf32> to vector<16xf32>
          %add3A_731 = arith.addf %add3A_675, %get3A_730 : vector<16xf32>
          %add3A_732 = arith.constant 4 : i32
          %add3A_733 = arith.addi %add3A_508, %add3A_732 : i32
          %get3A_734 = arith.index_cast %add3A_733 : i32 to index
          %get3A_735 = arith.constant 0 : index
          %get3A_736 = tpu.vector_load %arg6[%get3A_734, %get3A_735] {strides = array<i32>} : memref<768x128xf32, #tpu.memory_space<vmem>>, vector<1x16xf32>,
          %get3A_737 = vector.shape_cast %get3A_736 : vector<1x16xf32> to vector<16xf32>
          %add3A_738 = arith.addf %add3A_682, %get3A_737 : vector<16xf32>
          %add3A_739 = arith.constant 4 : i32
          %add3A_740 = arith.addi %add3A_508, %add3A_739 : i32
          %get3A_741 = arith.index_cast %add3A_740 : i32 to index
          %get3A_742 = arith.constant 16 : index
          %get3A_743 = tpu.vector_load %arg6[%get3A_741, %get3A_742] {strides = array<i32>} : memref<768x128xf32, #tpu.memory_space<vmem>>, vector<1x16xf32>,
          %get3A_744 = vector.shape_cast %get3A_743 : vector<1x16xf32> to vector<16xf32>
          %add3A_745 = arith.addf %add3A_689, %get3A_744 : vector<16xf32>
          %add3A_746 = arith.constant 4 : i32
          %add3A_747 = arith.addi %add3A_508, %add3A_746 : i32
          %get3A_748 = arith.index_cast %add3A_747 : i32 to index
          %get3A_749 = arith.constant 32 : index
          %get3A_750 = tpu.vector_load %arg6[%get3A_748, %get3A_749] {strides = array<i32>} : memref<768x128xf32, #tpu.memory_space<vmem>>, vector<1x16xf32>,
          %get3A_751 = vector.shape_cast %get3A_750 : vector<1x16xf32> to vector<16xf32>
          %add3A_752 = arith.addf %add3A_696, %get3A_751 : vector<16xf32>
          %add3A_753 = arith.constant 4 : i32
          %add3A_754 = arith.addi %add3A_508, %add3A_753 : i32
          %get3A_755 = arith.index_cast %add3A_754 : i32 to index
          %get3A_756 = arith.constant 48 : index
          %get3A_757 = tpu.vector_load %arg6[%get3A_755, %get3A_756] {strides = array<i32>} : memref<768x128xf32, #tpu.memory_space<vmem>>, vector<1x16xf32>,
          %get3A_758 = vector.shape_cast %get3A_757 : vector<1x16xf32> to vector<16xf32>
          %add3A_759 = arith.addf %add3A_703, %get3A_758 : vector<16xf32>
          %add3A_760 = arith.constant 4 : i32
          %add3A_761 = arith.addi %add3A_508, %add3A_760 : i32
          %get3A_762 = arith.index_cast %add3A_761 : i32 to index
          %get3A_763 = arith.constant 64 : index
          %get3A_764 = tpu.vector_load %arg6[%get3A_762, %get3A_763] {strides = array<i32>} : memref<768x128xf32, #tpu.memory_space<vmem>>, vector<1x16xf32>,
          %get3A_765 = vector.shape_cast %get3A_764 : vector<1x16xf32> to vector<16xf32>
          %add3A_766 = arith.addf %add3A_710, %get3A_765 : vector<16xf32>
          %add3A_767 = arith.constant 4 : i32
          %add3A_768 = arith.addi %add3A_508, %add3A_767 : i32
          %get3A_769 = arith.index_cast %add3A_768 : i32 to index
          %get3A_770 = arith.constant 80 : index
          %get3A_771 = tpu.vector_load %arg6[%get3A_769, %get3A_770] {strides = array<i32>} : memref<768x128xf32, #tpu.memory_space<vmem>>, vector<1x16xf32>,
          %get3A_772 = vector.shape_cast %get3A_771 : vector<1x16xf32> to vector<16xf32>
          %add3A_773 = arith.addf %add3A_717, %get3A_772 : vector<16xf32>
          %add3A_774 = arith.constant 4 : i32
          %add3A_775 = arith.addi %add3A_508, %add3A_774 : i32
          %get3A_776 = arith.index_cast %add3A_775 : i32 to index
          %get3A_777 = arith.constant 96 : index
          %get3A_778 = tpu.vector_load %arg6[%get3A_776, %get3A_777] {strides = array<i32>} : memref<768x128xf32, #tpu.memory_space<vmem>>, vector<1x16xf32>,
          %get3A_779 = vector.shape_cast %get3A_778 : vector<1x16xf32> to vector<16xf32>
          %add3A_780 = arith.addf %add3A_724, %get3A_779 : vector<16xf32>
          %add3A_781 = arith.constant 4 : i32
          %add3A_782 = arith.addi %add3A_508, %add3A_781 : i32
          %get3A_783 = arith.index_cast %add3A_782 : i32 to index
          %get3A_784 = arith.constant 112 : index
          %get3A_785 = tpu.vector_load %arg6[%get3A_783, %get3A_784] {strides = array<i32>} : memref<768x128xf32, #tpu.memory_space<vmem>>, vector<1x16xf32>,
          %get3A_786 = vector.shape_cast %get3A_785 : vector<1x16xf32> to vector<16xf32>
          %add3A_787 = arith.addf %add3A_731, %get3A_786 : vector<16xf32>
          %add3A_788 = arith.constant 5 : i32
          %add3A_789 = arith.addi %add3A_508, %add3A_788 : i32
          %get3A_790 = arith.index_cast %add3A_789 : i32 to index
          %get3A_791 = arith.constant 0 : index
          %get3A_792 = tpu.vector_load %arg6[%get3A_790, %get3A_791] {strides = array<i32>} : memref<768x128xf32, #tpu.memory_space<vmem>>, vector<1x16xf32>,
          %get3A_793 = vector.shape_cast %get3A_792 : vector<1x16xf32> to vector<16xf32>
          %add3A_794 = arith.addf %add3A_738, %get3A_793 : vector<16xf32>
          %add3A_795 = arith.constant 5 : i32
          %add3A_796 = arith.addi %add3A_508, %add3A_795 : i32
          %get3A_797 = arith.index_cast %add3A_796 : i32 to index
          %get3A_798 = arith.constant 16 : index
          %get3A_799 = tpu.vector_load %arg6[%get3A_797, %get3A_798] {strides = array<i32>} : memref<768x128xf32, #tpu.memory_space<vmem>>, vector<1x16xf32>,
          %get3A_800 = vector.shape_cast %get3A_799 : vector<1x16xf32> to vector<16xf32>
          %add3A_801 = arith.addf %add3A_745, %get3A_800 : vector<16xf32>
          %add3A_802 = arith.constant 5 : i32
          %add3A_803 = arith.addi %add3A_508, %add3A_802 : i32
          %get3A_804 = arith.index_cast %add3A_803 : i32 to index
          %get3A_805 = arith.constant 32 : index
          %get3A_806 = tpu.vector_load %arg6[%get3A_804, %get3A_805] {strides = array<i32>} : memref<768x128xf32, #tpu.memory_space<vmem>>, vector<1x16xf32>,
          %get3A_807 = vector.shape_cast %get3A_806 : vector<1x16xf32> to vector<16xf32>
          %add3A_808 = arith.addf %add3A_752, %get3A_807 : vector<16xf32>
          %add3A_809 = arith.constant 5 : i32
          %add3A_810 = arith.addi %add3A_508, %add3A_809 : i32
          %get3A_811 = arith.index_cast %add3A_810 : i32 to index
          %get3A_812 = arith.constant 48 : index
          %get3A_813 = tpu.vector_load %arg6[%get3A_811, %get3A_812] {strides = array<i32>} : memref<768x128xf32, #tpu.memory_space<vmem>>, vector<1x16xf32>,
          %get3A_814 = vector.shape_cast %get3A_813 : vector<1x16xf32> to vector<16xf32>
          %add3A_815 = arith.addf %add3A_759, %get3A_814 : vector<16xf32>
          %add3A_816 = arith.constant 5 : i32
          %add3A_817 = arith.addi %add3A_508, %add3A_816 : i32
          %get3A_818 = arith.index_cast %add3A_817 : i32 to index
          %get3A_819 = arith.constant 64 : index
          %get3A_820 = tpu.vector_load %arg6[%get3A_818, %get3A_819] {strides = array<i32>} : memref<768x128xf32, #tpu.memory_space<vmem>>, vector<1x16xf32>,
          %get3A_821 = vector.shape_cast %get3A_820 : vector<1x16xf32> to vector<16xf32>
          %add3A_822 = arith.addf %add3A_766, %get3A_821 : vector<16xf32>
          %add3A_823 = arith.constant 5 : i32
          %add3A_824 = arith.addi %add3A_508, %add3A_823 : i32
          %get3A_825 = arith.index_cast %add3A_824 : i32 to index
          %get3A_826 = arith.constant 80 : index
          %get3A_827 = tpu.vector_load %arg6[%get3A_825, %get3A_826] {strides = array<i32>} : memref<768x128xf32, #tpu.memory_space<vmem>>, vector<1x16xf32>,
          %get3A_828 = vector.shape_cast %get3A_827 : vector<1x16xf32> to vector<16xf32>
          %add3A_829 = arith.addf %add3A_773, %get3A_828 : vector<16xf32>
          %add3A_830 = arith.constant 5 : i32
          %add3A_831 = arith.addi %add3A_508, %add3A_830 : i32
          %get3A_832 = arith.index_cast %add3A_831 : i32 to index
          %get3A_833 = arith.constant 96 : index
          %get3A_834 = tpu.vector_load %arg6[%get3A_832, %get3A_833] {strides = array<i32>} : memref<768x128xf32, #tpu.memory_space<vmem>>, vector<1x16xf32>,
          %get3A_835 = vector.shape_cast %get3A_834 : vector<1x16xf32> to vector<16xf32>
          %add3A_836 = arith.addf %add3A_780, %get3A_835 : vector<16xf32>
          %add3A_837 = arith.constant 5 : i32
          %add3A_838 = arith.addi %add3A_508, %add3A_837 : i32
          %get3A_839 = arith.index_cast %add3A_838 : i32 to index
          %get3A_840 = arith.constant 112 : index
          %get3A_841 = tpu.vector_load %arg6[%get3A_839, %get3A_840] {strides = array<i32>} : memref<768x128xf32, #tpu.memory_space<vmem>>, vector<1x16xf32>,
          %get3A_842 = vector.shape_cast %get3A_841 : vector<1x16xf32> to vector<16xf32>
          %add3A_843 = arith.addf %add3A_787, %get3A_842 : vector<16xf32>
          %add3A_844 = arith.constant 6 : i32
          %add3A_845 = arith.addi %add3A_508, %add3A_844 : i32
          %get3A_846 = arith.index_cast %add3A_845 : i32 to index
          %get3A_847 = arith.constant 0 : index
          %get3A_848 = tpu.vector_load %arg6[%get3A_846, %get3A_847] {strides = array<i32>} : memref<768x128xf32, #tpu.memory_space<vmem>>, vector<1x16xf32>,
          %get3A_849 = vector.shape_cast %get3A_848 : vector<1x16xf32> to vector<16xf32>
          %add3A_850 = arith.addf %add3A_794, %get3A_849 : vector<16xf32>
          %add3A_851 = arith.constant 6 : i32
          %add3A_852 = arith.addi %add3A_508, %add3A_851 : i32
          %get3A_853 = arith.index_cast %add3A_852 : i32 to index
          %get3A_854 = arith.constant 16 : index
          %get3A_855 = tpu.vector_load %arg6[%get3A_853, %get3A_854] {strides = array<i32>} : memref<768x128xf32, #tpu.memory_space<vmem>>, vector<1x16xf32>,
          %get3A_856 = vector.shape_cast %get3A_855 : vector<1x16xf32> to vector<16xf32>
          %add3A_857 = arith.addf %add3A_801, %get3A_856 : vector<16xf32>
          %add3A_858 = arith.constant 6 : i32
          %add3A_859 = arith.addi %add3A_508, %add3A_858 : i32
          %get3A_860 = arith.index_cast %add3A_859 : i32 to index
          %get3A_861 = arith.constant 32 : index
          %get3A_862 = tpu.vector_load %arg6[%get3A_860, %get3A_861] {strides = array<i32>} : memref<768x128xf32, #tpu.memory_space<vmem>>, vector<1x16xf32>,
          %get3A_863 = vector.shape_cast %get3A_862 : vector<1x16xf32> to vector<16xf32>
          %add3A_864 = arith.addf %add3A_808, %get3A_863 : vector<16xf32>
          %add3A_865 = arith.constant 6 : i32
          %add3A_866 = arith.addi %add3A_508, %add3A_865 : i32
          %get3A_867 = arith.index_cast %add3A_866 : i32 to index
          %get3A_868 = arith.constant 48 : index
          %get3A_869 = tpu.vector_load %arg6[%get3A_867, %get3A_868] {strides = array<i32>} : memref<768x128xf32, #tpu.memory_space<vmem>>, vector<1x16xf32>,
          %get3A_870 = vector.shape_cast %get3A_869 : vector<1x16xf32> to vector<16xf32>
          %add3A_871 = arith.addf %add3A_815, %get3A_870 : vector<16xf32>
          %add3A_872 = arith.constant 6 : i32
          %add3A_873 = arith.addi %add3A_508, %add3A_872 : i32
          %get3A_874 = arith.index_cast %add3A_873 : i32 to index
          %get3A_875 = arith.constant 64 : index
          %get3A_876 = tpu.vector_load %arg6[%get3A_874, %get3A_875] {strides = array<i32>} : memref<768x128xf32, #tpu.memory_space<vmem>>, vector<1x16xf32>,
          %get3A_877 = vector.shape_cast %get3A_876 : vector<1x16xf32> to vector<16xf32>
          %add3A_878 = arith.addf %add3A_822, %get3A_877 : vector<16xf32>
          %add3A_879 = arith.constant 6 : i32
          %add3A_880 = arith.addi %add3A_508, %add3A_879 : i32
          %get3A_881 = arith.index_cast %add3A_880 : i32 to index
          %get3A_882 = arith.constant 80 : index
          %get3A_883 = tpu.vector_load %arg6[%get3A_881, %get3A_882] {strides = array<i32>} : memref<768x128xf32, #tpu.memory_space<vmem>>, vector<1x16xf32>,
          %get3A_884 = vector.shape_cast %get3A_883 : vector<1x16xf32> to vector<16xf32>
          %add3A_885 = arith.addf %add3A_829, %get3A_884 : vector<16xf32>
          %add3A_886 = arith.constant 6 : i32
          %add3A_887 = arith.addi %add3A_508, %add3A_886 : i32
          %get3A_888 = arith.index_cast %add3A_887 : i32 to index
          %get3A_889 = arith.constant 96 : index
          %get3A_890 = tpu.vector_load %arg6[%get3A_888, %get3A_889] {strides = array<i32>} : memref<768x128xf32, #tpu.memory_space<vmem>>, vector<1x16xf32>,
          %get3A_891 = vector.shape_cast %get3A_890 : vector<1x16xf32> to vector<16xf32>
          %add3A_892 = arith.addf %add3A_836, %get3A_891 : vector<16xf32>
          %add3A_893 = arith.constant 6 : i32
          %add3A_894 = arith.addi %add3A_508, %add3A_893 : i32
          %get3A_895 = arith.index_cast %add3A_894 : i32 to index
          %get3A_896 = arith.constant 112 : index
          %get3A_897 = tpu.vector_load %arg6[%get3A_895, %get3A_896] {strides = array<i32>} : memref<768x128xf32, #tpu.memory_space<vmem>>, vector<1x16xf32>,
          %get3A_898 = vector.shape_cast %get3A_897 : vector<1x16xf32> to vector<16xf32>
          %add3A_899 = arith.addf %add3A_843, %get3A_898 : vector<16xf32>
          %add3A_900 = arith.constant 7 : i32
          %add3A_901 = arith.addi %add3A_508, %add3A_900 : i32
          %get3A_902 = arith.index_cast %add3A_901 : i32 to index
          %get3A_903 = arith.constant 0 : index
          %get3A_904 = tpu.vector_load %arg6[%get3A_902, %get3A_903] {strides = array<i32>} : memref<768x128xf32, #tpu.memory_space<vmem>>, vector<1x16xf32>,
          %get3A_905 = vector.shape_cast %get3A_904 : vector<1x16xf32> to vector<16xf32>
          %add3A_906 = arith.addf %add3A_850, %get3A_905 : vector<16xf32>
          %add3A_907 = arith.constant 7 : i32
          %add3A_908 = arith.addi %add3A_508, %add3A_907 : i32
          %get3A_909 = arith.index_cast %add3A_908 : i32 to index
          %get3A_910 = arith.constant 16 : index
          %get3A_911 = tpu.vector_load %arg6[%get3A_909, %get3A_910] {strides = array<i32>} : memref<768x128xf32, #tpu.memory_space<vmem>>, vector<1x16xf32>,
          %get3A_912 = vector.shape_cast %get3A_911 : vector<1x16xf32> to vector<16xf32>
          %add3A_913 = arith.addf %add3A_857, %get3A_912 : vector<16xf32>
          %add3A_914 = arith.constant 7 : i32
          %add3A_915 = arith.addi %add3A_508, %add3A_914 : i32
          %get3A_916 = arith.index_cast %add3A_915 : i32 to index
          %get3A_917 = arith.constant 32 : index
          %get3A_918 = tpu.vector_load %arg6[%get3A_916, %get3A_917] {strides = array<i32>} : memref<768x128xf32, #tpu.memory_space<vmem>>, vector<1x16xf32>,
          %get3A_919 = vector.shape_cast %get3A_918 : vector<1x16xf32> to vector<16xf32>
          %add3A_920 = arith.addf %add3A_864, %get3A_919 : vector<16xf32>
          %add3A_921 = arith.constant 7 : i32
          %add3A_922 = arith.addi %add3A_508, %add3A_921 : i32
          %get3A_923 = arith.index_cast %add3A_922 : i32 to index
          %get3A_924 = arith.constant 48 : index
          %get3A_925 = tpu.vector_load %arg6[%get3A_923, %get3A_924] {strides = array<i32>} : memref<768x128xf32, #tpu.memory_space<vmem>>, vector<1x16xf32>,
          %get3A_926 = vector.shape_cast %get3A_925 : vector<1x16xf32> to vector<16xf32>
          %add3A_927 = arith.addf %add3A_871, %get3A_926 : vector<16xf32>
          %add3A_928 = arith.constant 7 : i32
          %add3A_929 = arith.addi %add3A_508, %add3A_928 : i32
          %get3A_930 = arith.index_cast %add3A_929 : i32 to index
          %get3A_931 = arith.constant 64 : index
          %get3A_932 = tpu.vector_load %arg6[%get3A_930, %get3A_931] {strides = array<i32>} : memref<768x128xf32, #tpu.memory_space<vmem>>, vector<1x16xf32>,
          %get3A_933 = vector.shape_cast %get3A_932 : vector<1x16xf32> to vector<16xf32>
          %add3A_934 = arith.addf %add3A_878, %get3A_933 : vector<16xf32>
          %add3A_935 = arith.constant 7 : i32
          %add3A_936 = arith.addi %add3A_508, %add3A_935 : i32
          %get3A_937 = arith.index_cast %add3A_936 : i32 to index
          %get3A_938 = arith.constant 80 : index
          %get3A_939 = tpu.vector_load %arg6[%get3A_937, %get3A_938] {strides = array<i32>} : memref<768x128xf32, #tpu.memory_space<vmem>>, vector<1x16xf32>,
          %get3A_940 = vector.shape_cast %get3A_939 : vector<1x16xf32> to vector<16xf32>
          %add3A_941 = arith.addf %add3A_885, %get3A_940 : vector<16xf32>
          %add3A_942 = arith.constant 7 : i32
          %add3A_943 = arith.addi %add3A_508, %add3A_942 : i32
          %get3A_944 = arith.index_cast %add3A_943 : i32 to index
          %get3A_945 = arith.constant 96 : index
          %get3A_946 = tpu.vector_load %arg6[%get3A_944, %get3A_945] {strides = array<i32>} : memref<768x128xf32, #tpu.memory_space<vmem>>, vector<1x16xf32>,
          %get3A_947 = vector.shape_cast %get3A_946 : vector<1x16xf32> to vector<16xf32>
          %add3A_948 = arith.addf %add3A_892, %get3A_947 : vector<16xf32>
          %add3A_949 = arith.constant 7 : i32
          %add3A_950 = arith.addi %add3A_508, %add3A_949 : i32
          %get3A_951 = arith.index_cast %add3A_950 : i32 to index
          %get3A_952 = arith.constant 112 : index
          %get3A_953 = tpu.vector_load %arg6[%get3A_951, %get3A_952] {strides = array<i32>} : memref<768x128xf32, #tpu.memory_space<vmem>>, vector<1x16xf32>,
          %get3A_954 = vector.shape_cast %get3A_953 : vector<1x16xf32> to vector<16xf32>
          %add3A_955 = arith.addf %add3A_899, %get3A_954 : vector<16xf32>
          scf.yield %add3A_906, %add3A_913, %add3A_920, %add3A_927, %add3A_934, %add3A_941, %add3A_948, %add3A_955 : vector<16xf32>, vector<16xf32>, vector<16xf32>, vector<16xf32>, vector<16xf32>, vector<16xf32>, vector<16xf32>, vector<16xf32>
        }
        %scan3A_416 = arith.constant 4 : i32
        %mul3A_417 = arith.constant 3.125000e-02 : f32
        %mul3A_418 = vector.broadcast %mul3A_417 : f32 to vector<16xf32>
        %mul3A_419 = arith.mulf %scan3A_415#0, %mul3A_418 : vector<16xf32>
        %add3A_420 = arith.constant 0 : i32
        %add3A_421 = arith.addi %add3A_420, %scan3A_404 : i32
        %swap3A = arith.index_cast %add3A_421 : i32 to index
        %swap3A_422 = arith.constant 0 : index
        %swap3A_423 = tpu.vector_load %arg7[%swap3A, %swap3A_422] {strides = array<i32>} : memref<24x128xf32, #tpu.memory_space<vmem>>, vector<1x16xf32>,
        %swap3A_424 = vector.shape_cast %swap3A_423 : vector<1x16xf32> to vector<16xf32>
        %swap3A_425 = vector.shape_cast %mul3A_419 : vector<16xf32> to vector<1x16xf32>
        tpu.vector_store %arg7[%swap3A, %swap3A_422], %swap3A_425 {strides = array<i32>} : memref<24x128xf32, #tpu.memory_space<vmem>>, vector<1x16xf32>,
        %mul3A_426 = arith.constant 3.125000e-02 : f32
        %mul3A_427 = vector.broadcast %mul3A_426 : f32 to vector<16xf32>
        %mul3A_428 = arith.mulf %scan3A_415#1, %mul3A_427 : vector<16xf32>
        %add3A_429 = arith.constant 0 : i32
        %add3A_430 = arith.addi %add3A_429, %scan3A_404 : i32
        %swap3A_431 = arith.index_cast %add3A_430 : i32 to index
        %swap3A_432 = arith.constant 16 : index
        %swap3A_433 = tpu.vector_load %arg7[%swap3A_431, %swap3A_432] {strides = array<i32>} : memref<24x128xf32, #tpu.memory_space<vmem>>, vector<1x16xf32>,
        %swap3A_434 = vector.shape_cast %swap3A_433 : vector<1x16xf32> to vector<16xf32>
        %swap3A_435 = vector.shape_cast %mul3A_428 : vector<16xf32> to vector<1x16xf32>
        tpu.vector_store %arg7[%swap3A_431, %swap3A_432], %swap3A_435 {strides = array<i32>} : memref<24x128xf32, #tpu.memory_space<vmem>>, vector<1x16xf32>,
        %mul3A_436 = arith.constant 3.125000e-02 : f32
        %mul3A_437 = vector.broadcast %mul3A_436 : f32 to vector<16xf32>
        %mul3A_438 = arith.mulf %scan3A_415#2, %mul3A_437 : vector<16xf32>
        %add3A_439 = arith.constant 0 : i32
        %add3A_440 = arith.addi %add3A_439, %scan3A_404 : i32
        %swap3A_441 = arith.index_cast %add3A_440 : i32 to index
        %swap3A_442 = arith.constant 32 : index
        %swap3A_443 = tpu.vector_load %arg7[%swap3A_441, %swap3A_442] {strides = array<i32>} : memref<24x128xf32, #tpu.memory_space<vmem>>, vector<1x16xf32>,
        %swap3A_444 = vector.shape_cast %swap3A_443 : vector<1x16xf32> to vector<16xf32>
        %swap3A_445 = vector.shape_cast %mul3A_438 : vector<16xf32> to vector<1x16xf32>
        tpu.vector_store %arg7[%swap3A_441, %swap3A_442], %swap3A_445 {strides = array<i32>} : memref<24x128xf32, #tpu.memory_space<vmem>>, vector<1x16xf32>,
        %mul3A_446 = arith.constant 3.125000e-02 : f32
        %mul3A_447 = vector.broadcast %mul3A_446 : f32 to vector<16xf32>
        %mul3A_448 = arith.mulf %scan3A_415#3, %mul3A_447 : vector<16xf32>
        %add3A_449 = arith.constant 0 : i32
        %add3A_450 = arith.addi %add3A_449, %scan3A_404 : i32
        %swap3A_451 = arith.index_cast %add3A_450 : i32 to index
        %swap3A_452 = arith.constant 48 : index
        %swap3A_453 = tpu.vector_load %arg7[%swap3A_451, %swap3A_452] {strides = array<i32>} : memref<24x128xf32, #tpu.memory_space<vmem>>, vector<1x16xf32>,
        %swap3A_454 = vector.shape_cast %swap3A_453 : vector<1x16xf32> to vector<16xf32>
        %swap3A_455 = vector.shape_cast %mul3A_448 : vector<16xf32> to vector<1x16xf32>
        tpu.vector_store %arg7[%swap3A_451, %swap3A_452], %swap3A_455 {strides = array<i32>} : memref<24x128xf32, #tpu.memory_space<vmem>>, vector<1x16xf32>,
        %mul3A_456 = arith.constant 3.125000e-02 : f32
        %mul3A_457 = vector.broadcast %mul3A_456 : f32 to vector<16xf32>
        %mul3A_458 = arith.mulf %scan3A_415#4, %mul3A_457 : vector<16xf32>
        %add3A_459 = arith.constant 0 : i32
        %add3A_460 = arith.addi %add3A_459, %scan3A_404 : i32
        %swap3A_461 = arith.index_cast %add3A_460 : i32 to index
        %swap3A_462 = arith.constant 64 : index
        %swap3A_463 = tpu.vector_load %arg7[%swap3A_461, %swap3A_462] {strides = array<i32>} : memref<24x128xf32, #tpu.memory_space<vmem>>, vector<1x16xf32>,
        %swap3A_464 = vector.shape_cast %swap3A_463 : vector<1x16xf32> to vector<16xf32>
        %swap3A_465 = vector.shape_cast %mul3A_458 : vector<16xf32> to vector<1x16xf32>
        tpu.vector_store %arg7[%swap3A_461, %swap3A_462], %swap3A_465 {strides = array<i32>} : memref<24x128xf32, #tpu.memory_space<vmem>>, vector<1x16xf32>,
        %mul3A_466 = arith.constant 3.125000e-02 : f32
        %mul3A_467 = vector.broadcast %mul3A_466 : f32 to vector<16xf32>
        %mul3A_468 = arith.mulf %scan3A_415#5, %mul3A_467 : vector<16xf32>
        %add3A_469 = arith.constant 0 : i32
        %add3A_470 = arith.addi %add3A_469, %scan3A_404 : i32
        %swap3A_471 = arith.index_cast %add3A_470 : i32 to index
        %swap3A_472 = arith.constant 80 : index
        %swap3A_473 = tpu.vector_load %arg7[%swap3A_471, %swap3A_472] {strides = array<i32>} : memref<24x128xf32, #tpu.memory_space<vmem>>, vector<1x16xf32>,
        %swap3A_474 = vector.shape_cast %swap3A_473 : vector<1x16xf32> to vector<16xf32>
        %swap3A_475 = vector.shape_cast %mul3A_468 : vector<16xf32> to vector<1x16xf32>
        tpu.vector_store %arg7[%swap3A_471, %swap3A_472], %swap3A_475 {strides = array<i32>} : memref<24x128xf32, #tpu.memory_space<vmem>>, vector<1x16xf32>,
        %mul3A_476 = arith.constant 3.125000e-02 : f32
        %mul3A_477 = vector.broadcast %mul3A_476 : f32 to vector<16xf32>
        %mul3A_478 = arith.mulf %scan3A_415#6, %mul3A_477 : vector<16xf32>
        %add3A_479 = arith.constant 0 : i32
        %add3A_480 = arith.addi %add3A_479, %scan3A_404 : i32
        %swap3A_481 = arith.index_cast %add3A_480 : i32 to index
        %swap3A_482 = arith.constant 96 : index
        %swap3A_483 = tpu.vector_load %arg7[%swap3A_481, %swap3A_482] {strides = array<i32>} : memref<24x128xf32, #tpu.memory_space<vmem>>, vector<1x16xf32>,
        %swap3A_484 = vector.shape_cast %swap3A_483 : vector<1x16xf32> to vector<16xf32>
        %swap3A_485 = vector.shape_cast %mul3A_478 : vector<16xf32> to vector<1x16xf32>
        tpu.vector_store %arg7[%swap3A_481, %swap3A_482], %swap3A_485 {strides = array<i32>} : memref<24x128xf32, #tpu.memory_space<vmem>>, vector<1x16xf32>,
        %mul3A_486 = arith.constant 3.125000e-02 : f32
        %mul3A_487 = vector.broadcast %mul3A_486 : f32 to vector<16xf32>
        %mul3A_488 = arith.mulf %scan3A_415#7, %mul3A_487 : vector<16xf32>
        %add3A_489 = arith.constant 0 : i32
        %add3A_490 = arith.addi %add3A_489, %scan3A_404 : i32
        %swap3A_491 = arith.index_cast %add3A_490 : i32 to index
        %swap3A_492 = arith.constant 112 : index
        %swap3A_493 = tpu.vector_load %arg7[%swap3A_491, %swap3A_492] {strides = array<i32>} : memref<24x128xf32, #tpu.memory_space<vmem>>, vector<1x16xf32>,
        %swap3A_494 = vector.shape_cast %swap3A_493 : vector<1x16xf32> to vector<16xf32>
        %swap3A_495 = vector.shape_cast %mul3A_488 : vector<16xf32> to vector<1x16xf32>
        tpu.vector_store %arg7[%swap3A_491, %swap3A_492], %swap3A_495 {strides = array<i32>} : memref<24x128xf32, #tpu.memory_space<vmem>>, vector<1x16xf32>,
        %scan3A_496 = arith.constant 0 : i32
        scf.yield %scan3A_496 : i32
      }
      %scan3A_225 = arith.constant 8 : i32
      %mul3A_226 = arith.constant 512 : i32
      %mul3A_227 = arith.muli %add3A, %mul3A_226 : i32
      %mul3A_228 = arith.constant 8 : i32
      %mul3A_229 = arith.muli %add3A_154, %mul3A_228 : i32
      %add3A_230 = arith.addi %mul3A_227, %mul3A_229 : i32
      %multiple_of3A_231 = tpu.assume_multiple %add3A_230, 8 : i32
      %dma_start3A_232 = arith.constant 0 : i32
      %dma_start3A_233 = arith.constant 0 : i32
      %dma_start3A_234 = tpu.memref_slice %arg7[%dma_start3A_232, %dma_start3A_233] : memref<24x128xf32, #tpu.memory_space<vmem>> -> memref<8x128xf32, #tpu.memory_space<vmem>>
      %dma_start3A_235 = arith.constant 0 : i32
      %dma_start3A_236 = tpu.memref_slice %arg4[%multiple_of3A_231, %dma_start3A_235] : memref<16384x128xf32, #tpu.memory_space<hbm>> -> memref<8x128xf32, #tpu.memory_space<hbm>>
      %dma_start3A_237 = arith.constant 0 : i32
      %dma_start3A_238 = tpu.memref_slice %arg4[%multiple_of3A_231, %dma_start3A_237] : memref<16384x128xf32, #tpu.memory_space<hbm>> -> memref<8x128xf32, #tpu.memory_space<hbm>>
      %dma_start3A_239 = arith.constant 0 : i32
      %dma_start3A_240 = arith.constant 0 : i32
      %dma_start3A_241 = tpu.memref_slice %arg7[%dma_start3A_239, %dma_start3A_240] : memref<24x128xf32, #tpu.memory_space<vmem>> -> memref<8x128xf32, #tpu.memory_space<vmem>>
      tpu.enqueue_dma source(%dma_start3A_241 : memref<8x128xf32, #tpu.memory_space<vmem>>) target(%dma_start3A_238 : memref<8x128xf32, #tpu.memory_space<hbm>>) target_semaphore(%arg11 : memref<!tpu.dma_semaphore, #tpu.memory_space<semaphore_mem>>)
      %mul3A_242 = arith.constant 3 : i32
      %mul3A_243 = arith.muli %scan3A_149, %mul3A_242 : i32
      %add3A_244 = arith.constant 1 : i32
      %add3A_245 = arith.addi %mul3A_243, %add3A_244 : i32
      %ge3A_246 = arith.constant 1 : i32
      %ge3A_247 = arith.cmpi sge, %scan3A_149, %ge3A_246 : i32
      %cond3A_248 = arith.constant 1 : i32
      %add3A_249 = arith.constant 2 : i32
      %add3A_250 = arith.addi %add3A_245, %add3A_249 : i32
      %mul3A_251 = arith.constant 2 : i32
      %mul3A_252 = arith.muli %add3A_250, %mul3A_251 : i32
      %add3A_253 = arith.constant 0 : i32
      %add3A_254 = arith.addi %mul3A_252, %add3A_253 : i32
      %mul3A_255 = arith.constant 2 : i32
      %mul3A_256 = arith.muli %add3A_250, %mul3A_255 : i32
      %add3A_257 = arith.constant 1 : i32
      %add3A_258 = arith.addi %mul3A_256, %add3A_257 : i32
      %dma_start3A_259 = arith.constant 0 : i32
      %dma_start3A_260 = arith.constant 0 : i32
      %dma_start3A_261 = tpu.memref_slice %arg6[%dma_start3A_259, %dma_start3A_260] : memref<768x128xf32, #tpu.memory_space<vmem>> -> memref<128x128xf32, #tpu.memory_space<vmem>>
      %dma_start3A_262 = arith.constant 0 : i32
      %dma_start3A_263 = tpu.memref_slice %arg5[%add3A_254, %dma_start3A_262] : memref<128x128xi32, #tpu.memory_space<vmem>> -> memref<1x128xi32, #tpu.memory_space<vmem>>
      %dma_start3A_264 = tpu.memref_squeeze %dma_start3A_263 : memref<1x128xi32, #tpu.memory_space<vmem>> -> memref<128xi32, #tpu.memory_space<vmem>>
      %dma_start3A_265 = arith.constant 0 : i32
      %dma_start3A_266 = arith.constant 0 : i32
      %dma_start3A_267 = tpu.memref_slice %arg2[%dma_start3A_265, %dma_start3A_266] : memref<100000x128xf32, #tpu.memory_space<hbm>> -> memref<100000x128xf32, #tpu.memory_space<hbm>>
      tpu.enqueue_indirect_dma source(%dma_start3A_267 : memref<100000x128xf32, #tpu.memory_space<hbm>>) target(%dma_start3A_261 : memref<128x128xf32, #tpu.memory_space<vmem>>) offsets(%dma_start3A_264 : memref<128xi32, #tpu.memory_space<vmem>>) semaphore(%arg8 : memref<!tpu.dma_semaphore, #tpu.memory_space<semaphore_mem>>)
      %dma_start3A_268 = arith.constant 128 : i32
      %dma_start3A_269 = arith.constant 0 : i32
      %dma_start3A_270 = tpu.memref_slice %arg6[%dma_start3A_268, %dma_start3A_269] : memref<768x128xf32, #tpu.memory_space<vmem>> -> memref<128x128xf32, #tpu.memory_space<vmem>>
      %dma_start3A_271 = arith.constant 0 : i32
      %dma_start3A_272 = tpu.memref_slice %arg5[%add3A_258, %dma_start3A_271] : memref<128x128xi32, #tpu.memory_space<vmem>> -> memref<1x128xi32, #tpu.memory_space<vmem>>
      %dma_start3A_273 = tpu.memref_squeeze %dma_start3A_272 : memref<1x128xi32, #tpu.memory_space<vmem>> -> memref<128xi32, #tpu.memory_space<vmem>>
      %dma_start3A_274 = arith.constant 0 : i32
      %dma_start3A_275 = arith.constant 0 : i32
      %dma_start3A_276 = tpu.memref_slice %arg2[%dma_start3A_274, %dma_start3A_275] : memref<100000x128xf32, #tpu.memory_space<hbm>> -> memref<100000x128xf32, #tpu.memory_space<hbm>>
      tpu.enqueue_indirect_dma source(%dma_start3A_276 : memref<100000x128xf32, #tpu.memory_space<hbm>>) target(%dma_start3A_270 : memref<128x128xf32, #tpu.memory_space<vmem>>) offsets(%dma_start3A_273 : memref<128xi32, #tpu.memory_space<vmem>>) semaphore(%arg8 : memref<!tpu.dma_semaphore, #tpu.memory_space<semaphore_mem>>)
      %mul3A_277 = arith.constant 2 : i32
      %mul3A_278 = arith.muli %add3A_245, %mul3A_277 : i32
      %add3A_279 = arith.constant 0 : i32
      %add3A_280 = arith.addi %mul3A_278, %add3A_279 : i32
      %mul3A_281 = arith.constant 2 : i32
      %mul3A_282 = arith.muli %add3A_245, %mul3A_281 : i32
      %add3A_283 = arith.constant 1 : i32
      %add3A_284 = arith.addi %mul3A_282, %add3A_283 : i32
      %dma_wait3A_285 = arith.constant 256 : i32
      %dma_wait3A_286 = arith.constant 0 : i32
      %dma_wait3A_287 = tpu.memref_slice %arg6[%dma_wait3A_285, %dma_wait3A_286] : memref<768x128xf32, #tpu.memory_space<vmem>> -> memref<128x128xf32, #tpu.memory_space<vmem>>
      %dma_wait3A_288 = arith.constant 0 : i32
      %dma_wait3A_289 = tpu.memref_slice %arg5[%add3A_280, %dma_wait3A_288] : memref<128x128xi32, #tpu.memory_space<vmem>> -> memref<1x128xi32, #tpu.memory_space<vmem>>
      %dma_wait3A_290 = tpu.memref_squeeze %dma_wait3A_289 : memref<1x128xi32, #tpu.memory_space<vmem>> -> memref<128xi32, #tpu.memory_space<vmem>>
      %dma_wait3A_291 = arith.constant 0 : i32
      %dma_wait3A_292 = arith.constant 0 : i32
      %dma_wait3A_293 = tpu.memref_slice %arg2[%dma_wait3A_291, %dma_wait3A_292] : memref<100000x128xf32, #tpu.memory_space<hbm>> -> memref<100000x128xf32, #tpu.memory_space<hbm>>
      tpu.wait_indirect_dma semaphore(%arg9 : memref<!tpu.dma_semaphore, #tpu.memory_space<semaphore_mem>>) src(%dma_wait3A_293 : memref<100000x128xf32, #tpu.memory_space<hbm>>) dst(%dma_wait3A_287 : memref<128x128xf32, #tpu.memory_space<vmem>>)
      %dma_wait3A_294 = arith.constant 384 : i32
      %dma_wait3A_295 = arith.constant 0 : i32
      %dma_wait3A_296 = tpu.memref_slice %arg6[%dma_wait3A_294, %dma_wait3A_295] : memref<768x128xf32, #tpu.memory_space<vmem>> -> memref<128x128xf32, #tpu.memory_space<vmem>>
      %dma_wait3A_297 = arith.constant 0 : i32
      %dma_wait3A_298 = tpu.memref_slice %arg5[%add3A_284, %dma_wait3A_297] : memref<128x128xi32, #tpu.memory_space<vmem>> -> memref<1x128xi32, #tpu.memory_space<vmem>>
      %dma_wait3A_299 = tpu.memref_squeeze %dma_wait3A_298 : memref<1x128xi32, #tpu.memory_space<vmem>> -> memref<128xi32, #tpu.memory_space<vmem>>
      %dma_wait3A_300 = arith.constant 0 : i32
      %dma_wait3A_301 = arith.constant 0 : i32
      %dma_wait3A_302 = tpu.memref_slice %arg2[%dma_wait3A_300, %dma_wait3A_301] : memref<100000x128xf32, #tpu.memory_space<hbm>> -> memref<100000x128xf32, #tpu.memory_space<hbm>>
      tpu.wait_indirect_dma semaphore(%arg9 : memref<!tpu.dma_semaphore, #tpu.memory_space<semaphore_mem>>) src(%dma_wait3A_302 : memref<100000x128xf32, #tpu.memory_space<hbm>>) dst(%dma_wait3A_296 : memref<128x128xf32, #tpu.memory_space<vmem>>)
      %mul3A_303 = arith.constant 512 : i32
      %mul3A_304 = arith.muli %add3A, %mul3A_303 : i32
      %mul3A_305 = arith.constant 8 : i32
      %mul3A_306 = arith.muli %add3A_245, %mul3A_305 : i32
      %add3A_307 = arith.addi %mul3A_304, %mul3A_306 : i32
      %multiple_of3A_308 = tpu.assume_multiple %add3A_307, 8 : i32
      %convert_element_type3A_309 = arith.extui %ge3A_247 : i1 to i32
      %cond3A_310 = arith.constant 0 : i32
      %cond3A_311 = arith.cmpi ne, %convert_element_type3A_309, %cond3A_310 : i32
      scf.if %cond3A_311 {
        %dma_wait3A_404 = arith.constant 8 : i32
        %dma_wait3A_405 = arith.constant 0 : i32
        %dma_wait3A_406 = tpu.memref_slice %arg7[%dma_wait3A_404, %dma_wait3A_405] : memref<24x128xf32, #tpu.memory_space<vmem>> -> memref<8x128xf32, #tpu.memory_space<vmem>>
        %dma_wait3A_407 = arith.constant 0 : i32
        %dma_wait3A_408 = tpu.memref_slice %arg4[%multiple_of3A_308, %dma_wait3A_407] : memref<16384x128xf32, #tpu.memory_space<hbm>> -> memref<8x128xf32, #tpu.memory_space<hbm>>
        %dma_wait3A_409 = arith.constant 0 : i32
        %dma_wait3A_410 = tpu.memref_slice %arg4[%multiple_of3A_308, %dma_wait3A_409] : memref<16384x128xf32, #tpu.memory_space<hbm>> -> memref<8x128xf32, #tpu.memory_space<hbm>>
        %dma_wait3A_411 = arith.constant 8 : i32
        %dma_wait3A_412 = arith.constant 0 : i32
        %dma_wait3A_413 = tpu.memref_slice %arg7[%dma_wait3A_411, %dma_wait3A_412] : memref<24x128xf32, #tpu.memory_space<vmem>> -> memref<8x128xf32, #tpu.memory_space<vmem>>
        tpu.wait_dma2 semaphore(%arg11 : memref<!tpu.dma_semaphore, #tpu.memory_space<semaphore_mem>>) src(%dma_wait3A_413 : memref<8x128xf32, #tpu.memory_space<vmem>>) dst(%dma_wait3A_410 : memref<8x128xf32, #tpu.memory_space<hbm>>)
      } else {
      }
      %scan3A_312 = arith.constant 0 : i32
      %scan3A_313 = arith.constant 0 : i32
      %scan3A_314 = arith.constant 8 : i32
      %scan3A_315 = arith.addi %scan3A_313, %scan3A_314 : i32
      %scan3A_316 = arith.constant 1 : i32
      %scan3A_317 = scf.for %scan3A_404 = %scan3A_313 to %scan3A_315 step %scan3A_316 iter_args(%scan3A_405 = %scan3A_312) -> (i32)  : i32 {
        %mul3A_406 = arith.constant 32 : i32
        %mul3A_407 = arith.muli %scan3A_404, %mul3A_406 : i32
        %add3A_408 = arith.constant 256 : i32
        %add3A_409 = arith.addi %add3A_408, %mul3A_407 : i32
        %broadcast_in_dim3A = arith.constant 0.000000e+00 : f32
        %broadcast_in_dim3A_410 = vector.broadcast %broadcast_in_dim3A : f32 to vector<16xf32>
        %scan3A_411 = arith.constant 0 : i32
        %scan3A_412 = arith.constant 4 : i32
        %scan3A_413 = arith.addi %scan3A_411, %scan3A_412 : i32
        %scan3A_414 = arith.constant 1 : i32
        %scan3A_415:8 = scf.for %scan3A_497 = %scan3A_411 to %scan3A_413 step %scan3A_414 iter_args(%scan3A_498 = %broadcast_in_dim3A_410, %scan3A_499 = %broadcast_in_dim3A_410, %scan3A_500 = %broadcast_in_dim3A_410, %scan3A_501 = %broadcast_in_dim3A_410, %scan3A_502 = %broadcast_in_dim3A_410, %scan3A_503 = %broadcast_in_dim3A_410, %scan3A_504 = %broadcast_in_dim3A_410, %scan3A_505 = %broadcast_in_dim3A_410) -> (vector<16xf32>, vector<16xf32>, vector<16xf32>, vector<16xf32>, vector<16xf32>, vector<16xf32>, vector<16xf32>, vector<16xf32>)  : i32 {
          %mul3A_506 = arith.constant 8 : i32
          %mul3A_507 = arith.muli %scan3A_497, %mul3A_506 : i32
          %add3A_508 = arith.addi %add3A_409, %mul3A_507 : i32
          %add3A_509 = arith.constant 0 : i32
          %add3A_510 = arith.addi %add3A_508, %add3A_509 : i32
          %get3A = arith.index_cast %add3A_510 : i32 to index
          %get3A_511 = arith.constant 0 : index
          %get3A_512 = tpu.vector_load %arg6[%get3A, %get3A_511] {strides = array<i32>} : memref<768x128xf32, #tpu.memory_space<vmem>>, vector<1x16xf32>,
          %get3A_513 = vector.shape_cast %get3A_512 : vector<1x16xf32> to vector<16xf32>
          %add3A_514 = arith.addf %scan3A_498, %get3A_513 : vector<16xf32>
          %add3A_515 = arith.constant 0 : i32
          %add3A_516 = arith.addi %add3A_508, %add3A_515 : i32
          %get3A_517 = arith.index_cast %add3A_516 : i32 to index
          %get3A_518 = arith.constant 16 : index
          %get3A_519 = tpu.vector_load %arg6[%get3A_517, %get3A_518] {strides = array<i32>} : memref<768x128xf32, #tpu.memory_space<vmem>>, vector<1x16xf32>,
          %get3A_520 = vector.shape_cast %get3A_519 : vector<1x16xf32> to vector<16xf32>
          %add3A_521 = arith.addf %scan3A_499, %get3A_520 : vector<16xf32>
          %add3A_522 = arith.constant 0 : i32
          %add3A_523 = arith.addi %add3A_508, %add3A_522 : i32
          %get3A_524 = arith.index_cast %add3A_523 : i32 to index
          %get3A_525 = arith.constant 32 : index
          %get3A_526 = tpu.vector_load %arg6[%get3A_524, %get3A_525] {strides = array<i32>} : memref<768x128xf32, #tpu.memory_space<vmem>>, vector<1x16xf32>,
          %get3A_527 = vector.shape_cast %get3A_526 : vector<1x16xf32> to vector<16xf32>
          %add3A_528 = arith.addf %scan3A_500, %get3A_527 : vector<16xf32>
          %add3A_529 = arith.constant 0 : i32
          %add3A_530 = arith.addi %add3A_508, %add3A_529 : i32
          %get3A_531 = arith.index_cast %add3A_530 : i32 to index
          %get3A_532 = arith.constant 48 : index
          %get3A_533 = tpu.vector_load %arg6[%get3A_531, %get3A_532] {strides = array<i32>} : memref<768x128xf32, #tpu.memory_space<vmem>>, vector<1x16xf32>,
          %get3A_534 = vector.shape_cast %get3A_533 : vector<1x16xf32> to vector<16xf32>
          %add3A_535 = arith.addf %scan3A_501, %get3A_534 : vector<16xf32>
          %add3A_536 = arith.constant 0 : i32
          %add3A_537 = arith.addi %add3A_508, %add3A_536 : i32
          %get3A_538 = arith.index_cast %add3A_537 : i32 to index
          %get3A_539 = arith.constant 64 : index
          %get3A_540 = tpu.vector_load %arg6[%get3A_538, %get3A_539] {strides = array<i32>} : memref<768x128xf32, #tpu.memory_space<vmem>>, vector<1x16xf32>,
          %get3A_541 = vector.shape_cast %get3A_540 : vector<1x16xf32> to vector<16xf32>
          %add3A_542 = arith.addf %scan3A_502, %get3A_541 : vector<16xf32>
          %add3A_543 = arith.constant 0 : i32
          %add3A_544 = arith.addi %add3A_508, %add3A_543 : i32
          %get3A_545 = arith.index_cast %add3A_544 : i32 to index
          %get3A_546 = arith.constant 80 : index
          %get3A_547 = tpu.vector_load %arg6[%get3A_545, %get3A_546] {strides = array<i32>} : memref<768x128xf32, #tpu.memory_space<vmem>>, vector<1x16xf32>,
          %get3A_548 = vector.shape_cast %get3A_547 : vector<1x16xf32> to vector<16xf32>
          %add3A_549 = arith.addf %scan3A_503, %get3A_548 : vector<16xf32>
          %add3A_550 = arith.constant 0 : i32
          %add3A_551 = arith.addi %add3A_508, %add3A_550 : i32
          %get3A_552 = arith.index_cast %add3A_551 : i32 to index
          %get3A_553 = arith.constant 96 : index
          %get3A_554 = tpu.vector_load %arg6[%get3A_552, %get3A_553] {strides = array<i32>} : memref<768x128xf32, #tpu.memory_space<vmem>>, vector<1x16xf32>,
          %get3A_555 = vector.shape_cast %get3A_554 : vector<1x16xf32> to vector<16xf32>
          %add3A_556 = arith.addf %scan3A_504, %get3A_555 : vector<16xf32>
          %add3A_557 = arith.constant 0 : i32
          %add3A_558 = arith.addi %add3A_508, %add3A_557 : i32
          %get3A_559 = arith.index_cast %add3A_558 : i32 to index
          %get3A_560 = arith.constant 112 : index
          %get3A_561 = tpu.vector_load %arg6[%get3A_559, %get3A_560] {strides = array<i32>} : memref<768x128xf32, #tpu.memory_space<vmem>>, vector<1x16xf32>,
          %get3A_562 = vector.shape_cast %get3A_561 : vector<1x16xf32> to vector<16xf32>
          %add3A_563 = arith.addf %scan3A_505, %get3A_562 : vector<16xf32>
          %add3A_564 = arith.constant 1 : i32
          %add3A_565 = arith.addi %add3A_508, %add3A_564 : i32
          %get3A_566 = arith.index_cast %add3A_565 : i32 to index
          %get3A_567 = arith.constant 0 : index
          %get3A_568 = tpu.vector_load %arg6[%get3A_566, %get3A_567] {strides = array<i32>} : memref<768x128xf32, #tpu.memory_space<vmem>>, vector<1x16xf32>,
          %get3A_569 = vector.shape_cast %get3A_568 : vector<1x16xf32> to vector<16xf32>
          %add3A_570 = arith.addf %add3A_514, %get3A_569 : vector<16xf32>
          %add3A_571 = arith.constant 1 : i32
          %add3A_572 = arith.addi %add3A_508, %add3A_571 : i32
          %get3A_573 = arith.index_cast %add3A_572 : i32 to index
          %get3A_574 = arith.constant 16 : index
          %get3A_575 = tpu.vector_load %arg6[%get3A_573, %get3A_574] {strides = array<i32>} : memref<768x128xf32, #tpu.memory_space<vmem>>, vector<1x16xf32>,
          %get3A_576 = vector.shape_cast %get3A_575 : vector<1x16xf32> to vector<16xf32>
          %add3A_577 = arith.addf %add3A_521, %get3A_576 : vector<16xf32>
          %add3A_578 = arith.constant 1 : i32
          %add3A_579 = arith.addi %add3A_508, %add3A_578 : i32
          %get3A_580 = arith.index_cast %add3A_579 : i32 to index
          %get3A_581 = arith.constant 32 : index
          %get3A_582 = tpu.vector_load %arg6[%get3A_580, %get3A_581] {strides = array<i32>} : memref<768x128xf32, #tpu.memory_space<vmem>>, vector<1x16xf32>,
          %get3A_583 = vector.shape_cast %get3A_582 : vector<1x16xf32> to vector<16xf32>
          %add3A_584 = arith.addf %add3A_528, %get3A_583 : vector<16xf32>
          %add3A_585 = arith.constant 1 : i32
          %add3A_586 = arith.addi %add3A_508, %add3A_585 : i32
          %get3A_587 = arith.index_cast %add3A_586 : i32 to index
          %get3A_588 = arith.constant 48 : index
          %get3A_589 = tpu.vector_load %arg6[%get3A_587, %get3A_588] {strides = array<i32>} : memref<768x128xf32, #tpu.memory_space<vmem>>, vector<1x16xf32>,
          %get3A_590 = vector.shape_cast %get3A_589 : vector<1x16xf32> to vector<16xf32>
          %add3A_591 = arith.addf %add3A_535, %get3A_590 : vector<16xf32>
          %add3A_592 = arith.constant 1 : i32
          %add3A_593 = arith.addi %add3A_508, %add3A_592 : i32
          %get3A_594 = arith.index_cast %add3A_593 : i32 to index
          %get3A_595 = arith.constant 64 : index
          %get3A_596 = tpu.vector_load %arg6[%get3A_594, %get3A_595] {strides = array<i32>} : memref<768x128xf32, #tpu.memory_space<vmem>>, vector<1x16xf32>,
          %get3A_597 = vector.shape_cast %get3A_596 : vector<1x16xf32> to vector<16xf32>
          %add3A_598 = arith.addf %add3A_542, %get3A_597 : vector<16xf32>
          %add3A_599 = arith.constant 1 : i32
          %add3A_600 = arith.addi %add3A_508, %add3A_599 : i32
          %get3A_601 = arith.index_cast %add3A_600 : i32 to index
          %get3A_602 = arith.constant 80 : index
          %get3A_603 = tpu.vector_load %arg6[%get3A_601, %get3A_602] {strides = array<i32>} : memref<768x128xf32, #tpu.memory_space<vmem>>, vector<1x16xf32>,
          %get3A_604 = vector.shape_cast %get3A_603 : vector<1x16xf32> to vector<16xf32>
          %add3A_605 = arith.addf %add3A_549, %get3A_604 : vector<16xf32>
          %add3A_606 = arith.constant 1 : i32
          %add3A_607 = arith.addi %add3A_508, %add3A_606 : i32
          %get3A_608 = arith.index_cast %add3A_607 : i32 to index
          %get3A_609 = arith.constant 96 : index
          %get3A_610 = tpu.vector_load %arg6[%get3A_608, %get3A_609] {strides = array<i32>} : memref<768x128xf32, #tpu.memory_space<vmem>>, vector<1x16xf32>,
          %get3A_611 = vector.shape_cast %get3A_610 : vector<1x16xf32> to vector<16xf32>
          %add3A_612 = arith.addf %add3A_556, %get3A_611 : vector<16xf32>
          %add3A_613 = arith.constant 1 : i32
          %add3A_614 = arith.addi %add3A_508, %add3A_613 : i32
          %get3A_615 = arith.index_cast %add3A_614 : i32 to index
          %get3A_616 = arith.constant 112 : index
          %get3A_617 = tpu.vector_load %arg6[%get3A_615, %get3A_616] {strides = array<i32>} : memref<768x128xf32, #tpu.memory_space<vmem>>, vector<1x16xf32>,
          %get3A_618 = vector.shape_cast %get3A_617 : vector<1x16xf32> to vector<16xf32>
          %add3A_619 = arith.addf %add3A_563, %get3A_618 : vector<16xf32>
          %add3A_620 = arith.constant 2 : i32
          %add3A_621 = arith.addi %add3A_508, %add3A_620 : i32
          %get3A_622 = arith.index_cast %add3A_621 : i32 to index
          %get3A_623 = arith.constant 0 : index
          %get3A_624 = tpu.vector_load %arg6[%get3A_622, %get3A_623] {strides = array<i32>} : memref<768x128xf32, #tpu.memory_space<vmem>>, vector<1x16xf32>,
          %get3A_625 = vector.shape_cast %get3A_624 : vector<1x16xf32> to vector<16xf32>
          %add3A_626 = arith.addf %add3A_570, %get3A_625 : vector<16xf32>
          %add3A_627 = arith.constant 2 : i32
          %add3A_628 = arith.addi %add3A_508, %add3A_627 : i32
          %get3A_629 = arith.index_cast %add3A_628 : i32 to index
          %get3A_630 = arith.constant 16 : index
          %get3A_631 = tpu.vector_load %arg6[%get3A_629, %get3A_630] {strides = array<i32>} : memref<768x128xf32, #tpu.memory_space<vmem>>, vector<1x16xf32>,
          %get3A_632 = vector.shape_cast %get3A_631 : vector<1x16xf32> to vector<16xf32>
          %add3A_633 = arith.addf %add3A_577, %get3A_632 : vector<16xf32>
          %add3A_634 = arith.constant 2 : i32
          %add3A_635 = arith.addi %add3A_508, %add3A_634 : i32
          %get3A_636 = arith.index_cast %add3A_635 : i32 to index
          %get3A_637 = arith.constant 32 : index
          %get3A_638 = tpu.vector_load %arg6[%get3A_636, %get3A_637] {strides = array<i32>} : memref<768x128xf32, #tpu.memory_space<vmem>>, vector<1x16xf32>,
          %get3A_639 = vector.shape_cast %get3A_638 : vector<1x16xf32> to vector<16xf32>
          %add3A_640 = arith.addf %add3A_584, %get3A_639 : vector<16xf32>
          %add3A_641 = arith.constant 2 : i32
          %add3A_642 = arith.addi %add3A_508, %add3A_641 : i32
          %get3A_643 = arith.index_cast %add3A_642 : i32 to index
          %get3A_644 = arith.constant 48 : index
          %get3A_645 = tpu.vector_load %arg6[%get3A_643, %get3A_644] {strides = array<i32>} : memref<768x128xf32, #tpu.memory_space<vmem>>, vector<1x16xf32>,
          %get3A_646 = vector.shape_cast %get3A_645 : vector<1x16xf32> to vector<16xf32>
          %add3A_647 = arith.addf %add3A_591, %get3A_646 : vector<16xf32>
          %add3A_648 = arith.constant 2 : i32
          %add3A_649 = arith.addi %add3A_508, %add3A_648 : i32
          %get3A_650 = arith.index_cast %add3A_649 : i32 to index
          %get3A_651 = arith.constant 64 : index
          %get3A_652 = tpu.vector_load %arg6[%get3A_650, %get3A_651] {strides = array<i32>} : memref<768x128xf32, #tpu.memory_space<vmem>>, vector<1x16xf32>,
          %get3A_653 = vector.shape_cast %get3A_652 : vector<1x16xf32> to vector<16xf32>
          %add3A_654 = arith.addf %add3A_598, %get3A_653 : vector<16xf32>
          %add3A_655 = arith.constant 2 : i32
          %add3A_656 = arith.addi %add3A_508, %add3A_655 : i32
          %get3A_657 = arith.index_cast %add3A_656 : i32 to index
          %get3A_658 = arith.constant 80 : index
          %get3A_659 = tpu.vector_load %arg6[%get3A_657, %get3A_658] {strides = array<i32>} : memref<768x128xf32, #tpu.memory_space<vmem>>, vector<1x16xf32>,
          %get3A_660 = vector.shape_cast %get3A_659 : vector<1x16xf32> to vector<16xf32>
          %add3A_661 = arith.addf %add3A_605, %get3A_660 : vector<16xf32>
          %add3A_662 = arith.constant 2 : i32
          %add3A_663 = arith.addi %add3A_508, %add3A_662 : i32
          %get3A_664 = arith.index_cast %add3A_663 : i32 to index
          %get3A_665 = arith.constant 96 : index
          %get3A_666 = tpu.vector_load %arg6[%get3A_664, %get3A_665] {strides = array<i32>} : memref<768x128xf32, #tpu.memory_space<vmem>>, vector<1x16xf32>,
          %get3A_667 = vector.shape_cast %get3A_666 : vector<1x16xf32> to vector<16xf32>
          %add3A_668 = arith.addf %add3A_612, %get3A_667 : vector<16xf32>
          %add3A_669 = arith.constant 2 : i32
          %add3A_670 = arith.addi %add3A_508, %add3A_669 : i32
          %get3A_671 = arith.index_cast %add3A_670 : i32 to index
          %get3A_672 = arith.constant 112 : index
          %get3A_673 = tpu.vector_load %arg6[%get3A_671, %get3A_672] {strides = array<i32>} : memref<768x128xf32, #tpu.memory_space<vmem>>, vector<1x16xf32>,
          %get3A_674 = vector.shape_cast %get3A_673 : vector<1x16xf32> to vector<16xf32>
          %add3A_675 = arith.addf %add3A_619, %get3A_674 : vector<16xf32>
          %add3A_676 = arith.constant 3 : i32
          %add3A_677 = arith.addi %add3A_508, %add3A_676 : i32
          %get3A_678 = arith.index_cast %add3A_677 : i32 to index
          %get3A_679 = arith.constant 0 : index
          %get3A_680 = tpu.vector_load %arg6[%get3A_678, %get3A_679] {strides = array<i32>} : memref<768x128xf32, #tpu.memory_space<vmem>>, vector<1x16xf32>,
          %get3A_681 = vector.shape_cast %get3A_680 : vector<1x16xf32> to vector<16xf32>
          %add3A_682 = arith.addf %add3A_626, %get3A_681 : vector<16xf32>
          %add3A_683 = arith.constant 3 : i32
          %add3A_684 = arith.addi %add3A_508, %add3A_683 : i32
          %get3A_685 = arith.index_cast %add3A_684 : i32 to index
          %get3A_686 = arith.constant 16 : index
          %get3A_687 = tpu.vector_load %arg6[%get3A_685, %get3A_686] {strides = array<i32>} : memref<768x128xf32, #tpu.memory_space<vmem>>, vector<1x16xf32>,
          %get3A_688 = vector.shape_cast %get3A_687 : vector<1x16xf32> to vector<16xf32>
          %add3A_689 = arith.addf %add3A_633, %get3A_688 : vector<16xf32>
          %add3A_690 = arith.constant 3 : i32
          %add3A_691 = arith.addi %add3A_508, %add3A_690 : i32
          %get3A_692 = arith.index_cast %add3A_691 : i32 to index
          %get3A_693 = arith.constant 32 : index
          %get3A_694 = tpu.vector_load %arg6[%get3A_692, %get3A_693] {strides = array<i32>} : memref<768x128xf32, #tpu.memory_space<vmem>>, vector<1x16xf32>,
          %get3A_695 = vector.shape_cast %get3A_694 : vector<1x16xf32> to vector<16xf32>
          %add3A_696 = arith.addf %add3A_640, %get3A_695 : vector<16xf32>
          %add3A_697 = arith.constant 3 : i32
          %add3A_698 = arith.addi %add3A_508, %add3A_697 : i32
          %get3A_699 = arith.index_cast %add3A_698 : i32 to index
          %get3A_700 = arith.constant 48 : index
          %get3A_701 = tpu.vector_load %arg6[%get3A_699, %get3A_700] {strides = array<i32>} : memref<768x128xf32, #tpu.memory_space<vmem>>, vector<1x16xf32>,
          %get3A_702 = vector.shape_cast %get3A_701 : vector<1x16xf32> to vector<16xf32>
          %add3A_703 = arith.addf %add3A_647, %get3A_702 : vector<16xf32>
          %add3A_704 = arith.constant 3 : i32
          %add3A_705 = arith.addi %add3A_508, %add3A_704 : i32
          %get3A_706 = arith.index_cast %add3A_705 : i32 to index
          %get3A_707 = arith.constant 64 : index
          %get3A_708 = tpu.vector_load %arg6[%get3A_706, %get3A_707] {strides = array<i32>} : memref<768x128xf32, #tpu.memory_space<vmem>>, vector<1x16xf32>,
          %get3A_709 = vector.shape_cast %get3A_708 : vector<1x16xf32> to vector<16xf32>
          %add3A_710 = arith.addf %add3A_654, %get3A_709 : vector<16xf32>
          %add3A_711 = arith.constant 3 : i32
          %add3A_712 = arith.addi %add3A_508, %add3A_711 : i32
          %get3A_713 = arith.index_cast %add3A_712 : i32 to index
          %get3A_714 = arith.constant 80 : index
          %get3A_715 = tpu.vector_load %arg6[%get3A_713, %get3A_714] {strides = array<i32>} : memref<768x128xf32, #tpu.memory_space<vmem>>, vector<1x16xf32>,
          %get3A_716 = vector.shape_cast %get3A_715 : vector<1x16xf32> to vector<16xf32>
          %add3A_717 = arith.addf %add3A_661, %get3A_716 : vector<16xf32>
          %add3A_718 = arith.constant 3 : i32
          %add3A_719 = arith.addi %add3A_508, %add3A_718 : i32
          %get3A_720 = arith.index_cast %add3A_719 : i32 to index
          %get3A_721 = arith.constant 96 : index
          %get3A_722 = tpu.vector_load %arg6[%get3A_720, %get3A_721] {strides = array<i32>} : memref<768x128xf32, #tpu.memory_space<vmem>>, vector<1x16xf32>,
          %get3A_723 = vector.shape_cast %get3A_722 : vector<1x16xf32> to vector<16xf32>
          %add3A_724 = arith.addf %add3A_668, %get3A_723 : vector<16xf32>
          %add3A_725 = arith.constant 3 : i32
          %add3A_726 = arith.addi %add3A_508, %add3A_725 : i32
          %get3A_727 = arith.index_cast %add3A_726 : i32 to index
          %get3A_728 = arith.constant 112 : index
          %get3A_729 = tpu.vector_load %arg6[%get3A_727, %get3A_728] {strides = array<i32>} : memref<768x128xf32, #tpu.memory_space<vmem>>, vector<1x16xf32>,
          %get3A_730 = vector.shape_cast %get3A_729 : vector<1x16xf32> to vector<16xf32>
          %add3A_731 = arith.addf %add3A_675, %get3A_730 : vector<16xf32>
          %add3A_732 = arith.constant 4 : i32
          %add3A_733 = arith.addi %add3A_508, %add3A_732 : i32
          %get3A_734 = arith.index_cast %add3A_733 : i32 to index
          %get3A_735 = arith.constant 0 : index
          %get3A_736 = tpu.vector_load %arg6[%get3A_734, %get3A_735] {strides = array<i32>} : memref<768x128xf32, #tpu.memory_space<vmem>>, vector<1x16xf32>,
          %get3A_737 = vector.shape_cast %get3A_736 : vector<1x16xf32> to vector<16xf32>
          %add3A_738 = arith.addf %add3A_682, %get3A_737 : vector<16xf32>
          %add3A_739 = arith.constant 4 : i32
          %add3A_740 = arith.addi %add3A_508, %add3A_739 : i32
          %get3A_741 = arith.index_cast %add3A_740 : i32 to index
          %get3A_742 = arith.constant 16 : index
          %get3A_743 = tpu.vector_load %arg6[%get3A_741, %get3A_742] {strides = array<i32>} : memref<768x128xf32, #tpu.memory_space<vmem>>, vector<1x16xf32>,
          %get3A_744 = vector.shape_cast %get3A_743 : vector<1x16xf32> to vector<16xf32>
          %add3A_745 = arith.addf %add3A_689, %get3A_744 : vector<16xf32>
          %add3A_746 = arith.constant 4 : i32
          %add3A_747 = arith.addi %add3A_508, %add3A_746 : i32
          %get3A_748 = arith.index_cast %add3A_747 : i32 to index
          %get3A_749 = arith.constant 32 : index
          %get3A_750 = tpu.vector_load %arg6[%get3A_748, %get3A_749] {strides = array<i32>} : memref<768x128xf32, #tpu.memory_space<vmem>>, vector<1x16xf32>,
          %get3A_751 = vector.shape_cast %get3A_750 : vector<1x16xf32> to vector<16xf32>
          %add3A_752 = arith.addf %add3A_696, %get3A_751 : vector<16xf32>
          %add3A_753 = arith.constant 4 : i32
          %add3A_754 = arith.addi %add3A_508, %add3A_753 : i32
          %get3A_755 = arith.index_cast %add3A_754 : i32 to index
          %get3A_756 = arith.constant 48 : index
          %get3A_757 = tpu.vector_load %arg6[%get3A_755, %get3A_756] {strides = array<i32>} : memref<768x128xf32, #tpu.memory_space<vmem>>, vector<1x16xf32>,
          %get3A_758 = vector.shape_cast %get3A_757 : vector<1x16xf32> to vector<16xf32>
          %add3A_759 = arith.addf %add3A_703, %get3A_758 : vector<16xf32>
          %add3A_760 = arith.constant 4 : i32
          %add3A_761 = arith.addi %add3A_508, %add3A_760 : i32
          %get3A_762 = arith.index_cast %add3A_761 : i32 to index
          %get3A_763 = arith.constant 64 : index
          %get3A_764 = tpu.vector_load %arg6[%get3A_762, %get3A_763] {strides = array<i32>} : memref<768x128xf32, #tpu.memory_space<vmem>>, vector<1x16xf32>,
          %get3A_765 = vector.shape_cast %get3A_764 : vector<1x16xf32> to vector<16xf32>
          %add3A_766 = arith.addf %add3A_710, %get3A_765 : vector<16xf32>
          %add3A_767 = arith.constant 4 : i32
          %add3A_768 = arith.addi %add3A_508, %add3A_767 : i32
          %get3A_769 = arith.index_cast %add3A_768 : i32 to index
          %get3A_770 = arith.constant 80 : index
          %get3A_771 = tpu.vector_load %arg6[%get3A_769, %get3A_770] {strides = array<i32>} : memref<768x128xf32, #tpu.memory_space<vmem>>, vector<1x16xf32>,
          %get3A_772 = vector.shape_cast %get3A_771 : vector<1x16xf32> to vector<16xf32>
          %add3A_773 = arith.addf %add3A_717, %get3A_772 : vector<16xf32>
          %add3A_774 = arith.constant 4 : i32
          %add3A_775 = arith.addi %add3A_508, %add3A_774 : i32
          %get3A_776 = arith.index_cast %add3A_775 : i32 to index
          %get3A_777 = arith.constant 96 : index
          %get3A_778 = tpu.vector_load %arg6[%get3A_776, %get3A_777] {strides = array<i32>} : memref<768x128xf32, #tpu.memory_space<vmem>>, vector<1x16xf32>,
          %get3A_779 = vector.shape_cast %get3A_778 : vector<1x16xf32> to vector<16xf32>
          %add3A_780 = arith.addf %add3A_724, %get3A_779 : vector<16xf32>
          %add3A_781 = arith.constant 4 : i32
          %add3A_782 = arith.addi %add3A_508, %add3A_781 : i32
          %get3A_783 = arith.index_cast %add3A_782 : i32 to index
          %get3A_784 = arith.constant 112 : index
          %get3A_785 = tpu.vector_load %arg6[%get3A_783, %get3A_784] {strides = array<i32>} : memref<768x128xf32, #tpu.memory_space<vmem>>, vector<1x16xf32>,
          %get3A_786 = vector.shape_cast %get3A_785 : vector<1x16xf32> to vector<16xf32>
          %add3A_787 = arith.addf %add3A_731, %get3A_786 : vector<16xf32>
          %add3A_788 = arith.constant 5 : i32
          %add3A_789 = arith.addi %add3A_508, %add3A_788 : i32
          %get3A_790 = arith.index_cast %add3A_789 : i32 to index
          %get3A_791 = arith.constant 0 : index
          %get3A_792 = tpu.vector_load %arg6[%get3A_790, %get3A_791] {strides = array<i32>} : memref<768x128xf32, #tpu.memory_space<vmem>>, vector<1x16xf32>,
          %get3A_793 = vector.shape_cast %get3A_792 : vector<1x16xf32> to vector<16xf32>
          %add3A_794 = arith.addf %add3A_738, %get3A_793 : vector<16xf32>
          %add3A_795 = arith.constant 5 : i32
          %add3A_796 = arith.addi %add3A_508, %add3A_795 : i32
          %get3A_797 = arith.index_cast %add3A_796 : i32 to index
          %get3A_798 = arith.constant 16 : index
          %get3A_799 = tpu.vector_load %arg6[%get3A_797, %get3A_798] {strides = array<i32>} : memref<768x128xf32, #tpu.memory_space<vmem>>, vector<1x16xf32>,
          %get3A_800 = vector.shape_cast %get3A_799 : vector<1x16xf32> to vector<16xf32>
          %add3A_801 = arith.addf %add3A_745, %get3A_800 : vector<16xf32>
          %add3A_802 = arith.constant 5 : i32
          %add3A_803 = arith.addi %add3A_508, %add3A_802 : i32
          %get3A_804 = arith.index_cast %add3A_803 : i32 to index
          %get3A_805 = arith.constant 32 : index
          %get3A_806 = tpu.vector_load %arg6[%get3A_804, %get3A_805] {strides = array<i32>} : memref<768x128xf32, #tpu.memory_space<vmem>>, vector<1x16xf32>,
          %get3A_807 = vector.shape_cast %get3A_806 : vector<1x16xf32> to vector<16xf32>
          %add3A_808 = arith.addf %add3A_752, %get3A_807 : vector<16xf32>
          %add3A_809 = arith.constant 5 : i32
          %add3A_810 = arith.addi %add3A_508, %add3A_809 : i32
          %get3A_811 = arith.index_cast %add3A_810 : i32 to index
          %get3A_812 = arith.constant 48 : index
          %get3A_813 = tpu.vector_load %arg6[%get3A_811, %get3A_812] {strides = array<i32>} : memref<768x128xf32, #tpu.memory_space<vmem>>, vector<1x16xf32>,
          %get3A_814 = vector.shape_cast %get3A_813 : vector<1x16xf32> to vector<16xf32>
          %add3A_815 = arith.addf %add3A_759, %get3A_814 : vector<16xf32>
          %add3A_816 = arith.constant 5 : i32
          %add3A_817 = arith.addi %add3A_508, %add3A_816 : i32
          %get3A_818 = arith.index_cast %add3A_817 : i32 to index
          %get3A_819 = arith.constant 64 : index
          %get3A_820 = tpu.vector_load %arg6[%get3A_818, %get3A_819] {strides = array<i32>} : memref<768x128xf32, #tpu.memory_space<vmem>>, vector<1x16xf32>,
          %get3A_821 = vector.shape_cast %get3A_820 : vector<1x16xf32> to vector<16xf32>
          %add3A_822 = arith.addf %add3A_766, %get3A_821 : vector<16xf32>
          %add3A_823 = arith.constant 5 : i32
          %add3A_824 = arith.addi %add3A_508, %add3A_823 : i32
          %get3A_825 = arith.index_cast %add3A_824 : i32 to index
          %get3A_826 = arith.constant 80 : index
          %get3A_827 = tpu.vector_load %arg6[%get3A_825, %get3A_826] {strides = array<i32>} : memref<768x128xf32, #tpu.memory_space<vmem>>, vector<1x16xf32>,
          %get3A_828 = vector.shape_cast %get3A_827 : vector<1x16xf32> to vector<16xf32>
          %add3A_829 = arith.addf %add3A_773, %get3A_828 : vector<16xf32>
          %add3A_830 = arith.constant 5 : i32
          %add3A_831 = arith.addi %add3A_508, %add3A_830 : i32
          %get3A_832 = arith.index_cast %add3A_831 : i32 to index
          %get3A_833 = arith.constant 96 : index
          %get3A_834 = tpu.vector_load %arg6[%get3A_832, %get3A_833] {strides = array<i32>} : memref<768x128xf32, #tpu.memory_space<vmem>>, vector<1x16xf32>,
          %get3A_835 = vector.shape_cast %get3A_834 : vector<1x16xf32> to vector<16xf32>
          %add3A_836 = arith.addf %add3A_780, %get3A_835 : vector<16xf32>
          %add3A_837 = arith.constant 5 : i32
          %add3A_838 = arith.addi %add3A_508, %add3A_837 : i32
          %get3A_839 = arith.index_cast %add3A_838 : i32 to index
          %get3A_840 = arith.constant 112 : index
          %get3A_841 = tpu.vector_load %arg6[%get3A_839, %get3A_840] {strides = array<i32>} : memref<768x128xf32, #tpu.memory_space<vmem>>, vector<1x16xf32>,
          %get3A_842 = vector.shape_cast %get3A_841 : vector<1x16xf32> to vector<16xf32>
          %add3A_843 = arith.addf %add3A_787, %get3A_842 : vector<16xf32>
          %add3A_844 = arith.constant 6 : i32
          %add3A_845 = arith.addi %add3A_508, %add3A_844 : i32
          %get3A_846 = arith.index_cast %add3A_845 : i32 to index
          %get3A_847 = arith.constant 0 : index
          %get3A_848 = tpu.vector_load %arg6[%get3A_846, %get3A_847] {strides = array<i32>} : memref<768x128xf32, #tpu.memory_space<vmem>>, vector<1x16xf32>,
          %get3A_849 = vector.shape_cast %get3A_848 : vector<1x16xf32> to vector<16xf32>
          %add3A_850 = arith.addf %add3A_794, %get3A_849 : vector<16xf32>
          %add3A_851 = arith.constant 6 : i32
          %add3A_852 = arith.addi %add3A_508, %add3A_851 : i32
          %get3A_853 = arith.index_cast %add3A_852 : i32 to index
          %get3A_854 = arith.constant 16 : index
          %get3A_855 = tpu.vector_load %arg6[%get3A_853, %get3A_854] {strides = array<i32>} : memref<768x128xf32, #tpu.memory_space<vmem>>, vector<1x16xf32>,
          %get3A_856 = vector.shape_cast %get3A_855 : vector<1x16xf32> to vector<16xf32>
          %add3A_857 = arith.addf %add3A_801, %get3A_856 : vector<16xf32>
          %add3A_858 = arith.constant 6 : i32
          %add3A_859 = arith.addi %add3A_508, %add3A_858 : i32
          %get3A_860 = arith.index_cast %add3A_859 : i32 to index
          %get3A_861 = arith.constant 32 : index
          %get3A_862 = tpu.vector_load %arg6[%get3A_860, %get3A_861] {strides = array<i32>} : memref<768x128xf32, #tpu.memory_space<vmem>>, vector<1x16xf32>,
          %get3A_863 = vector.shape_cast %get3A_862 : vector<1x16xf32> to vector<16xf32>
          %add3A_864 = arith.addf %add3A_808, %get3A_863 : vector<16xf32>
          %add3A_865 = arith.constant 6 : i32
          %add3A_866 = arith.addi %add3A_508, %add3A_865 : i32
          %get3A_867 = arith.index_cast %add3A_866 : i32 to index
          %get3A_868 = arith.constant 48 : index
          %get3A_869 = tpu.vector_load %arg6[%get3A_867, %get3A_868] {strides = array<i32>} : memref<768x128xf32, #tpu.memory_space<vmem>>, vector<1x16xf32>,
          %get3A_870 = vector.shape_cast %get3A_869 : vector<1x16xf32> to vector<16xf32>
          %add3A_871 = arith.addf %add3A_815, %get3A_870 : vector<16xf32>
          %add3A_872 = arith.constant 6 : i32
          %add3A_873 = arith.addi %add3A_508, %add3A_872 : i32
          %get3A_874 = arith.index_cast %add3A_873 : i32 to index
          %get3A_875 = arith.constant 64 : index
          %get3A_876 = tpu.vector_load %arg6[%get3A_874, %get3A_875] {strides = array<i32>} : memref<768x128xf32, #tpu.memory_space<vmem>>, vector<1x16xf32>,
          %get3A_877 = vector.shape_cast %get3A_876 : vector<1x16xf32> to vector<16xf32>
          %add3A_878 = arith.addf %add3A_822, %get3A_877 : vector<16xf32>
          %add3A_879 = arith.constant 6 : i32
          %add3A_880 = arith.addi %add3A_508, %add3A_879 : i32
          %get3A_881 = arith.index_cast %add3A_880 : i32 to index
          %get3A_882 = arith.constant 80 : index
          %get3A_883 = tpu.vector_load %arg6[%get3A_881, %get3A_882] {strides = array<i32>} : memref<768x128xf32, #tpu.memory_space<vmem>>, vector<1x16xf32>,
          %get3A_884 = vector.shape_cast %get3A_883 : vector<1x16xf32> to vector<16xf32>
          %add3A_885 = arith.addf %add3A_829, %get3A_884 : vector<16xf32>
          %add3A_886 = arith.constant 6 : i32
          %add3A_887 = arith.addi %add3A_508, %add3A_886 : i32
          %get3A_888 = arith.index_cast %add3A_887 : i32 to index
          %get3A_889 = arith.constant 96 : index
          %get3A_890 = tpu.vector_load %arg6[%get3A_888, %get3A_889] {strides = array<i32>} : memref<768x128xf32, #tpu.memory_space<vmem>>, vector<1x16xf32>,
          %get3A_891 = vector.shape_cast %get3A_890 : vector<1x16xf32> to vector<16xf32>
          %add3A_892 = arith.addf %add3A_836, %get3A_891 : vector<16xf32>
          %add3A_893 = arith.constant 6 : i32
          %add3A_894 = arith.addi %add3A_508, %add3A_893 : i32
          %get3A_895 = arith.index_cast %add3A_894 : i32 to index
          %get3A_896 = arith.constant 112 : index
          %get3A_897 = tpu.vector_load %arg6[%get3A_895, %get3A_896] {strides = array<i32>} : memref<768x128xf32, #tpu.memory_space<vmem>>, vector<1x16xf32>,
          %get3A_898 = vector.shape_cast %get3A_897 : vector<1x16xf32> to vector<16xf32>
          %add3A_899 = arith.addf %add3A_843, %get3A_898 : vector<16xf32>
          %add3A_900 = arith.constant 7 : i32
          %add3A_901 = arith.addi %add3A_508, %add3A_900 : i32
          %get3A_902 = arith.index_cast %add3A_901 : i32 to index
          %get3A_903 = arith.constant 0 : index
          %get3A_904 = tpu.vector_load %arg6[%get3A_902, %get3A_903] {strides = array<i32>} : memref<768x128xf32, #tpu.memory_space<vmem>>, vector<1x16xf32>,
          %get3A_905 = vector.shape_cast %get3A_904 : vector<1x16xf32> to vector<16xf32>
          %add3A_906 = arith.addf %add3A_850, %get3A_905 : vector<16xf32>
          %add3A_907 = arith.constant 7 : i32
          %add3A_908 = arith.addi %add3A_508, %add3A_907 : i32
          %get3A_909 = arith.index_cast %add3A_908 : i32 to index
          %get3A_910 = arith.constant 16 : index
          %get3A_911 = tpu.vector_load %arg6[%get3A_909, %get3A_910] {strides = array<i32>} : memref<768x128xf32, #tpu.memory_space<vmem>>, vector<1x16xf32>,
          %get3A_912 = vector.shape_cast %get3A_911 : vector<1x16xf32> to vector<16xf32>
          %add3A_913 = arith.addf %add3A_857, %get3A_912 : vector<16xf32>
          %add3A_914 = arith.constant 7 : i32
          %add3A_915 = arith.addi %add3A_508, %add3A_914 : i32
          %get3A_916 = arith.index_cast %add3A_915 : i32 to index
          %get3A_917 = arith.constant 32 : index
          %get3A_918 = tpu.vector_load %arg6[%get3A_916, %get3A_917] {strides = array<i32>} : memref<768x128xf32, #tpu.memory_space<vmem>>, vector<1x16xf32>,
          %get3A_919 = vector.shape_cast %get3A_918 : vector<1x16xf32> to vector<16xf32>
          %add3A_920 = arith.addf %add3A_864, %get3A_919 : vector<16xf32>
          %add3A_921 = arith.constant 7 : i32
          %add3A_922 = arith.addi %add3A_508, %add3A_921 : i32
          %get3A_923 = arith.index_cast %add3A_922 : i32 to index
          %get3A_924 = arith.constant 48 : index
          %get3A_925 = tpu.vector_load %arg6[%get3A_923, %get3A_924] {strides = array<i32>} : memref<768x128xf32, #tpu.memory_space<vmem>>, vector<1x16xf32>,
          %get3A_926 = vector.shape_cast %get3A_925 : vector<1x16xf32> to vector<16xf32>
          %add3A_927 = arith.addf %add3A_871, %get3A_926 : vector<16xf32>
          %add3A_928 = arith.constant 7 : i32
          %add3A_929 = arith.addi %add3A_508, %add3A_928 : i32
          %get3A_930 = arith.index_cast %add3A_929 : i32 to index
          %get3A_931 = arith.constant 64 : index
          %get3A_932 = tpu.vector_load %arg6[%get3A_930, %get3A_931] {strides = array<i32>} : memref<768x128xf32, #tpu.memory_space<vmem>>, vector<1x16xf32>,
          %get3A_933 = vector.shape_cast %get3A_932 : vector<1x16xf32> to vector<16xf32>
          %add3A_934 = arith.addf %add3A_878, %get3A_933 : vector<16xf32>
          %add3A_935 = arith.constant 7 : i32
          %add3A_936 = arith.addi %add3A_508, %add3A_935 : i32
          %get3A_937 = arith.index_cast %add3A_936 : i32 to index
          %get3A_938 = arith.constant 80 : index
          %get3A_939 = tpu.vector_load %arg6[%get3A_937, %get3A_938] {strides = array<i32>} : memref<768x128xf32, #tpu.memory_space<vmem>>, vector<1x16xf32>,
          %get3A_940 = vector.shape_cast %get3A_939 : vector<1x16xf32> to vector<16xf32>
          %add3A_941 = arith.addf %add3A_885, %get3A_940 : vector<16xf32>
          %add3A_942 = arith.constant 7 : i32
          %add3A_943 = arith.addi %add3A_508, %add3A_942 : i32
          %get3A_944 = arith.index_cast %add3A_943 : i32 to index
          %get3A_945 = arith.constant 96 : index
          %get3A_946 = tpu.vector_load %arg6[%get3A_944, %get3A_945] {strides = array<i32>} : memref<768x128xf32, #tpu.memory_space<vmem>>, vector<1x16xf32>,
          %get3A_947 = vector.shape_cast %get3A_946 : vector<1x16xf32> to vector<16xf32>
          %add3A_948 = arith.addf %add3A_892, %get3A_947 : vector<16xf32>
          %add3A_949 = arith.constant 7 : i32
          %add3A_950 = arith.addi %add3A_508, %add3A_949 : i32
          %get3A_951 = arith.index_cast %add3A_950 : i32 to index
          %get3A_952 = arith.constant 112 : index
          %get3A_953 = tpu.vector_load %arg6[%get3A_951, %get3A_952] {strides = array<i32>} : memref<768x128xf32, #tpu.memory_space<vmem>>, vector<1x16xf32>,
          %get3A_954 = vector.shape_cast %get3A_953 : vector<1x16xf32> to vector<16xf32>
          %add3A_955 = arith.addf %add3A_899, %get3A_954 : vector<16xf32>
          scf.yield %add3A_906, %add3A_913, %add3A_920, %add3A_927, %add3A_934, %add3A_941, %add3A_948, %add3A_955 : vector<16xf32>, vector<16xf32>, vector<16xf32>, vector<16xf32>, vector<16xf32>, vector<16xf32>, vector<16xf32>, vector<16xf32>
        }
        %scan3A_416 = arith.constant 4 : i32
        %mul3A_417 = arith.constant 3.125000e-02 : f32
        %mul3A_418 = vector.broadcast %mul3A_417 : f32 to vector<16xf32>
        %mul3A_419 = arith.mulf %scan3A_415#0, %mul3A_418 : vector<16xf32>
        %add3A_420 = arith.constant 8 : i32
        %add3A_421 = arith.addi %add3A_420, %scan3A_404 : i32
        %swap3A = arith.index_cast %add3A_421 : i32 to index
        %swap3A_422 = arith.constant 0 : index
        %swap3A_423 = tpu.vector_load %arg7[%swap3A, %swap3A_422] {strides = array<i32>} : memref<24x128xf32, #tpu.memory_space<vmem>>, vector<1x16xf32>,
        %swap3A_424 = vector.shape_cast %swap3A_423 : vector<1x16xf32> to vector<16xf32>
        %swap3A_425 = vector.shape_cast %mul3A_419 : vector<16xf32> to vector<1x16xf32>
        tpu.vector_store %arg7[%swap3A, %swap3A_422], %swap3A_425 {strides = array<i32>} : memref<24x128xf32, #tpu.memory_space<vmem>>, vector<1x16xf32>,
        %mul3A_426 = arith.constant 3.125000e-02 : f32
        %mul3A_427 = vector.broadcast %mul3A_426 : f32 to vector<16xf32>
        %mul3A_428 = arith.mulf %scan3A_415#1, %mul3A_427 : vector<16xf32>
        %add3A_429 = arith.constant 8 : i32
        %add3A_430 = arith.addi %add3A_429, %scan3A_404 : i32
        %swap3A_431 = arith.index_cast %add3A_430 : i32 to index
        %swap3A_432 = arith.constant 16 : index
        %swap3A_433 = tpu.vector_load %arg7[%swap3A_431, %swap3A_432] {strides = array<i32>} : memref<24x128xf32, #tpu.memory_space<vmem>>, vector<1x16xf32>,
        %swap3A_434 = vector.shape_cast %swap3A_433 : vector<1x16xf32> to vector<16xf32>
        %swap3A_435 = vector.shape_cast %mul3A_428 : vector<16xf32> to vector<1x16xf32>
        tpu.vector_store %arg7[%swap3A_431, %swap3A_432], %swap3A_435 {strides = array<i32>} : memref<24x128xf32, #tpu.memory_space<vmem>>, vector<1x16xf32>,
        %mul3A_436 = arith.constant 3.125000e-02 : f32
        %mul3A_437 = vector.broadcast %mul3A_436 : f32 to vector<16xf32>
        %mul3A_438 = arith.mulf %scan3A_415#2, %mul3A_437 : vector<16xf32>
        %add3A_439 = arith.constant 8 : i32
        %add3A_440 = arith.addi %add3A_439, %scan3A_404 : i32
        %swap3A_441 = arith.index_cast %add3A_440 : i32 to index
        %swap3A_442 = arith.constant 32 : index
        %swap3A_443 = tpu.vector_load %arg7[%swap3A_441, %swap3A_442] {strides = array<i32>} : memref<24x128xf32, #tpu.memory_space<vmem>>, vector<1x16xf32>,
        %swap3A_444 = vector.shape_cast %swap3A_443 : vector<1x16xf32> to vector<16xf32>
        %swap3A_445 = vector.shape_cast %mul3A_438 : vector<16xf32> to vector<1x16xf32>
        tpu.vector_store %arg7[%swap3A_441, %swap3A_442], %swap3A_445 {strides = array<i32>} : memref<24x128xf32, #tpu.memory_space<vmem>>, vector<1x16xf32>,
        %mul3A_446 = arith.constant 3.125000e-02 : f32
        %mul3A_447 = vector.broadcast %mul3A_446 : f32 to vector<16xf32>
        %mul3A_448 = arith.mulf %scan3A_415#3, %mul3A_447 : vector<16xf32>
        %add3A_449 = arith.constant 8 : i32
        %add3A_450 = arith.addi %add3A_449, %scan3A_404 : i32
        %swap3A_451 = arith.index_cast %add3A_450 : i32 to index
        %swap3A_452 = arith.constant 48 : index
        %swap3A_453 = tpu.vector_load %arg7[%swap3A_451, %swap3A_452] {strides = array<i32>} : memref<24x128xf32, #tpu.memory_space<vmem>>, vector<1x16xf32>,
        %swap3A_454 = vector.shape_cast %swap3A_453 : vector<1x16xf32> to vector<16xf32>
        %swap3A_455 = vector.shape_cast %mul3A_448 : vector<16xf32> to vector<1x16xf32>
        tpu.vector_store %arg7[%swap3A_451, %swap3A_452], %swap3A_455 {strides = array<i32>} : memref<24x128xf32, #tpu.memory_space<vmem>>, vector<1x16xf32>,
        %mul3A_456 = arith.constant 3.125000e-02 : f32
        %mul3A_457 = vector.broadcast %mul3A_456 : f32 to vector<16xf32>
        %mul3A_458 = arith.mulf %scan3A_415#4, %mul3A_457 : vector<16xf32>
        %add3A_459 = arith.constant 8 : i32
        %add3A_460 = arith.addi %add3A_459, %scan3A_404 : i32
        %swap3A_461 = arith.index_cast %add3A_460 : i32 to index
        %swap3A_462 = arith.constant 64 : index
        %swap3A_463 = tpu.vector_load %arg7[%swap3A_461, %swap3A_462] {strides = array<i32>} : memref<24x128xf32, #tpu.memory_space<vmem>>, vector<1x16xf32>,
        %swap3A_464 = vector.shape_cast %swap3A_463 : vector<1x16xf32> to vector<16xf32>
        %swap3A_465 = vector.shape_cast %mul3A_458 : vector<16xf32> to vector<1x16xf32>
        tpu.vector_store %arg7[%swap3A_461, %swap3A_462], %swap3A_465 {strides = array<i32>} : memref<24x128xf32, #tpu.memory_space<vmem>>, vector<1x16xf32>,
        %mul3A_466 = arith.constant 3.125000e-02 : f32
        %mul3A_467 = vector.broadcast %mul3A_466 : f32 to vector<16xf32>
        %mul3A_468 = arith.mulf %scan3A_415#5, %mul3A_467 : vector<16xf32>
        %add3A_469 = arith.constant 8 : i32
        %add3A_470 = arith.addi %add3A_469, %scan3A_404 : i32
        %swap3A_471 = arith.index_cast %add3A_470 : i32 to index
        %swap3A_472 = arith.constant 80 : index
        %swap3A_473 = tpu.vector_load %arg7[%swap3A_471, %swap3A_472] {strides = array<i32>} : memref<24x128xf32, #tpu.memory_space<vmem>>, vector<1x16xf32>,
        %swap3A_474 = vector.shape_cast %swap3A_473 : vector<1x16xf32> to vector<16xf32>
        %swap3A_475 = vector.shape_cast %mul3A_468 : vector<16xf32> to vector<1x16xf32>
        tpu.vector_store %arg7[%swap3A_471, %swap3A_472], %swap3A_475 {strides = array<i32>} : memref<24x128xf32, #tpu.memory_space<vmem>>, vector<1x16xf32>,
        %mul3A_476 = arith.constant 3.125000e-02 : f32
        %mul3A_477 = vector.broadcast %mul3A_476 : f32 to vector<16xf32>
        %mul3A_478 = arith.mulf %scan3A_415#6, %mul3A_477 : vector<16xf32>
        %add3A_479 = arith.constant 8 : i32
        %add3A_480 = arith.addi %add3A_479, %scan3A_404 : i32
        %swap3A_481 = arith.index_cast %add3A_480 : i32 to index
        %swap3A_482 = arith.constant 96 : index
        %swap3A_483 = tpu.vector_load %arg7[%swap3A_481, %swap3A_482] {strides = array<i32>} : memref<24x128xf32, #tpu.memory_space<vmem>>, vector<1x16xf32>,
        %swap3A_484 = vector.shape_cast %swap3A_483 : vector<1x16xf32> to vector<16xf32>
        %swap3A_485 = vector.shape_cast %mul3A_478 : vector<16xf32> to vector<1x16xf32>
        tpu.vector_store %arg7[%swap3A_481, %swap3A_482], %swap3A_485 {strides = array<i32>} : memref<24x128xf32, #tpu.memory_space<vmem>>, vector<1x16xf32>,
        %mul3A_486 = arith.constant 3.125000e-02 : f32
        %mul3A_487 = vector.broadcast %mul3A_486 : f32 to vector<16xf32>
        %mul3A_488 = arith.mulf %scan3A_415#7, %mul3A_487 : vector<16xf32>
        %add3A_489 = arith.constant 8 : i32
        %add3A_490 = arith.addi %add3A_489, %scan3A_404 : i32
        %swap3A_491 = arith.index_cast %add3A_490 : i32 to index
        %swap3A_492 = arith.constant 112 : index
        %swap3A_493 = tpu.vector_load %arg7[%swap3A_491, %swap3A_492] {strides = array<i32>} : memref<24x128xf32, #tpu.memory_space<vmem>>, vector<1x16xf32>,
        %swap3A_494 = vector.shape_cast %swap3A_493 : vector<1x16xf32> to vector<16xf32>
        %swap3A_495 = vector.shape_cast %mul3A_488 : vector<16xf32> to vector<1x16xf32>
        tpu.vector_store %arg7[%swap3A_491, %swap3A_492], %swap3A_495 {strides = array<i32>} : memref<24x128xf32, #tpu.memory_space<vmem>>, vector<1x16xf32>,
        %scan3A_496 = arith.constant 0 : i32
        scf.yield %scan3A_496 : i32
      }
      %scan3A_318 = arith.constant 8 : i32
      %mul3A_319 = arith.constant 512 : i32
      %mul3A_320 = arith.muli %add3A, %mul3A_319 : i32
      %mul3A_321 = arith.constant 8 : i32
      %mul3A_322 = arith.muli %add3A_245, %mul3A_321 : i32
      %add3A_323 = arith.addi %mul3A_320, %mul3A_322 : i32
      %multiple_of3A_324 = tpu.assume_multiple %add3A_323, 8 : i32
      %dma_start3A_325 = arith.constant 8 : i32
      %dma_start3A_326 = arith.constant 0 : i32
      %dma_start3A_327 = tpu.memref_slice %arg7[%dma_start3A_325, %dma_start3A_326] : memref<24x128xf32, #tpu.memory_space<vmem>> -> memref<8x128xf32, #tpu.memory_space<vmem>>
      %dma_start3A_328 = arith.constant 0 : i32
      %dma_start3A_329 = tpu.memref_slice %arg4[%multiple_of3A_324, %dma_start3A_328] : memref<16384x128xf32, #tpu.memory_space<hbm>> -> memref<8x128xf32, #tpu.memory_space<hbm>>
      %dma_start3A_330 = arith.constant 0 : i32
      %dma_start3A_331 = tpu.memref_slice %arg4[%multiple_of3A_324, %dma_start3A_330] : memref<16384x128xf32, #tpu.memory_space<hbm>> -> memref<8x128xf32, #tpu.memory_space<hbm>>
      %dma_start3A_332 = arith.constant 8 : i32
      %dma_start3A_333 = arith.constant 0 : i32
      %dma_start3A_334 = tpu.memref_slice %arg7[%dma_start3A_332, %dma_start3A_333] : memref<24x128xf32, #tpu.memory_space<vmem>> -> memref<8x128xf32, #tpu.memory_space<vmem>>
      tpu.enqueue_dma source(%dma_start3A_334 : memref<8x128xf32, #tpu.memory_space<vmem>>) target(%dma_start3A_331 : memref<8x128xf32, #tpu.memory_space<hbm>>) target_semaphore(%arg11 : memref<!tpu.dma_semaphore, #tpu.memory_space<semaphore_mem>>)
      %mul3A_335 = arith.constant 3 : i32
      %mul3A_336 = arith.muli %scan3A_149, %mul3A_335 : i32
      %add3A_337 = arith.constant 2 : i32
      %add3A_338 = arith.addi %mul3A_336, %add3A_337 : i32
      %lt3A = arith.constant 20 : i32
      %lt3A_339 = arith.cmpi slt, %scan3A_149, %lt3A : i32
      %ge3A_340 = arith.constant 1 : i32
      %ge3A_341 = arith.cmpi sge, %scan3A_149, %ge3A_340 : i32
      %convert_element_type3A_342 = arith.extui %lt3A_339 : i1 to i32
      %cond3A_343 = arith.constant 0 : i32
      %cond3A_344 = arith.cmpi ne, %convert_element_type3A_342, %cond3A_343 : i32
      scf.if %cond3A_344 {
        %add3A_404 = arith.constant 2 : i32
        %add3A_405 = arith.addi %add3A_338, %add3A_404 : i32
        %mul3A_406 = arith.constant 2 : i32
        %mul3A_407 = arith.muli %add3A_405, %mul3A_406 : i32
        %add3A_408 = arith.constant 0 : i32
        %add3A_409 = arith.addi %mul3A_407, %add3A_408 : i32
        %mul3A_410 = arith.constant 2 : i32
        %mul3A_411 = arith.muli %add3A_405, %mul3A_410 : i32
        %add3A_412 = arith.constant 1 : i32
        %add3A_413 = arith.addi %mul3A_411, %add3A_412 : i32
        %dma_start3A_414 = arith.constant 256 : i32
        %dma_start3A_415 = arith.constant 0 : i32
        %dma_start3A_416 = tpu.memref_slice %arg6[%dma_start3A_414, %dma_start3A_415] : memref<768x128xf32, #tpu.memory_space<vmem>> -> memref<128x128xf32, #tpu.memory_space<vmem>>
        %dma_start3A_417 = arith.constant 0 : i32
        %dma_start3A_418 = tpu.memref_slice %arg5[%add3A_409, %dma_start3A_417] : memref<128x128xi32, #tpu.memory_space<vmem>> -> memref<1x128xi32, #tpu.memory_space<vmem>>
        %dma_start3A_419 = tpu.memref_squeeze %dma_start3A_418 : memref<1x128xi32, #tpu.memory_space<vmem>> -> memref<128xi32, #tpu.memory_space<vmem>>
        %dma_start3A_420 = arith.constant 0 : i32
        %dma_start3A_421 = arith.constant 0 : i32
        %dma_start3A_422 = tpu.memref_slice %arg2[%dma_start3A_420, %dma_start3A_421] : memref<100000x128xf32, #tpu.memory_space<hbm>> -> memref<100000x128xf32, #tpu.memory_space<hbm>>
        tpu.enqueue_indirect_dma source(%dma_start3A_422 : memref<100000x128xf32, #tpu.memory_space<hbm>>) target(%dma_start3A_416 : memref<128x128xf32, #tpu.memory_space<vmem>>) offsets(%dma_start3A_419 : memref<128xi32, #tpu.memory_space<vmem>>) semaphore(%arg9 : memref<!tpu.dma_semaphore, #tpu.memory_space<semaphore_mem>>)
        %dma_start3A_423 = arith.constant 384 : i32
        %dma_start3A_424 = arith.constant 0 : i32
        %dma_start3A_425 = tpu.memref_slice %arg6[%dma_start3A_423, %dma_start3A_424] : memref<768x128xf32, #tpu.memory_space<vmem>> -> memref<128x128xf32, #tpu.memory_space<vmem>>
        %dma_start3A_426 = arith.constant 0 : i32
        %dma_start3A_427 = tpu.memref_slice %arg5[%add3A_413, %dma_start3A_426] : memref<128x128xi32, #tpu.memory_space<vmem>> -> memref<1x128xi32, #tpu.memory_space<vmem>>
        %dma_start3A_428 = tpu.memref_squeeze %dma_start3A_427 : memref<1x128xi32, #tpu.memory_space<vmem>> -> memref<128xi32, #tpu.memory_space<vmem>>
        %dma_start3A_429 = arith.constant 0 : i32
        %dma_start3A_430 = arith.constant 0 : i32
        %dma_start3A_431 = tpu.memref_slice %arg2[%dma_start3A_429, %dma_start3A_430] : memref<100000x128xf32, #tpu.memory_space<hbm>> -> memref<100000x128xf32, #tpu.memory_space<hbm>>
        tpu.enqueue_indirect_dma source(%dma_start3A_431 : memref<100000x128xf32, #tpu.memory_space<hbm>>) target(%dma_start3A_425 : memref<128x128xf32, #tpu.memory_space<vmem>>) offsets(%dma_start3A_428 : memref<128xi32, #tpu.memory_space<vmem>>) semaphore(%arg9 : memref<!tpu.dma_semaphore, #tpu.memory_space<semaphore_mem>>)
      } else {
      }
      %mul3A_345 = arith.constant 2 : i32
      %mul3A_346 = arith.muli %add3A_338, %mul3A_345 : i32
      %add3A_347 = arith.constant 0 : i32
      %add3A_348 = arith.addi %mul3A_346, %add3A_347 : i32
      %mul3A_349 = arith.constant 2 : i32
      %mul3A_350 = arith.muli %add3A_338, %mul3A_349 : i32
      %add3A_351 = arith.constant 1 : i32
      %add3A_352 = arith.addi %mul3A_350, %add3A_351 : i32
      %dma_wait3A_353 = arith.constant 512 : i32
      %dma_wait3A_354 = arith.constant 0 : i32
      %dma_wait3A_355 = tpu.memref_slice %arg6[%dma_wait3A_353, %dma_wait3A_354] : memref<768x128xf32, #tpu.memory_space<vmem>> -> memref<128x128xf32, #tpu.memory_space<vmem>>
      %dma_wait3A_356 = arith.constant 0 : i32
      %dma_wait3A_357 = tpu.memref_slice %arg5[%add3A_348, %dma_wait3A_356] : memref<128x128xi32, #tpu.memory_space<vmem>> -> memref<1x128xi32, #tpu.memory_space<vmem>>
      %dma_wait3A_358 = tpu.memref_squeeze %dma_wait3A_357 : memref<1x128xi32, #tpu.memory_space<vmem>> -> memref<128xi32, #tpu.memory_space<vmem>>
      %dma_wait3A_359 = arith.constant 0 : i32
      %dma_wait3A_360 = arith.constant 0 : i32
      %dma_wait3A_361 = tpu.memref_slice %arg2[%dma_wait3A_359, %dma_wait3A_360] : memref<100000x128xf32, #tpu.memory_space<hbm>> -> memref<100000x128xf32, #tpu.memory_space<hbm>>
      tpu.wait_indirect_dma semaphore(%arg10 : memref<!tpu.dma_semaphore, #tpu.memory_space<semaphore_mem>>) src(%dma_wait3A_361 : memref<100000x128xf32, #tpu.memory_space<hbm>>) dst(%dma_wait3A_355 : memref<128x128xf32, #tpu.memory_space<vmem>>)
      %dma_wait3A_362 = arith.constant 640 : i32
      %dma_wait3A_363 = arith.constant 0 : i32
      %dma_wait3A_364 = tpu.memref_slice %arg6[%dma_wait3A_362, %dma_wait3A_363] : memref<768x128xf32, #tpu.memory_space<vmem>> -> memref<128x128xf32, #tpu.memory_space<vmem>>
      %dma_wait3A_365 = arith.constant 0 : i32
      %dma_wait3A_366 = tpu.memref_slice %arg5[%add3A_352, %dma_wait3A_365] : memref<128x128xi32, #tpu.memory_space<vmem>> -> memref<1x128xi32, #tpu.memory_space<vmem>>
      %dma_wait3A_367 = tpu.memref_squeeze %dma_wait3A_366 : memref<1x128xi32, #tpu.memory_space<vmem>> -> memref<128xi32, #tpu.memory_space<vmem>>
      %dma_wait3A_368 = arith.constant 0 : i32
      %dma_wait3A_369 = arith.constant 0 : i32
      %dma_wait3A_370 = tpu.memref_slice %arg2[%dma_wait3A_368, %dma_wait3A_369] : memref<100000x128xf32, #tpu.memory_space<hbm>> -> memref<100000x128xf32, #tpu.memory_space<hbm>>
      tpu.wait_indirect_dma semaphore(%arg10 : memref<!tpu.dma_semaphore, #tpu.memory_space<semaphore_mem>>) src(%dma_wait3A_370 : memref<100000x128xf32, #tpu.memory_space<hbm>>) dst(%dma_wait3A_364 : memref<128x128xf32, #tpu.memory_space<vmem>>)
      %mul3A_371 = arith.constant 512 : i32
      %mul3A_372 = arith.muli %add3A, %mul3A_371 : i32
      %mul3A_373 = arith.constant 8 : i32
      %mul3A_374 = arith.muli %add3A_338, %mul3A_373 : i32
      %add3A_375 = arith.addi %mul3A_372, %mul3A_374 : i32
      %multiple_of3A_376 = tpu.assume_multiple %add3A_375, 8 : i32
      %convert_element_type3A_377 = arith.extui %ge3A_341 : i1 to i32
      %cond3A_378 = arith.constant 0 : i32
      %cond3A_379 = arith.cmpi ne, %convert_element_type3A_377, %cond3A_378 : i32
      scf.if %cond3A_379 {
        %dma_wait3A_404 = arith.constant 16 : i32
        %dma_wait3A_405 = arith.constant 0 : i32
        %dma_wait3A_406 = tpu.memref_slice %arg7[%dma_wait3A_404, %dma_wait3A_405] : memref<24x128xf32, #tpu.memory_space<vmem>> -> memref<8x128xf32, #tpu.memory_space<vmem>>
        %dma_wait3A_407 = arith.constant 0 : i32
        %dma_wait3A_408 = tpu.memref_slice %arg4[%multiple_of3A_376, %dma_wait3A_407] : memref<16384x128xf32, #tpu.memory_space<hbm>> -> memref<8x128xf32, #tpu.memory_space<hbm>>
        %dma_wait3A_409 = arith.constant 0 : i32
        %dma_wait3A_410 = tpu.memref_slice %arg4[%multiple_of3A_376, %dma_wait3A_409] : memref<16384x128xf32, #tpu.memory_space<hbm>> -> memref<8x128xf32, #tpu.memory_space<hbm>>
        %dma_wait3A_411 = arith.constant 16 : i32
        %dma_wait3A_412 = arith.constant 0 : i32
        %dma_wait3A_413 = tpu.memref_slice %arg7[%dma_wait3A_411, %dma_wait3A_412] : memref<24x128xf32, #tpu.memory_space<vmem>> -> memref<8x128xf32, #tpu.memory_space<vmem>>
        tpu.wait_dma2 semaphore(%arg11 : memref<!tpu.dma_semaphore, #tpu.memory_space<semaphore_mem>>) src(%dma_wait3A_413 : memref<8x128xf32, #tpu.memory_space<vmem>>) dst(%dma_wait3A_410 : memref<8x128xf32, #tpu.memory_space<hbm>>)
      } else {
      }
      %scan3A_380 = arith.constant 0 : i32
      %scan3A_381 = arith.constant 0 : i32
      %scan3A_382 = arith.constant 8 : i32
      %scan3A_383 = arith.addi %scan3A_381, %scan3A_382 : i32
      %scan3A_384 = arith.constant 1 : i32
      %scan3A_385 = scf.for %scan3A_404 = %scan3A_381 to %scan3A_383 step %scan3A_384 iter_args(%scan3A_405 = %scan3A_380) -> (i32)  : i32 {
        %mul3A_406 = arith.constant 32 : i32
        %mul3A_407 = arith.muli %scan3A_404, %mul3A_406 : i32
        %add3A_408 = arith.constant 512 : i32
        %add3A_409 = arith.addi %add3A_408, %mul3A_407 : i32
        %broadcast_in_dim3A = arith.constant 0.000000e+00 : f32
        %broadcast_in_dim3A_410 = vector.broadcast %broadcast_in_dim3A : f32 to vector<16xf32>
        %scan3A_411 = arith.constant 0 : i32
        %scan3A_412 = arith.constant 4 : i32
        %scan3A_413 = arith.addi %scan3A_411, %scan3A_412 : i32
        %scan3A_414 = arith.constant 1 : i32
        %scan3A_415:8 = scf.for %scan3A_497 = %scan3A_411 to %scan3A_413 step %scan3A_414 iter_args(%scan3A_498 = %broadcast_in_dim3A_410, %scan3A_499 = %broadcast_in_dim3A_410, %scan3A_500 = %broadcast_in_dim3A_410, %scan3A_501 = %broadcast_in_dim3A_410, %scan3A_502 = %broadcast_in_dim3A_410, %scan3A_503 = %broadcast_in_dim3A_410, %scan3A_504 = %broadcast_in_dim3A_410, %scan3A_505 = %broadcast_in_dim3A_410) -> (vector<16xf32>, vector<16xf32>, vector<16xf32>, vector<16xf32>, vector<16xf32>, vector<16xf32>, vector<16xf32>, vector<16xf32>)  : i32 {
          %mul3A_506 = arith.constant 8 : i32
          %mul3A_507 = arith.muli %scan3A_497, %mul3A_506 : i32
          %add3A_508 = arith.addi %add3A_409, %mul3A_507 : i32
          %add3A_509 = arith.constant 0 : i32
          %add3A_510 = arith.addi %add3A_508, %add3A_509 : i32
          %get3A = arith.index_cast %add3A_510 : i32 to index
          %get3A_511 = arith.constant 0 : index
          %get3A_512 = tpu.vector_load %arg6[%get3A, %get3A_511] {strides = array<i32>} : memref<768x128xf32, #tpu.memory_space<vmem>>, vector<1x16xf32>,
          %get3A_513 = vector.shape_cast %get3A_512 : vector<1x16xf32> to vector<16xf32>
          %add3A_514 = arith.addf %scan3A_498, %get3A_513 : vector<16xf32>
          %add3A_515 = arith.constant 0 : i32
          %add3A_516 = arith.addi %add3A_508, %add3A_515 : i32
          %get3A_517 = arith.index_cast %add3A_516 : i32 to index
          %get3A_518 = arith.constant 16 : index
          %get3A_519 = tpu.vector_load %arg6[%get3A_517, %get3A_518] {strides = array<i32>} : memref<768x128xf32, #tpu.memory_space<vmem>>, vector<1x16xf32>,
          %get3A_520 = vector.shape_cast %get3A_519 : vector<1x16xf32> to vector<16xf32>
          %add3A_521 = arith.addf %scan3A_499, %get3A_520 : vector<16xf32>
          %add3A_522 = arith.constant 0 : i32
          %add3A_523 = arith.addi %add3A_508, %add3A_522 : i32
          %get3A_524 = arith.index_cast %add3A_523 : i32 to index
          %get3A_525 = arith.constant 32 : index
          %get3A_526 = tpu.vector_load %arg6[%get3A_524, %get3A_525] {strides = array<i32>} : memref<768x128xf32, #tpu.memory_space<vmem>>, vector<1x16xf32>,
          %get3A_527 = vector.shape_cast %get3A_526 : vector<1x16xf32> to vector<16xf32>
          %add3A_528 = arith.addf %scan3A_500, %get3A_527 : vector<16xf32>
          %add3A_529 = arith.constant 0 : i32
          %add3A_530 = arith.addi %add3A_508, %add3A_529 : i32
          %get3A_531 = arith.index_cast %add3A_530 : i32 to index
          %get3A_532 = arith.constant 48 : index
          %get3A_533 = tpu.vector_load %arg6[%get3A_531, %get3A_532] {strides = array<i32>} : memref<768x128xf32, #tpu.memory_space<vmem>>, vector<1x16xf32>,
          %get3A_534 = vector.shape_cast %get3A_533 : vector<1x16xf32> to vector<16xf32>
          %add3A_535 = arith.addf %scan3A_501, %get3A_534 : vector<16xf32>
          %add3A_536 = arith.constant 0 : i32
          %add3A_537 = arith.addi %add3A_508, %add3A_536 : i32
          %get3A_538 = arith.index_cast %add3A_537 : i32 to index
          %get3A_539 = arith.constant 64 : index
          %get3A_540 = tpu.vector_load %arg6[%get3A_538, %get3A_539] {strides = array<i32>} : memref<768x128xf32, #tpu.memory_space<vmem>>, vector<1x16xf32>,
          %get3A_541 = vector.shape_cast %get3A_540 : vector<1x16xf32> to vector<16xf32>
          %add3A_542 = arith.addf %scan3A_502, %get3A_541 : vector<16xf32>
          %add3A_543 = arith.constant 0 : i32
          %add3A_544 = arith.addi %add3A_508, %add3A_543 : i32
          %get3A_545 = arith.index_cast %add3A_544 : i32 to index
          %get3A_546 = arith.constant 80 : index
          %get3A_547 = tpu.vector_load %arg6[%get3A_545, %get3A_546] {strides = array<i32>} : memref<768x128xf32, #tpu.memory_space<vmem>>, vector<1x16xf32>,
          %get3A_548 = vector.shape_cast %get3A_547 : vector<1x16xf32> to vector<16xf32>
          %add3A_549 = arith.addf %scan3A_503, %get3A_548 : vector<16xf32>
          %add3A_550 = arith.constant 0 : i32
          %add3A_551 = arith.addi %add3A_508, %add3A_550 : i32
          %get3A_552 = arith.index_cast %add3A_551 : i32 to index
          %get3A_553 = arith.constant 96 : index
          %get3A_554 = tpu.vector_load %arg6[%get3A_552, %get3A_553] {strides = array<i32>} : memref<768x128xf32, #tpu.memory_space<vmem>>, vector<1x16xf32>,
          %get3A_555 = vector.shape_cast %get3A_554 : vector<1x16xf32> to vector<16xf32>
          %add3A_556 = arith.addf %scan3A_504, %get3A_555 : vector<16xf32>
          %add3A_557 = arith.constant 0 : i32
          %add3A_558 = arith.addi %add3A_508, %add3A_557 : i32
          %get3A_559 = arith.index_cast %add3A_558 : i32 to index
          %get3A_560 = arith.constant 112 : index
          %get3A_561 = tpu.vector_load %arg6[%get3A_559, %get3A_560] {strides = array<i32>} : memref<768x128xf32, #tpu.memory_space<vmem>>, vector<1x16xf32>,
          %get3A_562 = vector.shape_cast %get3A_561 : vector<1x16xf32> to vector<16xf32>
          %add3A_563 = arith.addf %scan3A_505, %get3A_562 : vector<16xf32>
          %add3A_564 = arith.constant 1 : i32
          %add3A_565 = arith.addi %add3A_508, %add3A_564 : i32
          %get3A_566 = arith.index_cast %add3A_565 : i32 to index
          %get3A_567 = arith.constant 0 : index
          %get3A_568 = tpu.vector_load %arg6[%get3A_566, %get3A_567] {strides = array<i32>} : memref<768x128xf32, #tpu.memory_space<vmem>>, vector<1x16xf32>,
          %get3A_569 = vector.shape_cast %get3A_568 : vector<1x16xf32> to vector<16xf32>
          %add3A_570 = arith.addf %add3A_514, %get3A_569 : vector<16xf32>
          %add3A_571 = arith.constant 1 : i32
          %add3A_572 = arith.addi %add3A_508, %add3A_571 : i32
          %get3A_573 = arith.index_cast %add3A_572 : i32 to index
          %get3A_574 = arith.constant 16 : index
          %get3A_575 = tpu.vector_load %arg6[%get3A_573, %get3A_574] {strides = array<i32>} : memref<768x128xf32, #tpu.memory_space<vmem>>, vector<1x16xf32>,
          %get3A_576 = vector.shape_cast %get3A_575 : vector<1x16xf32> to vector<16xf32>
          %add3A_577 = arith.addf %add3A_521, %get3A_576 : vector<16xf32>
          %add3A_578 = arith.constant 1 : i32
          %add3A_579 = arith.addi %add3A_508, %add3A_578 : i32
          %get3A_580 = arith.index_cast %add3A_579 : i32 to index
          %get3A_581 = arith.constant 32 : index
          %get3A_582 = tpu.vector_load %arg6[%get3A_580, %get3A_581] {strides = array<i32>} : memref<768x128xf32, #tpu.memory_space<vmem>>, vector<1x16xf32>,
          %get3A_583 = vector.shape_cast %get3A_582 : vector<1x16xf32> to vector<16xf32>
          %add3A_584 = arith.addf %add3A_528, %get3A_583 : vector<16xf32>
          %add3A_585 = arith.constant 1 : i32
          %add3A_586 = arith.addi %add3A_508, %add3A_585 : i32
          %get3A_587 = arith.index_cast %add3A_586 : i32 to index
          %get3A_588 = arith.constant 48 : index
          %get3A_589 = tpu.vector_load %arg6[%get3A_587, %get3A_588] {strides = array<i32>} : memref<768x128xf32, #tpu.memory_space<vmem>>, vector<1x16xf32>,
          %get3A_590 = vector.shape_cast %get3A_589 : vector<1x16xf32> to vector<16xf32>
          %add3A_591 = arith.addf %add3A_535, %get3A_590 : vector<16xf32>
          %add3A_592 = arith.constant 1 : i32
          %add3A_593 = arith.addi %add3A_508, %add3A_592 : i32
          %get3A_594 = arith.index_cast %add3A_593 : i32 to index
          %get3A_595 = arith.constant 64 : index
          %get3A_596 = tpu.vector_load %arg6[%get3A_594, %get3A_595] {strides = array<i32>} : memref<768x128xf32, #tpu.memory_space<vmem>>, vector<1x16xf32>,
          %get3A_597 = vector.shape_cast %get3A_596 : vector<1x16xf32> to vector<16xf32>
          %add3A_598 = arith.addf %add3A_542, %get3A_597 : vector<16xf32>
          %add3A_599 = arith.constant 1 : i32
          %add3A_600 = arith.addi %add3A_508, %add3A_599 : i32
          %get3A_601 = arith.index_cast %add3A_600 : i32 to index
          %get3A_602 = arith.constant 80 : index
          %get3A_603 = tpu.vector_load %arg6[%get3A_601, %get3A_602] {strides = array<i32>} : memref<768x128xf32, #tpu.memory_space<vmem>>, vector<1x16xf32>,
          %get3A_604 = vector.shape_cast %get3A_603 : vector<1x16xf32> to vector<16xf32>
          %add3A_605 = arith.addf %add3A_549, %get3A_604 : vector<16xf32>
          %add3A_606 = arith.constant 1 : i32
          %add3A_607 = arith.addi %add3A_508, %add3A_606 : i32
          %get3A_608 = arith.index_cast %add3A_607 : i32 to index
          %get3A_609 = arith.constant 96 : index
          %get3A_610 = tpu.vector_load %arg6[%get3A_608, %get3A_609] {strides = array<i32>} : memref<768x128xf32, #tpu.memory_space<vmem>>, vector<1x16xf32>,
          %get3A_611 = vector.shape_cast %get3A_610 : vector<1x16xf32> to vector<16xf32>
          %add3A_612 = arith.addf %add3A_556, %get3A_611 : vector<16xf32>
          %add3A_613 = arith.constant 1 : i32
          %add3A_614 = arith.addi %add3A_508, %add3A_613 : i32
          %get3A_615 = arith.index_cast %add3A_614 : i32 to index
          %get3A_616 = arith.constant 112 : index
          %get3A_617 = tpu.vector_load %arg6[%get3A_615, %get3A_616] {strides = array<i32>} : memref<768x128xf32, #tpu.memory_space<vmem>>, vector<1x16xf32>,
          %get3A_618 = vector.shape_cast %get3A_617 : vector<1x16xf32> to vector<16xf32>
          %add3A_619 = arith.addf %add3A_563, %get3A_618 : vector<16xf32>
          %add3A_620 = arith.constant 2 : i32
          %add3A_621 = arith.addi %add3A_508, %add3A_620 : i32
          %get3A_622 = arith.index_cast %add3A_621 : i32 to index
          %get3A_623 = arith.constant 0 : index
          %get3A_624 = tpu.vector_load %arg6[%get3A_622, %get3A_623] {strides = array<i32>} : memref<768x128xf32, #tpu.memory_space<vmem>>, vector<1x16xf32>,
          %get3A_625 = vector.shape_cast %get3A_624 : vector<1x16xf32> to vector<16xf32>
          %add3A_626 = arith.addf %add3A_570, %get3A_625 : vector<16xf32>
          %add3A_627 = arith.constant 2 : i32
          %add3A_628 = arith.addi %add3A_508, %add3A_627 : i32
          %get3A_629 = arith.index_cast %add3A_628 : i32 to index
          %get3A_630 = arith.constant 16 : index
          %get3A_631 = tpu.vector_load %arg6[%get3A_629, %get3A_630] {strides = array<i32>} : memref<768x128xf32, #tpu.memory_space<vmem>>, vector<1x16xf32>,
          %get3A_632 = vector.shape_cast %get3A_631 : vector<1x16xf32> to vector<16xf32>
          %add3A_633 = arith.addf %add3A_577, %get3A_632 : vector<16xf32>
          %add3A_634 = arith.constant 2 : i32
          %add3A_635 = arith.addi %add3A_508, %add3A_634 : i32
          %get3A_636 = arith.index_cast %add3A_635 : i32 to index
          %get3A_637 = arith.constant 32 : index
          %get3A_638 = tpu.vector_load %arg6[%get3A_636, %get3A_637] {strides = array<i32>} : memref<768x128xf32, #tpu.memory_space<vmem>>, vector<1x16xf32>,
          %get3A_639 = vector.shape_cast %get3A_638 : vector<1x16xf32> to vector<16xf32>
          %add3A_640 = arith.addf %add3A_584, %get3A_639 : vector<16xf32>
          %add3A_641 = arith.constant 2 : i32
          %add3A_642 = arith.addi %add3A_508, %add3A_641 : i32
          %get3A_643 = arith.index_cast %add3A_642 : i32 to index
          %get3A_644 = arith.constant 48 : index
          %get3A_645 = tpu.vector_load %arg6[%get3A_643, %get3A_644] {strides = array<i32>} : memref<768x128xf32, #tpu.memory_space<vmem>>, vector<1x16xf32>,
          %get3A_646 = vector.shape_cast %get3A_645 : vector<1x16xf32> to vector<16xf32>
          %add3A_647 = arith.addf %add3A_591, %get3A_646 : vector<16xf32>
          %add3A_648 = arith.constant 2 : i32
          %add3A_649 = arith.addi %add3A_508, %add3A_648 : i32
          %get3A_650 = arith.index_cast %add3A_649 : i32 to index
          %get3A_651 = arith.constant 64 : index
          %get3A_652 = tpu.vector_load %arg6[%get3A_650, %get3A_651] {strides = array<i32>} : memref<768x128xf32, #tpu.memory_space<vmem>>, vector<1x16xf32>,
          %get3A_653 = vector.shape_cast %get3A_652 : vector<1x16xf32> to vector<16xf32>
          %add3A_654 = arith.addf %add3A_598, %get3A_653 : vector<16xf32>
          %add3A_655 = arith.constant 2 : i32
          %add3A_656 = arith.addi %add3A_508, %add3A_655 : i32
          %get3A_657 = arith.index_cast %add3A_656 : i32 to index
          %get3A_658 = arith.constant 80 : index
          %get3A_659 = tpu.vector_load %arg6[%get3A_657, %get3A_658] {strides = array<i32>} : memref<768x128xf32, #tpu.memory_space<vmem>>, vector<1x16xf32>,
          %get3A_660 = vector.shape_cast %get3A_659 : vector<1x16xf32> to vector<16xf32>
          %add3A_661 = arith.addf %add3A_605, %get3A_660 : vector<16xf32>
          %add3A_662 = arith.constant 2 : i32
          %add3A_663 = arith.addi %add3A_508, %add3A_662 : i32
          %get3A_664 = arith.index_cast %add3A_663 : i32 to index
          %get3A_665 = arith.constant 96 : index
          %get3A_666 = tpu.vector_load %arg6[%get3A_664, %get3A_665] {strides = array<i32>} : memref<768x128xf32, #tpu.memory_space<vmem>>, vector<1x16xf32>,
          %get3A_667 = vector.shape_cast %get3A_666 : vector<1x16xf32> to vector<16xf32>
          %add3A_668 = arith.addf %add3A_612, %get3A_667 : vector<16xf32>
          %add3A_669 = arith.constant 2 : i32
          %add3A_670 = arith.addi %add3A_508, %add3A_669 : i32
          %get3A_671 = arith.index_cast %add3A_670 : i32 to index
          %get3A_672 = arith.constant 112 : index
          %get3A_673 = tpu.vector_load %arg6[%get3A_671, %get3A_672] {strides = array<i32>} : memref<768x128xf32, #tpu.memory_space<vmem>>, vector<1x16xf32>,
          %get3A_674 = vector.shape_cast %get3A_673 : vector<1x16xf32> to vector<16xf32>
          %add3A_675 = arith.addf %add3A_619, %get3A_674 : vector<16xf32>
          %add3A_676 = arith.constant 3 : i32
          %add3A_677 = arith.addi %add3A_508, %add3A_676 : i32
          %get3A_678 = arith.index_cast %add3A_677 : i32 to index
          %get3A_679 = arith.constant 0 : index
          %get3A_680 = tpu.vector_load %arg6[%get3A_678, %get3A_679] {strides = array<i32>} : memref<768x128xf32, #tpu.memory_space<vmem>>, vector<1x16xf32>,
          %get3A_681 = vector.shape_cast %get3A_680 : vector<1x16xf32> to vector<16xf32>
          %add3A_682 = arith.addf %add3A_626, %get3A_681 : vector<16xf32>
          %add3A_683 = arith.constant 3 : i32
          %add3A_684 = arith.addi %add3A_508, %add3A_683 : i32
          %get3A_685 = arith.index_cast %add3A_684 : i32 to index
          %get3A_686 = arith.constant 16 : index
          %get3A_687 = tpu.vector_load %arg6[%get3A_685, %get3A_686] {strides = array<i32>} : memref<768x128xf32, #tpu.memory_space<vmem>>, vector<1x16xf32>,
          %get3A_688 = vector.shape_cast %get3A_687 : vector<1x16xf32> to vector<16xf32>
          %add3A_689 = arith.addf %add3A_633, %get3A_688 : vector<16xf32>
          %add3A_690 = arith.constant 3 : i32
          %add3A_691 = arith.addi %add3A_508, %add3A_690 : i32
          %get3A_692 = arith.index_cast %add3A_691 : i32 to index
          %get3A_693 = arith.constant 32 : index
          %get3A_694 = tpu.vector_load %arg6[%get3A_692, %get3A_693] {strides = array<i32>} : memref<768x128xf32, #tpu.memory_space<vmem>>, vector<1x16xf32>,
          %get3A_695 = vector.shape_cast %get3A_694 : vector<1x16xf32> to vector<16xf32>
          %add3A_696 = arith.addf %add3A_640, %get3A_695 : vector<16xf32>
          %add3A_697 = arith.constant 3 : i32
          %add3A_698 = arith.addi %add3A_508, %add3A_697 : i32
          %get3A_699 = arith.index_cast %add3A_698 : i32 to index
          %get3A_700 = arith.constant 48 : index
          %get3A_701 = tpu.vector_load %arg6[%get3A_699, %get3A_700] {strides = array<i32>} : memref<768x128xf32, #tpu.memory_space<vmem>>, vector<1x16xf32>,
          %get3A_702 = vector.shape_cast %get3A_701 : vector<1x16xf32> to vector<16xf32>
          %add3A_703 = arith.addf %add3A_647, %get3A_702 : vector<16xf32>
          %add3A_704 = arith.constant 3 : i32
          %add3A_705 = arith.addi %add3A_508, %add3A_704 : i32
          %get3A_706 = arith.index_cast %add3A_705 : i32 to index
          %get3A_707 = arith.constant 64 : index
          %get3A_708 = tpu.vector_load %arg6[%get3A_706, %get3A_707] {strides = array<i32>} : memref<768x128xf32, #tpu.memory_space<vmem>>, vector<1x16xf32>,
          %get3A_709 = vector.shape_cast %get3A_708 : vector<1x16xf32> to vector<16xf32>
          %add3A_710 = arith.addf %add3A_654, %get3A_709 : vector<16xf32>
          %add3A_711 = arith.constant 3 : i32
          %add3A_712 = arith.addi %add3A_508, %add3A_711 : i32
          %get3A_713 = arith.index_cast %add3A_712 : i32 to index
          %get3A_714 = arith.constant 80 : index
          %get3A_715 = tpu.vector_load %arg6[%get3A_713, %get3A_714] {strides = array<i32>} : memref<768x128xf32, #tpu.memory_space<vmem>>, vector<1x16xf32>,
          %get3A_716 = vector.shape_cast %get3A_715 : vector<1x16xf32> to vector<16xf32>
          %add3A_717 = arith.addf %add3A_661, %get3A_716 : vector<16xf32>
          %add3A_718 = arith.constant 3 : i32
          %add3A_719 = arith.addi %add3A_508, %add3A_718 : i32
          %get3A_720 = arith.index_cast %add3A_719 : i32 to index
          %get3A_721 = arith.constant 96 : index
          %get3A_722 = tpu.vector_load %arg6[%get3A_720, %get3A_721] {strides = array<i32>} : memref<768x128xf32, #tpu.memory_space<vmem>>, vector<1x16xf32>,
          %get3A_723 = vector.shape_cast %get3A_722 : vector<1x16xf32> to vector<16xf32>
          %add3A_724 = arith.addf %add3A_668, %get3A_723 : vector<16xf32>
          %add3A_725 = arith.constant 3 : i32
          %add3A_726 = arith.addi %add3A_508, %add3A_725 : i32
          %get3A_727 = arith.index_cast %add3A_726 : i32 to index
          %get3A_728 = arith.constant 112 : index
          %get3A_729 = tpu.vector_load %arg6[%get3A_727, %get3A_728] {strides = array<i32>} : memref<768x128xf32, #tpu.memory_space<vmem>>, vector<1x16xf32>,
          %get3A_730 = vector.shape_cast %get3A_729 : vector<1x16xf32> to vector<16xf32>
          %add3A_731 = arith.addf %add3A_675, %get3A_730 : vector<16xf32>
          %add3A_732 = arith.constant 4 : i32
          %add3A_733 = arith.addi %add3A_508, %add3A_732 : i32
          %get3A_734 = arith.index_cast %add3A_733 : i32 to index
          %get3A_735 = arith.constant 0 : index
          %get3A_736 = tpu.vector_load %arg6[%get3A_734, %get3A_735] {strides = array<i32>} : memref<768x128xf32, #tpu.memory_space<vmem>>, vector<1x16xf32>,
          %get3A_737 = vector.shape_cast %get3A_736 : vector<1x16xf32> to vector<16xf32>
          %add3A_738 = arith.addf %add3A_682, %get3A_737 : vector<16xf32>
          %add3A_739 = arith.constant 4 : i32
          %add3A_740 = arith.addi %add3A_508, %add3A_739 : i32
          %get3A_741 = arith.index_cast %add3A_740 : i32 to index
          %get3A_742 = arith.constant 16 : index
          %get3A_743 = tpu.vector_load %arg6[%get3A_741, %get3A_742] {strides = array<i32>} : memref<768x128xf32, #tpu.memory_space<vmem>>, vector<1x16xf32>,
          %get3A_744 = vector.shape_cast %get3A_743 : vector<1x16xf32> to vector<16xf32>
          %add3A_745 = arith.addf %add3A_689, %get3A_744 : vector<16xf32>
          %add3A_746 = arith.constant 4 : i32
          %add3A_747 = arith.addi %add3A_508, %add3A_746 : i32
          %get3A_748 = arith.index_cast %add3A_747 : i32 to index
          %get3A_749 = arith.constant 32 : index
          %get3A_750 = tpu.vector_load %arg6[%get3A_748, %get3A_749] {strides = array<i32>} : memref<768x128xf32, #tpu.memory_space<vmem>>, vector<1x16xf32>,
          %get3A_751 = vector.shape_cast %get3A_750 : vector<1x16xf32> to vector<16xf32>
          %add3A_752 = arith.addf %add3A_696, %get3A_751 : vector<16xf32>
          %add3A_753 = arith.constant 4 : i32
          %add3A_754 = arith.addi %add3A_508, %add3A_753 : i32
          %get3A_755 = arith.index_cast %add3A_754 : i32 to index
          %get3A_756 = arith.constant 48 : index
          %get3A_757 = tpu.vector_load %arg6[%get3A_755, %get3A_756] {strides = array<i32>} : memref<768x128xf32, #tpu.memory_space<vmem>>, vector<1x16xf32>,
          %get3A_758 = vector.shape_cast %get3A_757 : vector<1x16xf32> to vector<16xf32>
          %add3A_759 = arith.addf %add3A_703, %get3A_758 : vector<16xf32>
          %add3A_760 = arith.constant 4 : i32
          %add3A_761 = arith.addi %add3A_508, %add3A_760 : i32
          %get3A_762 = arith.index_cast %add3A_761 : i32 to index
          %get3A_763 = arith.constant 64 : index
          %get3A_764 = tpu.vector_load %arg6[%get3A_762, %get3A_763] {strides = array<i32>} : memref<768x128xf32, #tpu.memory_space<vmem>>, vector<1x16xf32>,
          %get3A_765 = vector.shape_cast %get3A_764 : vector<1x16xf32> to vector<16xf32>
          %add3A_766 = arith.addf %add3A_710, %get3A_765 : vector<16xf32>
          %add3A_767 = arith.constant 4 : i32
          %add3A_768 = arith.addi %add3A_508, %add3A_767 : i32
          %get3A_769 = arith.index_cast %add3A_768 : i32 to index
          %get3A_770 = arith.constant 80 : index
          %get3A_771 = tpu.vector_load %arg6[%get3A_769, %get3A_770] {strides = array<i32>} : memref<768x128xf32, #tpu.memory_space<vmem>>, vector<1x16xf32>,
          %get3A_772 = vector.shape_cast %get3A_771 : vector<1x16xf32> to vector<16xf32>
          %add3A_773 = arith.addf %add3A_717, %get3A_772 : vector<16xf32>
          %add3A_774 = arith.constant 4 : i32
          %add3A_775 = arith.addi %add3A_508, %add3A_774 : i32
          %get3A_776 = arith.index_cast %add3A_775 : i32 to index
          %get3A_777 = arith.constant 96 : index
          %get3A_778 = tpu.vector_load %arg6[%get3A_776, %get3A_777] {strides = array<i32>} : memref<768x128xf32, #tpu.memory_space<vmem>>, vector<1x16xf32>,
          %get3A_779 = vector.shape_cast %get3A_778 : vector<1x16xf32> to vector<16xf32>
          %add3A_780 = arith.addf %add3A_724, %get3A_779 : vector<16xf32>
          %add3A_781 = arith.constant 4 : i32
          %add3A_782 = arith.addi %add3A_508, %add3A_781 : i32
          %get3A_783 = arith.index_cast %add3A_782 : i32 to index
          %get3A_784 = arith.constant 112 : index
          %get3A_785 = tpu.vector_load %arg6[%get3A_783, %get3A_784] {strides = array<i32>} : memref<768x128xf32, #tpu.memory_space<vmem>>, vector<1x16xf32>,
          %get3A_786 = vector.shape_cast %get3A_785 : vector<1x16xf32> to vector<16xf32>
          %add3A_787 = arith.addf %add3A_731, %get3A_786 : vector<16xf32>
          %add3A_788 = arith.constant 5 : i32
          %add3A_789 = arith.addi %add3A_508, %add3A_788 : i32
          %get3A_790 = arith.index_cast %add3A_789 : i32 to index
          %get3A_791 = arith.constant 0 : index
          %get3A_792 = tpu.vector_load %arg6[%get3A_790, %get3A_791] {strides = array<i32>} : memref<768x128xf32, #tpu.memory_space<vmem>>, vector<1x16xf32>,
          %get3A_793 = vector.shape_cast %get3A_792 : vector<1x16xf32> to vector<16xf32>
          %add3A_794 = arith.addf %add3A_738, %get3A_793 : vector<16xf32>
          %add3A_795 = arith.constant 5 : i32
          %add3A_796 = arith.addi %add3A_508, %add3A_795 : i32
          %get3A_797 = arith.index_cast %add3A_796 : i32 to index
          %get3A_798 = arith.constant 16 : index
          %get3A_799 = tpu.vector_load %arg6[%get3A_797, %get3A_798] {strides = array<i32>} : memref<768x128xf32, #tpu.memory_space<vmem>>, vector<1x16xf32>,
          %get3A_800 = vector.shape_cast %get3A_799 : vector<1x16xf32> to vector<16xf32>
          %add3A_801 = arith.addf %add3A_745, %get3A_800 : vector<16xf32>
          %add3A_802 = arith.constant 5 : i32
          %add3A_803 = arith.addi %add3A_508, %add3A_802 : i32
          %get3A_804 = arith.index_cast %add3A_803 : i32 to index
          %get3A_805 = arith.constant 32 : index
          %get3A_806 = tpu.vector_load %arg6[%get3A_804, %get3A_805] {strides = array<i32>} : memref<768x128xf32, #tpu.memory_space<vmem>>, vector<1x16xf32>,
          %get3A_807 = vector.shape_cast %get3A_806 : vector<1x16xf32> to vector<16xf32>
          %add3A_808 = arith.addf %add3A_752, %get3A_807 : vector<16xf32>
          %add3A_809 = arith.constant 5 : i32
          %add3A_810 = arith.addi %add3A_508, %add3A_809 : i32
          %get3A_811 = arith.index_cast %add3A_810 : i32 to index
          %get3A_812 = arith.constant 48 : index
          %get3A_813 = tpu.vector_load %arg6[%get3A_811, %get3A_812] {strides = array<i32>} : memref<768x128xf32, #tpu.memory_space<vmem>>, vector<1x16xf32>,
          %get3A_814 = vector.shape_cast %get3A_813 : vector<1x16xf32> to vector<16xf32>
          %add3A_815 = arith.addf %add3A_759, %get3A_814 : vector<16xf32>
          %add3A_816 = arith.constant 5 : i32
          %add3A_817 = arith.addi %add3A_508, %add3A_816 : i32
          %get3A_818 = arith.index_cast %add3A_817 : i32 to index
          %get3A_819 = arith.constant 64 : index
          %get3A_820 = tpu.vector_load %arg6[%get3A_818, %get3A_819] {strides = array<i32>} : memref<768x128xf32, #tpu.memory_space<vmem>>, vector<1x16xf32>,
          %get3A_821 = vector.shape_cast %get3A_820 : vector<1x16xf32> to vector<16xf32>
          %add3A_822 = arith.addf %add3A_766, %get3A_821 : vector<16xf32>
          %add3A_823 = arith.constant 5 : i32
          %add3A_824 = arith.addi %add3A_508, %add3A_823 : i32
          %get3A_825 = arith.index_cast %add3A_824 : i32 to index
          %get3A_826 = arith.constant 80 : index
          %get3A_827 = tpu.vector_load %arg6[%get3A_825, %get3A_826] {strides = array<i32>} : memref<768x128xf32, #tpu.memory_space<vmem>>, vector<1x16xf32>,
          %get3A_828 = vector.shape_cast %get3A_827 : vector<1x16xf32> to vector<16xf32>
          %add3A_829 = arith.addf %add3A_773, %get3A_828 : vector<16xf32>
          %add3A_830 = arith.constant 5 : i32
          %add3A_831 = arith.addi %add3A_508, %add3A_830 : i32
          %get3A_832 = arith.index_cast %add3A_831 : i32 to index
          %get3A_833 = arith.constant 96 : index
          %get3A_834 = tpu.vector_load %arg6[%get3A_832, %get3A_833] {strides = array<i32>} : memref<768x128xf32, #tpu.memory_space<vmem>>, vector<1x16xf32>,
          %get3A_835 = vector.shape_cast %get3A_834 : vector<1x16xf32> to vector<16xf32>
          %add3A_836 = arith.addf %add3A_780, %get3A_835 : vector<16xf32>
          %add3A_837 = arith.constant 5 : i32
          %add3A_838 = arith.addi %add3A_508, %add3A_837 : i32
          %get3A_839 = arith.index_cast %add3A_838 : i32 to index
          %get3A_840 = arith.constant 112 : index
          %get3A_841 = tpu.vector_load %arg6[%get3A_839, %get3A_840] {strides = array<i32>} : memref<768x128xf32, #tpu.memory_space<vmem>>, vector<1x16xf32>,
          %get3A_842 = vector.shape_cast %get3A_841 : vector<1x16xf32> to vector<16xf32>
          %add3A_843 = arith.addf %add3A_787, %get3A_842 : vector<16xf32>
          %add3A_844 = arith.constant 6 : i32
          %add3A_845 = arith.addi %add3A_508, %add3A_844 : i32
          %get3A_846 = arith.index_cast %add3A_845 : i32 to index
          %get3A_847 = arith.constant 0 : index
          %get3A_848 = tpu.vector_load %arg6[%get3A_846, %get3A_847] {strides = array<i32>} : memref<768x128xf32, #tpu.memory_space<vmem>>, vector<1x16xf32>,
          %get3A_849 = vector.shape_cast %get3A_848 : vector<1x16xf32> to vector<16xf32>
          %add3A_850 = arith.addf %add3A_794, %get3A_849 : vector<16xf32>
          %add3A_851 = arith.constant 6 : i32
          %add3A_852 = arith.addi %add3A_508, %add3A_851 : i32
          %get3A_853 = arith.index_cast %add3A_852 : i32 to index
          %get3A_854 = arith.constant 16 : index
          %get3A_855 = tpu.vector_load %arg6[%get3A_853, %get3A_854] {strides = array<i32>} : memref<768x128xf32, #tpu.memory_space<vmem>>, vector<1x16xf32>,
          %get3A_856 = vector.shape_cast %get3A_855 : vector<1x16xf32> to vector<16xf32>
          %add3A_857 = arith.addf %add3A_801, %get3A_856 : vector<16xf32>
          %add3A_858 = arith.constant 6 : i32
          %add3A_859 = arith.addi %add3A_508, %add3A_858 : i32
          %get3A_860 = arith.index_cast %add3A_859 : i32 to index
          %get3A_861 = arith.constant 32 : index
          %get3A_862 = tpu.vector_load %arg6[%get3A_860, %get3A_861] {strides = array<i32>} : memref<768x128xf32, #tpu.memory_space<vmem>>, vector<1x16xf32>,
          %get3A_863 = vector.shape_cast %get3A_862 : vector<1x16xf32> to vector<16xf32>
          %add3A_864 = arith.addf %add3A_808, %get3A_863 : vector<16xf32>
          %add3A_865 = arith.constant 6 : i32
          %add3A_866 = arith.addi %add3A_508, %add3A_865 : i32
          %get3A_867 = arith.index_cast %add3A_866 : i32 to index
          %get3A_868 = arith.constant 48 : index
          %get3A_869 = tpu.vector_load %arg6[%get3A_867, %get3A_868] {strides = array<i32>} : memref<768x128xf32, #tpu.memory_space<vmem>>, vector<1x16xf32>,
          %get3A_870 = vector.shape_cast %get3A_869 : vector<1x16xf32> to vector<16xf32>
          %add3A_871 = arith.addf %add3A_815, %get3A_870 : vector<16xf32>
          %add3A_872 = arith.constant 6 : i32
          %add3A_873 = arith.addi %add3A_508, %add3A_872 : i32
          %get3A_874 = arith.index_cast %add3A_873 : i32 to index
          %get3A_875 = arith.constant 64 : index
          %get3A_876 = tpu.vector_load %arg6[%get3A_874, %get3A_875] {strides = array<i32>} : memref<768x128xf32, #tpu.memory_space<vmem>>, vector<1x16xf32>,
          %get3A_877 = vector.shape_cast %get3A_876 : vector<1x16xf32> to vector<16xf32>
          %add3A_878 = arith.addf %add3A_822, %get3A_877 : vector<16xf32>
          %add3A_879 = arith.constant 6 : i32
          %add3A_880 = arith.addi %add3A_508, %add3A_879 : i32
          %get3A_881 = arith.index_cast %add3A_880 : i32 to index
          %get3A_882 = arith.constant 80 : index
          %get3A_883 = tpu.vector_load %arg6[%get3A_881, %get3A_882] {strides = array<i32>} : memref<768x128xf32, #tpu.memory_space<vmem>>, vector<1x16xf32>,
          %get3A_884 = vector.shape_cast %get3A_883 : vector<1x16xf32> to vector<16xf32>
          %add3A_885 = arith.addf %add3A_829, %get3A_884 : vector<16xf32>
          %add3A_886 = arith.constant 6 : i32
          %add3A_887 = arith.addi %add3A_508, %add3A_886 : i32
          %get3A_888 = arith.index_cast %add3A_887 : i32 to index
          %get3A_889 = arith.constant 96 : index
          %get3A_890 = tpu.vector_load %arg6[%get3A_888, %get3A_889] {strides = array<i32>} : memref<768x128xf32, #tpu.memory_space<vmem>>, vector<1x16xf32>,
          %get3A_891 = vector.shape_cast %get3A_890 : vector<1x16xf32> to vector<16xf32>
          %add3A_892 = arith.addf %add3A_836, %get3A_891 : vector<16xf32>
          %add3A_893 = arith.constant 6 : i32
          %add3A_894 = arith.addi %add3A_508, %add3A_893 : i32
          %get3A_895 = arith.index_cast %add3A_894 : i32 to index
          %get3A_896 = arith.constant 112 : index
          %get3A_897 = tpu.vector_load %arg6[%get3A_895, %get3A_896] {strides = array<i32>} : memref<768x128xf32, #tpu.memory_space<vmem>>, vector<1x16xf32>,
          %get3A_898 = vector.shape_cast %get3A_897 : vector<1x16xf32> to vector<16xf32>
          %add3A_899 = arith.addf %add3A_843, %get3A_898 : vector<16xf32>
          %add3A_900 = arith.constant 7 : i32
          %add3A_901 = arith.addi %add3A_508, %add3A_900 : i32
          %get3A_902 = arith.index_cast %add3A_901 : i32 to index
          %get3A_903 = arith.constant 0 : index
          %get3A_904 = tpu.vector_load %arg6[%get3A_902, %get3A_903] {strides = array<i32>} : memref<768x128xf32, #tpu.memory_space<vmem>>, vector<1x16xf32>,
          %get3A_905 = vector.shape_cast %get3A_904 : vector<1x16xf32> to vector<16xf32>
          %add3A_906 = arith.addf %add3A_850, %get3A_905 : vector<16xf32>
          %add3A_907 = arith.constant 7 : i32
          %add3A_908 = arith.addi %add3A_508, %add3A_907 : i32
          %get3A_909 = arith.index_cast %add3A_908 : i32 to index
          %get3A_910 = arith.constant 16 : index
          %get3A_911 = tpu.vector_load %arg6[%get3A_909, %get3A_910] {strides = array<i32>} : memref<768x128xf32, #tpu.memory_space<vmem>>, vector<1x16xf32>,
          %get3A_912 = vector.shape_cast %get3A_911 : vector<1x16xf32> to vector<16xf32>
          %add3A_913 = arith.addf %add3A_857, %get3A_912 : vector<16xf32>
          %add3A_914 = arith.constant 7 : i32
          %add3A_915 = arith.addi %add3A_508, %add3A_914 : i32
          %get3A_916 = arith.index_cast %add3A_915 : i32 to index
          %get3A_917 = arith.constant 32 : index
          %get3A_918 = tpu.vector_load %arg6[%get3A_916, %get3A_917] {strides = array<i32>} : memref<768x128xf32, #tpu.memory_space<vmem>>, vector<1x16xf32>,
          %get3A_919 = vector.shape_cast %get3A_918 : vector<1x16xf32> to vector<16xf32>
          %add3A_920 = arith.addf %add3A_864, %get3A_919 : vector<16xf32>
          %add3A_921 = arith.constant 7 : i32
          %add3A_922 = arith.addi %add3A_508, %add3A_921 : i32
          %get3A_923 = arith.index_cast %add3A_922 : i32 to index
          %get3A_924 = arith.constant 48 : index
          %get3A_925 = tpu.vector_load %arg6[%get3A_923, %get3A_924] {strides = array<i32>} : memref<768x128xf32, #tpu.memory_space<vmem>>, vector<1x16xf32>,
          %get3A_926 = vector.shape_cast %get3A_925 : vector<1x16xf32> to vector<16xf32>
          %add3A_927 = arith.addf %add3A_871, %get3A_926 : vector<16xf32>
          %add3A_928 = arith.constant 7 : i32
          %add3A_929 = arith.addi %add3A_508, %add3A_928 : i32
          %get3A_930 = arith.index_cast %add3A_929 : i32 to index
          %get3A_931 = arith.constant 64 : index
          %get3A_932 = tpu.vector_load %arg6[%get3A_930, %get3A_931] {strides = array<i32>} : memref<768x128xf32, #tpu.memory_space<vmem>>, vector<1x16xf32>,
          %get3A_933 = vector.shape_cast %get3A_932 : vector<1x16xf32> to vector<16xf32>
          %add3A_934 = arith.addf %add3A_878, %get3A_933 : vector<16xf32>
          %add3A_935 = arith.constant 7 : i32
          %add3A_936 = arith.addi %add3A_508, %add3A_935 : i32
          %get3A_937 = arith.index_cast %add3A_936 : i32 to index
          %get3A_938 = arith.constant 80 : index
          %get3A_939 = tpu.vector_load %arg6[%get3A_937, %get3A_938] {strides = array<i32>} : memref<768x128xf32, #tpu.memory_space<vmem>>, vector<1x16xf32>,
          %get3A_940 = vector.shape_cast %get3A_939 : vector<1x16xf32> to vector<16xf32>
          %add3A_941 = arith.addf %add3A_885, %get3A_940 : vector<16xf32>
          %add3A_942 = arith.constant 7 : i32
          %add3A_943 = arith.addi %add3A_508, %add3A_942 : i32
          %get3A_944 = arith.index_cast %add3A_943 : i32 to index
          %get3A_945 = arith.constant 96 : index
          %get3A_946 = tpu.vector_load %arg6[%get3A_944, %get3A_945] {strides = array<i32>} : memref<768x128xf32, #tpu.memory_space<vmem>>, vector<1x16xf32>,
          %get3A_947 = vector.shape_cast %get3A_946 : vector<1x16xf32> to vector<16xf32>
          %add3A_948 = arith.addf %add3A_892, %get3A_947 : vector<16xf32>
          %add3A_949 = arith.constant 7 : i32
          %add3A_950 = arith.addi %add3A_508, %add3A_949 : i32
          %get3A_951 = arith.index_cast %add3A_950 : i32 to index
          %get3A_952 = arith.constant 112 : index
          %get3A_953 = tpu.vector_load %arg6[%get3A_951, %get3A_952] {strides = array<i32>} : memref<768x128xf32, #tpu.memory_space<vmem>>, vector<1x16xf32>,
          %get3A_954 = vector.shape_cast %get3A_953 : vector<1x16xf32> to vector<16xf32>
          %add3A_955 = arith.addf %add3A_899, %get3A_954 : vector<16xf32>
          scf.yield %add3A_906, %add3A_913, %add3A_920, %add3A_927, %add3A_934, %add3A_941, %add3A_948, %add3A_955 : vector<16xf32>, vector<16xf32>, vector<16xf32>, vector<16xf32>, vector<16xf32>, vector<16xf32>, vector<16xf32>, vector<16xf32>
        }
        %scan3A_416 = arith.constant 4 : i32
        %mul3A_417 = arith.constant 3.125000e-02 : f32
        %mul3A_418 = vector.broadcast %mul3A_417 : f32 to vector<16xf32>
        %mul3A_419 = arith.mulf %scan3A_415#0, %mul3A_418 : vector<16xf32>
        %add3A_420 = arith.constant 16 : i32
        %add3A_421 = arith.addi %add3A_420, %scan3A_404 : i32
        %swap3A = arith.index_cast %add3A_421 : i32 to index
        %swap3A_422 = arith.constant 0 : index
        %swap3A_423 = tpu.vector_load %arg7[%swap3A, %swap3A_422] {strides = array<i32>} : memref<24x128xf32, #tpu.memory_space<vmem>>, vector<1x16xf32>,
        %swap3A_424 = vector.shape_cast %swap3A_423 : vector<1x16xf32> to vector<16xf32>
        %swap3A_425 = vector.shape_cast %mul3A_419 : vector<16xf32> to vector<1x16xf32>
        tpu.vector_store %arg7[%swap3A, %swap3A_422], %swap3A_425 {strides = array<i32>} : memref<24x128xf32, #tpu.memory_space<vmem>>, vector<1x16xf32>,
        %mul3A_426 = arith.constant 3.125000e-02 : f32
        %mul3A_427 = vector.broadcast %mul3A_426 : f32 to vector<16xf32>
        %mul3A_428 = arith.mulf %scan3A_415#1, %mul3A_427 : vector<16xf32>
        %add3A_429 = arith.constant 16 : i32
        %add3A_430 = arith.addi %add3A_429, %scan3A_404 : i32
        %swap3A_431 = arith.index_cast %add3A_430 : i32 to index
        %swap3A_432 = arith.constant 16 : index
        %swap3A_433 = tpu.vector_load %arg7[%swap3A_431, %swap3A_432] {strides = array<i32>} : memref<24x128xf32, #tpu.memory_space<vmem>>, vector<1x16xf32>,
        %swap3A_434 = vector.shape_cast %swap3A_433 : vector<1x16xf32> to vector<16xf32>
        %swap3A_435 = vector.shape_cast %mul3A_428 : vector<16xf32> to vector<1x16xf32>
        tpu.vector_store %arg7[%swap3A_431, %swap3A_432], %swap3A_435 {strides = array<i32>} : memref<24x128xf32, #tpu.memory_space<vmem>>, vector<1x16xf32>,
        %mul3A_436 = arith.constant 3.125000e-02 : f32
        %mul3A_437 = vector.broadcast %mul3A_436 : f32 to vector<16xf32>
        %mul3A_438 = arith.mulf %scan3A_415#2, %mul3A_437 : vector<16xf32>
        %add3A_439 = arith.constant 16 : i32
        %add3A_440 = arith.addi %add3A_439, %scan3A_404 : i32
        %swap3A_441 = arith.index_cast %add3A_440 : i32 to index
        %swap3A_442 = arith.constant 32 : index
        %swap3A_443 = tpu.vector_load %arg7[%swap3A_441, %swap3A_442] {strides = array<i32>} : memref<24x128xf32, #tpu.memory_space<vmem>>, vector<1x16xf32>,
        %swap3A_444 = vector.shape_cast %swap3A_443 : vector<1x16xf32> to vector<16xf32>
        %swap3A_445 = vector.shape_cast %mul3A_438 : vector<16xf32> to vector<1x16xf32>
        tpu.vector_store %arg7[%swap3A_441, %swap3A_442], %swap3A_445 {strides = array<i32>} : memref<24x128xf32, #tpu.memory_space<vmem>>, vector<1x16xf32>,
        %mul3A_446 = arith.constant 3.125000e-02 : f32
        %mul3A_447 = vector.broadcast %mul3A_446 : f32 to vector<16xf32>
        %mul3A_448 = arith.mulf %scan3A_415#3, %mul3A_447 : vector<16xf32>
        %add3A_449 = arith.constant 16 : i32
        %add3A_450 = arith.addi %add3A_449, %scan3A_404 : i32
        %swap3A_451 = arith.index_cast %add3A_450 : i32 to index
        %swap3A_452 = arith.constant 48 : index
        %swap3A_453 = tpu.vector_load %arg7[%swap3A_451, %swap3A_452] {strides = array<i32>} : memref<24x128xf32, #tpu.memory_space<vmem>>, vector<1x16xf32>,
        %swap3A_454 = vector.shape_cast %swap3A_453 : vector<1x16xf32> to vector<16xf32>
        %swap3A_455 = vector.shape_cast %mul3A_448 : vector<16xf32> to vector<1x16xf32>
        tpu.vector_store %arg7[%swap3A_451, %swap3A_452], %swap3A_455 {strides = array<i32>} : memref<24x128xf32, #tpu.memory_space<vmem>>, vector<1x16xf32>,
        %mul3A_456 = arith.constant 3.125000e-02 : f32
        %mul3A_457 = vector.broadcast %mul3A_456 : f32 to vector<16xf32>
        %mul3A_458 = arith.mulf %scan3A_415#4, %mul3A_457 : vector<16xf32>
        %add3A_459 = arith.constant 16 : i32
        %add3A_460 = arith.addi %add3A_459, %scan3A_404 : i32
        %swap3A_461 = arith.index_cast %add3A_460 : i32 to index
        %swap3A_462 = arith.constant 64 : index
        %swap3A_463 = tpu.vector_load %arg7[%swap3A_461, %swap3A_462] {strides = array<i32>} : memref<24x128xf32, #tpu.memory_space<vmem>>, vector<1x16xf32>,
        %swap3A_464 = vector.shape_cast %swap3A_463 : vector<1x16xf32> to vector<16xf32>
        %swap3A_465 = vector.shape_cast %mul3A_458 : vector<16xf32> to vector<1x16xf32>
        tpu.vector_store %arg7[%swap3A_461, %swap3A_462], %swap3A_465 {strides = array<i32>} : memref<24x128xf32, #tpu.memory_space<vmem>>, vector<1x16xf32>,
        %mul3A_466 = arith.constant 3.125000e-02 : f32
        %mul3A_467 = vector.broadcast %mul3A_466 : f32 to vector<16xf32>
        %mul3A_468 = arith.mulf %scan3A_415#5, %mul3A_467 : vector<16xf32>
        %add3A_469 = arith.constant 16 : i32
        %add3A_470 = arith.addi %add3A_469, %scan3A_404 : i32
        %swap3A_471 = arith.index_cast %add3A_470 : i32 to index
        %swap3A_472 = arith.constant 80 : index
        %swap3A_473 = tpu.vector_load %arg7[%swap3A_471, %swap3A_472] {strides = array<i32>} : memref<24x128xf32, #tpu.memory_space<vmem>>, vector<1x16xf32>,
        %swap3A_474 = vector.shape_cast %swap3A_473 : vector<1x16xf32> to vector<16xf32>
        %swap3A_475 = vector.shape_cast %mul3A_468 : vector<16xf32> to vector<1x16xf32>
        tpu.vector_store %arg7[%swap3A_471, %swap3A_472], %swap3A_475 {strides = array<i32>} : memref<24x128xf32, #tpu.memory_space<vmem>>, vector<1x16xf32>,
        %mul3A_476 = arith.constant 3.125000e-02 : f32
        %mul3A_477 = vector.broadcast %mul3A_476 : f32 to vector<16xf32>
        %mul3A_478 = arith.mulf %scan3A_415#6, %mul3A_477 : vector<16xf32>
        %add3A_479 = arith.constant 16 : i32
        %add3A_480 = arith.addi %add3A_479, %scan3A_404 : i32
        %swap3A_481 = arith.index_cast %add3A_480 : i32 to index
        %swap3A_482 = arith.constant 96 : index
        %swap3A_483 = tpu.vector_load %arg7[%swap3A_481, %swap3A_482] {strides = array<i32>} : memref<24x128xf32, #tpu.memory_space<vmem>>, vector<1x16xf32>,
        %swap3A_484 = vector.shape_cast %swap3A_483 : vector<1x16xf32> to vector<16xf32>
        %swap3A_485 = vector.shape_cast %mul3A_478 : vector<16xf32> to vector<1x16xf32>
        tpu.vector_store %arg7[%swap3A_481, %swap3A_482], %swap3A_485 {strides = array<i32>} : memref<24x128xf32, #tpu.memory_space<vmem>>, vector<1x16xf32>,
        %mul3A_486 = arith.constant 3.125000e-02 : f32
        %mul3A_487 = vector.broadcast %mul3A_486 : f32 to vector<16xf32>
        %mul3A_488 = arith.mulf %scan3A_415#7, %mul3A_487 : vector<16xf32>
        %add3A_489 = arith.constant 16 : i32
        %add3A_490 = arith.addi %add3A_489, %scan3A_404 : i32
        %swap3A_491 = arith.index_cast %add3A_490 : i32 to index
        %swap3A_492 = arith.constant 112 : index
        %swap3A_493 = tpu.vector_load %arg7[%swap3A_491, %swap3A_492] {strides = array<i32>} : memref<24x128xf32, #tpu.memory_space<vmem>>, vector<1x16xf32>,
        %swap3A_494 = vector.shape_cast %swap3A_493 : vector<1x16xf32> to vector<16xf32>
        %swap3A_495 = vector.shape_cast %mul3A_488 : vector<16xf32> to vector<1x16xf32>
        tpu.vector_store %arg7[%swap3A_491, %swap3A_492], %swap3A_495 {strides = array<i32>} : memref<24x128xf32, #tpu.memory_space<vmem>>, vector<1x16xf32>,
        %scan3A_496 = arith.constant 0 : i32
        scf.yield %scan3A_496 : i32
      }
      %scan3A_386 = arith.constant 8 : i32
      %mul3A_387 = arith.constant 512 : i32
      %mul3A_388 = arith.muli %add3A, %mul3A_387 : i32
      %mul3A_389 = arith.constant 8 : i32
      %mul3A_390 = arith.muli %add3A_338, %mul3A_389 : i32
      %add3A_391 = arith.addi %mul3A_388, %mul3A_390 : i32
      %multiple_of3A_392 = tpu.assume_multiple %add3A_391, 8 : i32
      %dma_start3A_393 = arith.constant 16 : i32
      %dma_start3A_394 = arith.constant 0 : i32
      %dma_start3A_395 = tpu.memref_slice %arg7[%dma_start3A_393, %dma_start3A_394] : memref<24x128xf32, #tpu.memory_space<vmem>> -> memref<8x128xf32, #tpu.memory_space<vmem>>
      %dma_start3A_396 = arith.constant 0 : i32
      %dma_start3A_397 = tpu.memref_slice %arg4[%multiple_of3A_392, %dma_start3A_396] : memref<16384x128xf32, #tpu.memory_space<hbm>> -> memref<8x128xf32, #tpu.memory_space<hbm>>
      %dma_start3A_398 = arith.constant 0 : i32
      %dma_start3A_399 = tpu.memref_slice %arg4[%multiple_of3A_392, %dma_start3A_398] : memref<16384x128xf32, #tpu.memory_space<hbm>> -> memref<8x128xf32, #tpu.memory_space<hbm>>
      %dma_start3A_400 = arith.constant 16 : i32
      %dma_start3A_401 = arith.constant 0 : i32
      %dma_start3A_402 = tpu.memref_slice %arg7[%dma_start3A_400, %dma_start3A_401] : memref<24x128xf32, #tpu.memory_space<vmem>> -> memref<8x128xf32, #tpu.memory_space<vmem>>
      tpu.enqueue_dma source(%dma_start3A_402 : memref<8x128xf32, #tpu.memory_space<vmem>>) target(%dma_start3A_399 : memref<8x128xf32, #tpu.memory_space<hbm>>) target_semaphore(%arg11 : memref<!tpu.dma_semaphore, #tpu.memory_space<semaphore_mem>>)
      %scan3A_403 = arith.constant 0 : i32
      scf.yield %scan3A_403 : i32
    }
    %scan3A_47 = arith.constant 21 : i32
    %cond3A = arith.constant 0 : i32
    %dma_wait3A = arith.constant 126 : i32
    %dma_wait3A_48 = arith.constant 0 : i32
    %dma_wait3A_49 = arith.constant 0 : i32
    %dma_wait3A_50 = tpu.memref_slice %arg6[%dma_wait3A_48, %dma_wait3A_49] : memref<768x128xf32, #tpu.memory_space<vmem>> -> memref<128x128xf32, #tpu.memory_space<vmem>>
    %dma_wait3A_51 = arith.constant 0 : i32
    %dma_wait3A_52 = tpu.memref_slice %arg5[%dma_wait3A, %dma_wait3A_51] : memref<128x128xi32, #tpu.memory_space<vmem>> -> memref<1x128xi32, #tpu.memory_space<vmem>>
    %dma_wait3A_53 = tpu.memref_squeeze %dma_wait3A_52 : memref<1x128xi32, #tpu.memory_space<vmem>> -> memref<128xi32, #tpu.memory_space<vmem>>
    %dma_wait3A_54 = arith.constant 0 : i32
    %dma_wait3A_55 = arith.constant 0 : i32
    %dma_wait3A_56 = tpu.memref_slice %arg2[%dma_wait3A_54, %dma_wait3A_55] : memref<100000x128xf32, #tpu.memory_space<hbm>> -> memref<100000x128xf32, #tpu.memory_space<hbm>>
    tpu.wait_indirect_dma semaphore(%arg8 : memref<!tpu.dma_semaphore, #tpu.memory_space<semaphore_mem>>) src(%dma_wait3A_56 : memref<100000x128xf32, #tpu.memory_space<hbm>>) dst(%dma_wait3A_50 : memref<128x128xf32, #tpu.memory_space<vmem>>)
    %dma_wait3A_57 = arith.constant 127 : i32
    %dma_wait3A_58 = arith.constant 128 : i32
    %dma_wait3A_59 = arith.constant 0 : i32
    %dma_wait3A_60 = tpu.memref_slice %arg6[%dma_wait3A_58, %dma_wait3A_59] : memref<768x128xf32, #tpu.memory_space<vmem>> -> memref<128x128xf32, #tpu.memory_space<vmem>>
    %dma_wait3A_61 = arith.constant 0 : i32
    %dma_wait3A_62 = tpu.memref_slice %arg5[%dma_wait3A_57, %dma_wait3A_61] : memref<128x128xi32, #tpu.memory_space<vmem>> -> memref<1x128xi32, #tpu.memory_space<vmem>>
    %dma_wait3A_63 = tpu.memref_squeeze %dma_wait3A_62 : memref<1x128xi32, #tpu.memory_space<vmem>> -> memref<128xi32, #tpu.memory_space<vmem>>
    %dma_wait3A_64 = arith.constant 0 : i32
    %dma_wait3A_65 = arith.constant 0 : i32
    %dma_wait3A_66 = tpu.memref_slice %arg2[%dma_wait3A_64, %dma_wait3A_65] : memref<100000x128xf32, #tpu.memory_space<hbm>> -> memref<100000x128xf32, #tpu.memory_space<hbm>>
    tpu.wait_indirect_dma semaphore(%arg8 : memref<!tpu.dma_semaphore, #tpu.memory_space<semaphore_mem>>) src(%dma_wait3A_66 : memref<100000x128xf32, #tpu.memory_space<hbm>>) dst(%dma_wait3A_60 : memref<128x128xf32, #tpu.memory_space<vmem>>)
    %mul3A_67 = arith.constant 512 : i32
    %mul3A_68 = arith.muli %add3A, %mul3A_67 : i32
    %add3A_69 = arith.constant 504 : i32
    %add3A_70 = arith.addi %mul3A_68, %add3A_69 : i32
    %multiple_of3A = tpu.assume_multiple %add3A_70, 8 : i32
    %cond3A_71 = arith.constant 1 : i32
    %dma_wait3A_72 = arith.constant 0 : i32
    %dma_wait3A_73 = arith.constant 0 : i32
    %dma_wait3A_74 = tpu.memref_slice %arg7[%dma_wait3A_72, %dma_wait3A_73] : memref<24x128xf32, #tpu.memory_space<vmem>> -> memref<8x128xf32, #tpu.memory_space<vmem>>
    %dma_wait3A_75 = arith.constant 0 : i32
    %dma_wait3A_76 = tpu.memref_slice %arg4[%multiple_of3A, %dma_wait3A_75] : memref<16384x128xf32, #tpu.memory_space<hbm>> -> memref<8x128xf32, #tpu.memory_space<hbm>>
    %dma_wait3A_77 = arith.constant 0 : i32
    %dma_wait3A_78 = tpu.memref_slice %arg4[%multiple_of3A, %dma_wait3A_77] : memref<16384x128xf32, #tpu.memory_space<hbm>> -> memref<8x128xf32, #tpu.memory_space<hbm>>
    %dma_wait3A_79 = arith.constant 0 : i32
    %dma_wait3A_80 = arith.constant 0 : i32
    %dma_wait3A_81 = tpu.memref_slice %arg7[%dma_wait3A_79, %dma_wait3A_80] : memref<24x128xf32, #tpu.memory_space<vmem>> -> memref<8x128xf32, #tpu.memory_space<vmem>>
    tpu.wait_dma2 semaphore(%arg11 : memref<!tpu.dma_semaphore, #tpu.memory_space<semaphore_mem>>) src(%dma_wait3A_81 : memref<8x128xf32, #tpu.memory_space<vmem>>) dst(%dma_wait3A_78 : memref<8x128xf32, #tpu.memory_space<hbm>>)
    %scan3A_82 = arith.constant 0 : i32
    %scan3A_83 = arith.constant 0 : i32
    %scan3A_84 = arith.constant 8 : i32
    %scan3A_85 = arith.addi %scan3A_83, %scan3A_84 : i32
    %scan3A_86 = arith.constant 1 : i32
    %scan3A_87 = scf.for %scan3A_149 = %scan3A_83 to %scan3A_85 step %scan3A_86 iter_args(%scan3A_150 = %scan3A_82) -> (i32)  : i32 {
      %mul3A_151 = arith.constant 32 : i32
      %mul3A_152 = arith.muli %scan3A_149, %mul3A_151 : i32
      %add3A_153 = arith.constant 0 : i32
      %add3A_154 = arith.addi %add3A_153, %mul3A_152 : i32
      %broadcast_in_dim3A = arith.constant 0.000000e+00 : f32
      %broadcast_in_dim3A_155 = vector.broadcast %broadcast_in_dim3A : f32 to vector<16xf32>
      %scan3A_156 = arith.constant 0 : i32
      %scan3A_157 = arith.constant 4 : i32
      %scan3A_158 = arith.addi %scan3A_156, %scan3A_157 : i32
      %scan3A_159 = arith.constant 1 : i32
      %scan3A_160:8 = scf.for %scan3A_242 = %scan3A_156 to %scan3A_158 step %scan3A_159 iter_args(%scan3A_243 = %broadcast_in_dim3A_155, %scan3A_244 = %broadcast_in_dim3A_155, %scan3A_245 = %broadcast_in_dim3A_155, %scan3A_246 = %broadcast_in_dim3A_155, %scan3A_247 = %broadcast_in_dim3A_155, %scan3A_248 = %broadcast_in_dim3A_155, %scan3A_249 = %broadcast_in_dim3A_155, %scan3A_250 = %broadcast_in_dim3A_155) -> (vector<16xf32>, vector<16xf32>, vector<16xf32>, vector<16xf32>, vector<16xf32>, vector<16xf32>, vector<16xf32>, vector<16xf32>)  : i32 {
        %mul3A_251 = arith.constant 8 : i32
        %mul3A_252 = arith.muli %scan3A_242, %mul3A_251 : i32
        %add3A_253 = arith.addi %add3A_154, %mul3A_252 : i32
        %add3A_254 = arith.constant 0 : i32
        %add3A_255 = arith.addi %add3A_253, %add3A_254 : i32
        %get3A = arith.index_cast %add3A_255 : i32 to index
        %get3A_256 = arith.constant 0 : index
        %get3A_257 = tpu.vector_load %arg6[%get3A, %get3A_256] {strides = array<i32>} : memref<768x128xf32, #tpu.memory_space<vmem>>, vector<1x16xf32>,
        %get3A_258 = vector.shape_cast %get3A_257 : vector<1x16xf32> to vector<16xf32>
        %add3A_259 = arith.addf %scan3A_243, %get3A_258 : vector<16xf32>
        %add3A_260 = arith.constant 0 : i32
        %add3A_261 = arith.addi %add3A_253, %add3A_260 : i32
        %get3A_262 = arith.index_cast %add3A_261 : i32 to index
        %get3A_263 = arith.constant 16 : index
        %get3A_264 = tpu.vector_load %arg6[%get3A_262, %get3A_263] {strides = array<i32>} : memref<768x128xf32, #tpu.memory_space<vmem>>, vector<1x16xf32>,
        %get3A_265 = vector.shape_cast %get3A_264 : vector<1x16xf32> to vector<16xf32>
        %add3A_266 = arith.addf %scan3A_244, %get3A_265 : vector<16xf32>
        %add3A_267 = arith.constant 0 : i32
        %add3A_268 = arith.addi %add3A_253, %add3A_267 : i32
        %get3A_269 = arith.index_cast %add3A_268 : i32 to index
        %get3A_270 = arith.constant 32 : index
        %get3A_271 = tpu.vector_load %arg6[%get3A_269, %get3A_270] {strides = array<i32>} : memref<768x128xf32, #tpu.memory_space<vmem>>, vector<1x16xf32>,
        %get3A_272 = vector.shape_cast %get3A_271 : vector<1x16xf32> to vector<16xf32>
        %add3A_273 = arith.addf %scan3A_245, %get3A_272 : vector<16xf32>
        %add3A_274 = arith.constant 0 : i32
        %add3A_275 = arith.addi %add3A_253, %add3A_274 : i32
        %get3A_276 = arith.index_cast %add3A_275 : i32 to index
        %get3A_277 = arith.constant 48 : index
        %get3A_278 = tpu.vector_load %arg6[%get3A_276, %get3A_277] {strides = array<i32>} : memref<768x128xf32, #tpu.memory_space<vmem>>, vector<1x16xf32>,
        %get3A_279 = vector.shape_cast %get3A_278 : vector<1x16xf32> to vector<16xf32>
        %add3A_280 = arith.addf %scan3A_246, %get3A_279 : vector<16xf32>
        %add3A_281 = arith.constant 0 : i32
        %add3A_282 = arith.addi %add3A_253, %add3A_281 : i32
        %get3A_283 = arith.index_cast %add3A_282 : i32 to index
        %get3A_284 = arith.constant 64 : index
        %get3A_285 = tpu.vector_load %arg6[%get3A_283, %get3A_284] {strides = array<i32>} : memref<768x128xf32, #tpu.memory_space<vmem>>, vector<1x16xf32>,
        %get3A_286 = vector.shape_cast %get3A_285 : vector<1x16xf32> to vector<16xf32>
        %add3A_287 = arith.addf %scan3A_247, %get3A_286 : vector<16xf32>
        %add3A_288 = arith.constant 0 : i32
        %add3A_289 = arith.addi %add3A_253, %add3A_288 : i32
        %get3A_290 = arith.index_cast %add3A_289 : i32 to index
        %get3A_291 = arith.constant 80 : index
        %get3A_292 = tpu.vector_load %arg6[%get3A_290, %get3A_291] {strides = array<i32>} : memref<768x128xf32, #tpu.memory_space<vmem>>, vector<1x16xf32>,
        %get3A_293 = vector.shape_cast %get3A_292 : vector<1x16xf32> to vector<16xf32>
        %add3A_294 = arith.addf %scan3A_248, %get3A_293 : vector<16xf32>
        %add3A_295 = arith.constant 0 : i32
        %add3A_296 = arith.addi %add3A_253, %add3A_295 : i32
        %get3A_297 = arith.index_cast %add3A_296 : i32 to index
        %get3A_298 = arith.constant 96 : index
        %get3A_299 = tpu.vector_load %arg6[%get3A_297, %get3A_298] {strides = array<i32>} : memref<768x128xf32, #tpu.memory_space<vmem>>, vector<1x16xf32>,
        %get3A_300 = vector.shape_cast %get3A_299 : vector<1x16xf32> to vector<16xf32>
        %add3A_301 = arith.addf %scan3A_249, %get3A_300 : vector<16xf32>
        %add3A_302 = arith.constant 0 : i32
        %add3A_303 = arith.addi %add3A_253, %add3A_302 : i32
        %get3A_304 = arith.index_cast %add3A_303 : i32 to index
        %get3A_305 = arith.constant 112 : index
        %get3A_306 = tpu.vector_load %arg6[%get3A_304, %get3A_305] {strides = array<i32>} : memref<768x128xf32, #tpu.memory_space<vmem>>, vector<1x16xf32>,
        %get3A_307 = vector.shape_cast %get3A_306 : vector<1x16xf32> to vector<16xf32>
        %add3A_308 = arith.addf %scan3A_250, %get3A_307 : vector<16xf32>
        %add3A_309 = arith.constant 1 : i32
        %add3A_310 = arith.addi %add3A_253, %add3A_309 : i32
        %get3A_311 = arith.index_cast %add3A_310 : i32 to index
        %get3A_312 = arith.constant 0 : index
        %get3A_313 = tpu.vector_load %arg6[%get3A_311, %get3A_312] {strides = array<i32>} : memref<768x128xf32, #tpu.memory_space<vmem>>, vector<1x16xf32>,
        %get3A_314 = vector.shape_cast %get3A_313 : vector<1x16xf32> to vector<16xf32>
        %add3A_315 = arith.addf %add3A_259, %get3A_314 : vector<16xf32>
        %add3A_316 = arith.constant 1 : i32
        %add3A_317 = arith.addi %add3A_253, %add3A_316 : i32
        %get3A_318 = arith.index_cast %add3A_317 : i32 to index
        %get3A_319 = arith.constant 16 : index
        %get3A_320 = tpu.vector_load %arg6[%get3A_318, %get3A_319] {strides = array<i32>} : memref<768x128xf32, #tpu.memory_space<vmem>>, vector<1x16xf32>,
        %get3A_321 = vector.shape_cast %get3A_320 : vector<1x16xf32> to vector<16xf32>
        %add3A_322 = arith.addf %add3A_266, %get3A_321 : vector<16xf32>
        %add3A_323 = arith.constant 1 : i32
        %add3A_324 = arith.addi %add3A_253, %add3A_323 : i32
        %get3A_325 = arith.index_cast %add3A_324 : i32 to index
        %get3A_326 = arith.constant 32 : index
        %get3A_327 = tpu.vector_load %arg6[%get3A_325, %get3A_326] {strides = array<i32>} : memref<768x128xf32, #tpu.memory_space<vmem>>, vector<1x16xf32>,
        %get3A_328 = vector.shape_cast %get3A_327 : vector<1x16xf32> to vector<16xf32>
        %add3A_329 = arith.addf %add3A_273, %get3A_328 : vector<16xf32>
        %add3A_330 = arith.constant 1 : i32
        %add3A_331 = arith.addi %add3A_253, %add3A_330 : i32
        %get3A_332 = arith.index_cast %add3A_331 : i32 to index
        %get3A_333 = arith.constant 48 : index
        %get3A_334 = tpu.vector_load %arg6[%get3A_332, %get3A_333] {strides = array<i32>} : memref<768x128xf32, #tpu.memory_space<vmem>>, vector<1x16xf32>,
        %get3A_335 = vector.shape_cast %get3A_334 : vector<1x16xf32> to vector<16xf32>
        %add3A_336 = arith.addf %add3A_280, %get3A_335 : vector<16xf32>
        %add3A_337 = arith.constant 1 : i32
        %add3A_338 = arith.addi %add3A_253, %add3A_337 : i32
        %get3A_339 = arith.index_cast %add3A_338 : i32 to index
        %get3A_340 = arith.constant 64 : index
        %get3A_341 = tpu.vector_load %arg6[%get3A_339, %get3A_340] {strides = array<i32>} : memref<768x128xf32, #tpu.memory_space<vmem>>, vector<1x16xf32>,
        %get3A_342 = vector.shape_cast %get3A_341 : vector<1x16xf32> to vector<16xf32>
        %add3A_343 = arith.addf %add3A_287, %get3A_342 : vector<16xf32>
        %add3A_344 = arith.constant 1 : i32
        %add3A_345 = arith.addi %add3A_253, %add3A_344 : i32
        %get3A_346 = arith.index_cast %add3A_345 : i32 to index
        %get3A_347 = arith.constant 80 : index
        %get3A_348 = tpu.vector_load %arg6[%get3A_346, %get3A_347] {strides = array<i32>} : memref<768x128xf32, #tpu.memory_space<vmem>>, vector<1x16xf32>,
        %get3A_349 = vector.shape_cast %get3A_348 : vector<1x16xf32> to vector<16xf32>
        %add3A_350 = arith.addf %add3A_294, %get3A_349 : vector<16xf32>
        %add3A_351 = arith.constant 1 : i32
        %add3A_352 = arith.addi %add3A_253, %add3A_351 : i32
        %get3A_353 = arith.index_cast %add3A_352 : i32 to index
        %get3A_354 = arith.constant 96 : index
        %get3A_355 = tpu.vector_load %arg6[%get3A_353, %get3A_354] {strides = array<i32>} : memref<768x128xf32, #tpu.memory_space<vmem>>, vector<1x16xf32>,
        %get3A_356 = vector.shape_cast %get3A_355 : vector<1x16xf32> to vector<16xf32>
        %add3A_357 = arith.addf %add3A_301, %get3A_356 : vector<16xf32>
        %add3A_358 = arith.constant 1 : i32
        %add3A_359 = arith.addi %add3A_253, %add3A_358 : i32
        %get3A_360 = arith.index_cast %add3A_359 : i32 to index
        %get3A_361 = arith.constant 112 : index
        %get3A_362 = tpu.vector_load %arg6[%get3A_360, %get3A_361] {strides = array<i32>} : memref<768x128xf32, #tpu.memory_space<vmem>>, vector<1x16xf32>,
        %get3A_363 = vector.shape_cast %get3A_362 : vector<1x16xf32> to vector<16xf32>
        %add3A_364 = arith.addf %add3A_308, %get3A_363 : vector<16xf32>
        %add3A_365 = arith.constant 2 : i32
        %add3A_366 = arith.addi %add3A_253, %add3A_365 : i32
        %get3A_367 = arith.index_cast %add3A_366 : i32 to index
        %get3A_368 = arith.constant 0 : index
        %get3A_369 = tpu.vector_load %arg6[%get3A_367, %get3A_368] {strides = array<i32>} : memref<768x128xf32, #tpu.memory_space<vmem>>, vector<1x16xf32>,
        %get3A_370 = vector.shape_cast %get3A_369 : vector<1x16xf32> to vector<16xf32>
        %add3A_371 = arith.addf %add3A_315, %get3A_370 : vector<16xf32>
        %add3A_372 = arith.constant 2 : i32
        %add3A_373 = arith.addi %add3A_253, %add3A_372 : i32
        %get3A_374 = arith.index_cast %add3A_373 : i32 to index
        %get3A_375 = arith.constant 16 : index
        %get3A_376 = tpu.vector_load %arg6[%get3A_374, %get3A_375] {strides = array<i32>} : memref<768x128xf32, #tpu.memory_space<vmem>>, vector<1x16xf32>,
        %get3A_377 = vector.shape_cast %get3A_376 : vector<1x16xf32> to vector<16xf32>
        %add3A_378 = arith.addf %add3A_322, %get3A_377 : vector<16xf32>
        %add3A_379 = arith.constant 2 : i32
        %add3A_380 = arith.addi %add3A_253, %add3A_379 : i32
        %get3A_381 = arith.index_cast %add3A_380 : i32 to index
        %get3A_382 = arith.constant 32 : index
        %get3A_383 = tpu.vector_load %arg6[%get3A_381, %get3A_382] {strides = array<i32>} : memref<768x128xf32, #tpu.memory_space<vmem>>, vector<1x16xf32>,
        %get3A_384 = vector.shape_cast %get3A_383 : vector<1x16xf32> to vector<16xf32>
        %add3A_385 = arith.addf %add3A_329, %get3A_384 : vector<16xf32>
        %add3A_386 = arith.constant 2 : i32
        %add3A_387 = arith.addi %add3A_253, %add3A_386 : i32
        %get3A_388 = arith.index_cast %add3A_387 : i32 to index
        %get3A_389 = arith.constant 48 : index
        %get3A_390 = tpu.vector_load %arg6[%get3A_388, %get3A_389] {strides = array<i32>} : memref<768x128xf32, #tpu.memory_space<vmem>>, vector<1x16xf32>,
        %get3A_391 = vector.shape_cast %get3A_390 : vector<1x16xf32> to vector<16xf32>
        %add3A_392 = arith.addf %add3A_336, %get3A_391 : vector<16xf32>
        %add3A_393 = arith.constant 2 : i32
        %add3A_394 = arith.addi %add3A_253, %add3A_393 : i32
        %get3A_395 = arith.index_cast %add3A_394 : i32 to index
        %get3A_396 = arith.constant 64 : index
        %get3A_397 = tpu.vector_load %arg6[%get3A_395, %get3A_396] {strides = array<i32>} : memref<768x128xf32, #tpu.memory_space<vmem>>, vector<1x16xf32>,
        %get3A_398 = vector.shape_cast %get3A_397 : vector<1x16xf32> to vector<16xf32>
        %add3A_399 = arith.addf %add3A_343, %get3A_398 : vector<16xf32>
        %add3A_400 = arith.constant 2 : i32
        %add3A_401 = arith.addi %add3A_253, %add3A_400 : i32
        %get3A_402 = arith.index_cast %add3A_401 : i32 to index
        %get3A_403 = arith.constant 80 : index
        %get3A_404 = tpu.vector_load %arg6[%get3A_402, %get3A_403] {strides = array<i32>} : memref<768x128xf32, #tpu.memory_space<vmem>>, vector<1x16xf32>,
        %get3A_405 = vector.shape_cast %get3A_404 : vector<1x16xf32> to vector<16xf32>
        %add3A_406 = arith.addf %add3A_350, %get3A_405 : vector<16xf32>
        %add3A_407 = arith.constant 2 : i32
        %add3A_408 = arith.addi %add3A_253, %add3A_407 : i32
        %get3A_409 = arith.index_cast %add3A_408 : i32 to index
        %get3A_410 = arith.constant 96 : index
        %get3A_411 = tpu.vector_load %arg6[%get3A_409, %get3A_410] {strides = array<i32>} : memref<768x128xf32, #tpu.memory_space<vmem>>, vector<1x16xf32>,
        %get3A_412 = vector.shape_cast %get3A_411 : vector<1x16xf32> to vector<16xf32>
        %add3A_413 = arith.addf %add3A_357, %get3A_412 : vector<16xf32>
        %add3A_414 = arith.constant 2 : i32
        %add3A_415 = arith.addi %add3A_253, %add3A_414 : i32
        %get3A_416 = arith.index_cast %add3A_415 : i32 to index
        %get3A_417 = arith.constant 112 : index
        %get3A_418 = tpu.vector_load %arg6[%get3A_416, %get3A_417] {strides = array<i32>} : memref<768x128xf32, #tpu.memory_space<vmem>>, vector<1x16xf32>,
        %get3A_419 = vector.shape_cast %get3A_418 : vector<1x16xf32> to vector<16xf32>
        %add3A_420 = arith.addf %add3A_364, %get3A_419 : vector<16xf32>
        %add3A_421 = arith.constant 3 : i32
        %add3A_422 = arith.addi %add3A_253, %add3A_421 : i32
        %get3A_423 = arith.index_cast %add3A_422 : i32 to index
        %get3A_424 = arith.constant 0 : index
        %get3A_425 = tpu.vector_load %arg6[%get3A_423, %get3A_424] {strides = array<i32>} : memref<768x128xf32, #tpu.memory_space<vmem>>, vector<1x16xf32>,
        %get3A_426 = vector.shape_cast %get3A_425 : vector<1x16xf32> to vector<16xf32>
        %add3A_427 = arith.addf %add3A_371, %get3A_426 : vector<16xf32>
        %add3A_428 = arith.constant 3 : i32
        %add3A_429 = arith.addi %add3A_253, %add3A_428 : i32
        %get3A_430 = arith.index_cast %add3A_429 : i32 to index
        %get3A_431 = arith.constant 16 : index
        %get3A_432 = tpu.vector_load %arg6[%get3A_430, %get3A_431] {strides = array<i32>} : memref<768x128xf32, #tpu.memory_space<vmem>>, vector<1x16xf32>,
        %get3A_433 = vector.shape_cast %get3A_432 : vector<1x16xf32> to vector<16xf32>
        %add3A_434 = arith.addf %add3A_378, %get3A_433 : vector<16xf32>
        %add3A_435 = arith.constant 3 : i32
        %add3A_436 = arith.addi %add3A_253, %add3A_435 : i32
        %get3A_437 = arith.index_cast %add3A_436 : i32 to index
        %get3A_438 = arith.constant 32 : index
        %get3A_439 = tpu.vector_load %arg6[%get3A_437, %get3A_438] {strides = array<i32>} : memref<768x128xf32, #tpu.memory_space<vmem>>, vector<1x16xf32>,
        %get3A_440 = vector.shape_cast %get3A_439 : vector<1x16xf32> to vector<16xf32>
        %add3A_441 = arith.addf %add3A_385, %get3A_440 : vector<16xf32>
        %add3A_442 = arith.constant 3 : i32
        %add3A_443 = arith.addi %add3A_253, %add3A_442 : i32
        %get3A_444 = arith.index_cast %add3A_443 : i32 to index
        %get3A_445 = arith.constant 48 : index
        %get3A_446 = tpu.vector_load %arg6[%get3A_444, %get3A_445] {strides = array<i32>} : memref<768x128xf32, #tpu.memory_space<vmem>>, vector<1x16xf32>,
        %get3A_447 = vector.shape_cast %get3A_446 : vector<1x16xf32> to vector<16xf32>
        %add3A_448 = arith.addf %add3A_392, %get3A_447 : vector<16xf32>
        %add3A_449 = arith.constant 3 : i32
        %add3A_450 = arith.addi %add3A_253, %add3A_449 : i32
        %get3A_451 = arith.index_cast %add3A_450 : i32 to index
        %get3A_452 = arith.constant 64 : index
        %get3A_453 = tpu.vector_load %arg6[%get3A_451, %get3A_452] {strides = array<i32>} : memref<768x128xf32, #tpu.memory_space<vmem>>, vector<1x16xf32>,
        %get3A_454 = vector.shape_cast %get3A_453 : vector<1x16xf32> to vector<16xf32>
        %add3A_455 = arith.addf %add3A_399, %get3A_454 : vector<16xf32>
        %add3A_456 = arith.constant 3 : i32
        %add3A_457 = arith.addi %add3A_253, %add3A_456 : i32
        %get3A_458 = arith.index_cast %add3A_457 : i32 to index
        %get3A_459 = arith.constant 80 : index
        %get3A_460 = tpu.vector_load %arg6[%get3A_458, %get3A_459] {strides = array<i32>} : memref<768x128xf32, #tpu.memory_space<vmem>>, vector<1x16xf32>,
        %get3A_461 = vector.shape_cast %get3A_460 : vector<1x16xf32> to vector<16xf32>
        %add3A_462 = arith.addf %add3A_406, %get3A_461 : vector<16xf32>
        %add3A_463 = arith.constant 3 : i32
        %add3A_464 = arith.addi %add3A_253, %add3A_463 : i32
        %get3A_465 = arith.index_cast %add3A_464 : i32 to index
        %get3A_466 = arith.constant 96 : index
        %get3A_467 = tpu.vector_load %arg6[%get3A_465, %get3A_466] {strides = array<i32>} : memref<768x128xf32, #tpu.memory_space<vmem>>, vector<1x16xf32>,
        %get3A_468 = vector.shape_cast %get3A_467 : vector<1x16xf32> to vector<16xf32>
        %add3A_469 = arith.addf %add3A_413, %get3A_468 : vector<16xf32>
        %add3A_470 = arith.constant 3 : i32
        %add3A_471 = arith.addi %add3A_253, %add3A_470 : i32
        %get3A_472 = arith.index_cast %add3A_471 : i32 to index
        %get3A_473 = arith.constant 112 : index
        %get3A_474 = tpu.vector_load %arg6[%get3A_472, %get3A_473] {strides = array<i32>} : memref<768x128xf32, #tpu.memory_space<vmem>>, vector<1x16xf32>,
        %get3A_475 = vector.shape_cast %get3A_474 : vector<1x16xf32> to vector<16xf32>
        %add3A_476 = arith.addf %add3A_420, %get3A_475 : vector<16xf32>
        %add3A_477 = arith.constant 4 : i32
        %add3A_478 = arith.addi %add3A_253, %add3A_477 : i32
        %get3A_479 = arith.index_cast %add3A_478 : i32 to index
        %get3A_480 = arith.constant 0 : index
        %get3A_481 = tpu.vector_load %arg6[%get3A_479, %get3A_480] {strides = array<i32>} : memref<768x128xf32, #tpu.memory_space<vmem>>, vector<1x16xf32>,
        %get3A_482 = vector.shape_cast %get3A_481 : vector<1x16xf32> to vector<16xf32>
        %add3A_483 = arith.addf %add3A_427, %get3A_482 : vector<16xf32>
        %add3A_484 = arith.constant 4 : i32
        %add3A_485 = arith.addi %add3A_253, %add3A_484 : i32
        %get3A_486 = arith.index_cast %add3A_485 : i32 to index
        %get3A_487 = arith.constant 16 : index
        %get3A_488 = tpu.vector_load %arg6[%get3A_486, %get3A_487] {strides = array<i32>} : memref<768x128xf32, #tpu.memory_space<vmem>>, vector<1x16xf32>,
        %get3A_489 = vector.shape_cast %get3A_488 : vector<1x16xf32> to vector<16xf32>
        %add3A_490 = arith.addf %add3A_434, %get3A_489 : vector<16xf32>
        %add3A_491 = arith.constant 4 : i32
        %add3A_492 = arith.addi %add3A_253, %add3A_491 : i32
        %get3A_493 = arith.index_cast %add3A_492 : i32 to index
        %get3A_494 = arith.constant 32 : index
        %get3A_495 = tpu.vector_load %arg6[%get3A_493, %get3A_494] {strides = array<i32>} : memref<768x128xf32, #tpu.memory_space<vmem>>, vector<1x16xf32>,
        %get3A_496 = vector.shape_cast %get3A_495 : vector<1x16xf32> to vector<16xf32>
        %add3A_497 = arith.addf %add3A_441, %get3A_496 : vector<16xf32>
        %add3A_498 = arith.constant 4 : i32
        %add3A_499 = arith.addi %add3A_253, %add3A_498 : i32
        %get3A_500 = arith.index_cast %add3A_499 : i32 to index
        %get3A_501 = arith.constant 48 : index
        %get3A_502 = tpu.vector_load %arg6[%get3A_500, %get3A_501] {strides = array<i32>} : memref<768x128xf32, #tpu.memory_space<vmem>>, vector<1x16xf32>,
        %get3A_503 = vector.shape_cast %get3A_502 : vector<1x16xf32> to vector<16xf32>
        %add3A_504 = arith.addf %add3A_448, %get3A_503 : vector<16xf32>
        %add3A_505 = arith.constant 4 : i32
        %add3A_506 = arith.addi %add3A_253, %add3A_505 : i32
        %get3A_507 = arith.index_cast %add3A_506 : i32 to index
        %get3A_508 = arith.constant 64 : index
        %get3A_509 = tpu.vector_load %arg6[%get3A_507, %get3A_508] {strides = array<i32>} : memref<768x128xf32, #tpu.memory_space<vmem>>, vector<1x16xf32>,
        %get3A_510 = vector.shape_cast %get3A_509 : vector<1x16xf32> to vector<16xf32>
        %add3A_511 = arith.addf %add3A_455, %get3A_510 : vector<16xf32>
        %add3A_512 = arith.constant 4 : i32
        %add3A_513 = arith.addi %add3A_253, %add3A_512 : i32
        %get3A_514 = arith.index_cast %add3A_513 : i32 to index
        %get3A_515 = arith.constant 80 : index
        %get3A_516 = tpu.vector_load %arg6[%get3A_514, %get3A_515] {strides = array<i32>} : memref<768x128xf32, #tpu.memory_space<vmem>>, vector<1x16xf32>,
        %get3A_517 = vector.shape_cast %get3A_516 : vector<1x16xf32> to vector<16xf32>
        %add3A_518 = arith.addf %add3A_462, %get3A_517 : vector<16xf32>
        %add3A_519 = arith.constant 4 : i32
        %add3A_520 = arith.addi %add3A_253, %add3A_519 : i32
        %get3A_521 = arith.index_cast %add3A_520 : i32 to index
        %get3A_522 = arith.constant 96 : index
        %get3A_523 = tpu.vector_load %arg6[%get3A_521, %get3A_522] {strides = array<i32>} : memref<768x128xf32, #tpu.memory_space<vmem>>, vector<1x16xf32>,
        %get3A_524 = vector.shape_cast %get3A_523 : vector<1x16xf32> to vector<16xf32>
        %add3A_525 = arith.addf %add3A_469, %get3A_524 : vector<16xf32>
        %add3A_526 = arith.constant 4 : i32
        %add3A_527 = arith.addi %add3A_253, %add3A_526 : i32
        %get3A_528 = arith.index_cast %add3A_527 : i32 to index
        %get3A_529 = arith.constant 112 : index
        %get3A_530 = tpu.vector_load %arg6[%get3A_528, %get3A_529] {strides = array<i32>} : memref<768x128xf32, #tpu.memory_space<vmem>>, vector<1x16xf32>,
        %get3A_531 = vector.shape_cast %get3A_530 : vector<1x16xf32> to vector<16xf32>
        %add3A_532 = arith.addf %add3A_476, %get3A_531 : vector<16xf32>
        %add3A_533 = arith.constant 5 : i32
        %add3A_534 = arith.addi %add3A_253, %add3A_533 : i32
        %get3A_535 = arith.index_cast %add3A_534 : i32 to index
        %get3A_536 = arith.constant 0 : index
        %get3A_537 = tpu.vector_load %arg6[%get3A_535, %get3A_536] {strides = array<i32>} : memref<768x128xf32, #tpu.memory_space<vmem>>, vector<1x16xf32>,
        %get3A_538 = vector.shape_cast %get3A_537 : vector<1x16xf32> to vector<16xf32>
        %add3A_539 = arith.addf %add3A_483, %get3A_538 : vector<16xf32>
        %add3A_540 = arith.constant 5 : i32
        %add3A_541 = arith.addi %add3A_253, %add3A_540 : i32
        %get3A_542 = arith.index_cast %add3A_541 : i32 to index
        %get3A_543 = arith.constant 16 : index
        %get3A_544 = tpu.vector_load %arg6[%get3A_542, %get3A_543] {strides = array<i32>} : memref<768x128xf32, #tpu.memory_space<vmem>>, vector<1x16xf32>,
        %get3A_545 = vector.shape_cast %get3A_544 : vector<1x16xf32> to vector<16xf32>
        %add3A_546 = arith.addf %add3A_490, %get3A_545 : vector<16xf32>
        %add3A_547 = arith.constant 5 : i32
        %add3A_548 = arith.addi %add3A_253, %add3A_547 : i32
        %get3A_549 = arith.index_cast %add3A_548 : i32 to index
        %get3A_550 = arith.constant 32 : index
        %get3A_551 = tpu.vector_load %arg6[%get3A_549, %get3A_550] {strides = array<i32>} : memref<768x128xf32, #tpu.memory_space<vmem>>, vector<1x16xf32>,
        %get3A_552 = vector.shape_cast %get3A_551 : vector<1x16xf32> to vector<16xf32>
        %add3A_553 = arith.addf %add3A_497, %get3A_552 : vector<16xf32>
        %add3A_554 = arith.constant 5 : i32
        %add3A_555 = arith.addi %add3A_253, %add3A_554 : i32
        %get3A_556 = arith.index_cast %add3A_555 : i32 to index
        %get3A_557 = arith.constant 48 : index
        %get3A_558 = tpu.vector_load %arg6[%get3A_556, %get3A_557] {strides = array<i32>} : memref<768x128xf32, #tpu.memory_space<vmem>>, vector<1x16xf32>,
        %get3A_559 = vector.shape_cast %get3A_558 : vector<1x16xf32> to vector<16xf32>
        %add3A_560 = arith.addf %add3A_504, %get3A_559 : vector<16xf32>
        %add3A_561 = arith.constant 5 : i32
        %add3A_562 = arith.addi %add3A_253, %add3A_561 : i32
        %get3A_563 = arith.index_cast %add3A_562 : i32 to index
        %get3A_564 = arith.constant 64 : index
        %get3A_565 = tpu.vector_load %arg6[%get3A_563, %get3A_564] {strides = array<i32>} : memref<768x128xf32, #tpu.memory_space<vmem>>, vector<1x16xf32>,
        %get3A_566 = vector.shape_cast %get3A_565 : vector<1x16xf32> to vector<16xf32>
        %add3A_567 = arith.addf %add3A_511, %get3A_566 : vector<16xf32>
        %add3A_568 = arith.constant 5 : i32
        %add3A_569 = arith.addi %add3A_253, %add3A_568 : i32
        %get3A_570 = arith.index_cast %add3A_569 : i32 to index
        %get3A_571 = arith.constant 80 : index
        %get3A_572 = tpu.vector_load %arg6[%get3A_570, %get3A_571] {strides = array<i32>} : memref<768x128xf32, #tpu.memory_space<vmem>>, vector<1x16xf32>,
        %get3A_573 = vector.shape_cast %get3A_572 : vector<1x16xf32> to vector<16xf32>
        %add3A_574 = arith.addf %add3A_518, %get3A_573 : vector<16xf32>
        %add3A_575 = arith.constant 5 : i32
        %add3A_576 = arith.addi %add3A_253, %add3A_575 : i32
        %get3A_577 = arith.index_cast %add3A_576 : i32 to index
        %get3A_578 = arith.constant 96 : index
        %get3A_579 = tpu.vector_load %arg6[%get3A_577, %get3A_578] {strides = array<i32>} : memref<768x128xf32, #tpu.memory_space<vmem>>, vector<1x16xf32>,
        %get3A_580 = vector.shape_cast %get3A_579 : vector<1x16xf32> to vector<16xf32>
        %add3A_581 = arith.addf %add3A_525, %get3A_580 : vector<16xf32>
        %add3A_582 = arith.constant 5 : i32
        %add3A_583 = arith.addi %add3A_253, %add3A_582 : i32
        %get3A_584 = arith.index_cast %add3A_583 : i32 to index
        %get3A_585 = arith.constant 112 : index
        %get3A_586 = tpu.vector_load %arg6[%get3A_584, %get3A_585] {strides = array<i32>} : memref<768x128xf32, #tpu.memory_space<vmem>>, vector<1x16xf32>,
        %get3A_587 = vector.shape_cast %get3A_586 : vector<1x16xf32> to vector<16xf32>
        %add3A_588 = arith.addf %add3A_532, %get3A_587 : vector<16xf32>
        %add3A_589 = arith.constant 6 : i32
        %add3A_590 = arith.addi %add3A_253, %add3A_589 : i32
        %get3A_591 = arith.index_cast %add3A_590 : i32 to index
        %get3A_592 = arith.constant 0 : index
        %get3A_593 = tpu.vector_load %arg6[%get3A_591, %get3A_592] {strides = array<i32>} : memref<768x128xf32, #tpu.memory_space<vmem>>, vector<1x16xf32>,
        %get3A_594 = vector.shape_cast %get3A_593 : vector<1x16xf32> to vector<16xf32>
        %add3A_595 = arith.addf %add3A_539, %get3A_594 : vector<16xf32>
        %add3A_596 = arith.constant 6 : i32
        %add3A_597 = arith.addi %add3A_253, %add3A_596 : i32
        %get3A_598 = arith.index_cast %add3A_597 : i32 to index
        %get3A_599 = arith.constant 16 : index
        %get3A_600 = tpu.vector_load %arg6[%get3A_598, %get3A_599] {strides = array<i32>} : memref<768x128xf32, #tpu.memory_space<vmem>>, vector<1x16xf32>,
        %get3A_601 = vector.shape_cast %get3A_600 : vector<1x16xf32> to vector<16xf32>
        %add3A_602 = arith.addf %add3A_546, %get3A_601 : vector<16xf32>
        %add3A_603 = arith.constant 6 : i32
        %add3A_604 = arith.addi %add3A_253, %add3A_603 : i32
        %get3A_605 = arith.index_cast %add3A_604 : i32 to index
        %get3A_606 = arith.constant 32 : index
        %get3A_607 = tpu.vector_load %arg6[%get3A_605, %get3A_606] {strides = array<i32>} : memref<768x128xf32, #tpu.memory_space<vmem>>, vector<1x16xf32>,
        %get3A_608 = vector.shape_cast %get3A_607 : vector<1x16xf32> to vector<16xf32>
        %add3A_609 = arith.addf %add3A_553, %get3A_608 : vector<16xf32>
        %add3A_610 = arith.constant 6 : i32
        %add3A_611 = arith.addi %add3A_253, %add3A_610 : i32
        %get3A_612 = arith.index_cast %add3A_611 : i32 to index
        %get3A_613 = arith.constant 48 : index
        %get3A_614 = tpu.vector_load %arg6[%get3A_612, %get3A_613] {strides = array<i32>} : memref<768x128xf32, #tpu.memory_space<vmem>>, vector<1x16xf32>,
        %get3A_615 = vector.shape_cast %get3A_614 : vector<1x16xf32> to vector<16xf32>
        %add3A_616 = arith.addf %add3A_560, %get3A_615 : vector<16xf32>
        %add3A_617 = arith.constant 6 : i32
        %add3A_618 = arith.addi %add3A_253, %add3A_617 : i32
        %get3A_619 = arith.index_cast %add3A_618 : i32 to index
        %get3A_620 = arith.constant 64 : index
        %get3A_621 = tpu.vector_load %arg6[%get3A_619, %get3A_620] {strides = array<i32>} : memref<768x128xf32, #tpu.memory_space<vmem>>, vector<1x16xf32>,
        %get3A_622 = vector.shape_cast %get3A_621 : vector<1x16xf32> to vector<16xf32>
        %add3A_623 = arith.addf %add3A_567, %get3A_622 : vector<16xf32>
        %add3A_624 = arith.constant 6 : i32
        %add3A_625 = arith.addi %add3A_253, %add3A_624 : i32
        %get3A_626 = arith.index_cast %add3A_625 : i32 to index
        %get3A_627 = arith.constant 80 : index
        %get3A_628 = tpu.vector_load %arg6[%get3A_626, %get3A_627] {strides = array<i32>} : memref<768x128xf32, #tpu.memory_space<vmem>>, vector<1x16xf32>,
        %get3A_629 = vector.shape_cast %get3A_628 : vector<1x16xf32> to vector<16xf32>
        %add3A_630 = arith.addf %add3A_574, %get3A_629 : vector<16xf32>
        %add3A_631 = arith.constant 6 : i32
        %add3A_632 = arith.addi %add3A_253, %add3A_631 : i32
        %get3A_633 = arith.index_cast %add3A_632 : i32 to index
        %get3A_634 = arith.constant 96 : index
        %get3A_635 = tpu.vector_load %arg6[%get3A_633, %get3A_634] {strides = array<i32>} : memref<768x128xf32, #tpu.memory_space<vmem>>, vector<1x16xf32>,
        %get3A_636 = vector.shape_cast %get3A_635 : vector<1x16xf32> to vector<16xf32>
        %add3A_637 = arith.addf %add3A_581, %get3A_636 : vector<16xf32>
        %add3A_638 = arith.constant 6 : i32
        %add3A_639 = arith.addi %add3A_253, %add3A_638 : i32
        %get3A_640 = arith.index_cast %add3A_639 : i32 to index
        %get3A_641 = arith.constant 112 : index
        %get3A_642 = tpu.vector_load %arg6[%get3A_640, %get3A_641] {strides = array<i32>} : memref<768x128xf32, #tpu.memory_space<vmem>>, vector<1x16xf32>,
        %get3A_643 = vector.shape_cast %get3A_642 : vector<1x16xf32> to vector<16xf32>
        %add3A_644 = arith.addf %add3A_588, %get3A_643 : vector<16xf32>
        %add3A_645 = arith.constant 7 : i32
        %add3A_646 = arith.addi %add3A_253, %add3A_645 : i32
        %get3A_647 = arith.index_cast %add3A_646 : i32 to index
        %get3A_648 = arith.constant 0 : index
        %get3A_649 = tpu.vector_load %arg6[%get3A_647, %get3A_648] {strides = array<i32>} : memref<768x128xf32, #tpu.memory_space<vmem>>, vector<1x16xf32>,
        %get3A_650 = vector.shape_cast %get3A_649 : vector<1x16xf32> to vector<16xf32>
        %add3A_651 = arith.addf %add3A_595, %get3A_650 : vector<16xf32>
        %add3A_652 = arith.constant 7 : i32
        %add3A_653 = arith.addi %add3A_253, %add3A_652 : i32
        %get3A_654 = arith.index_cast %add3A_653 : i32 to index
        %get3A_655 = arith.constant 16 : index
        %get3A_656 = tpu.vector_load %arg6[%get3A_654, %get3A_655] {strides = array<i32>} : memref<768x128xf32, #tpu.memory_space<vmem>>, vector<1x16xf32>,
        %get3A_657 = vector.shape_cast %get3A_656 : vector<1x16xf32> to vector<16xf32>
        %add3A_658 = arith.addf %add3A_602, %get3A_657 : vector<16xf32>
        %add3A_659 = arith.constant 7 : i32
        %add3A_660 = arith.addi %add3A_253, %add3A_659 : i32
        %get3A_661 = arith.index_cast %add3A_660 : i32 to index
        %get3A_662 = arith.constant 32 : index
        %get3A_663 = tpu.vector_load %arg6[%get3A_661, %get3A_662] {strides = array<i32>} : memref<768x128xf32, #tpu.memory_space<vmem>>, vector<1x16xf32>,
        %get3A_664 = vector.shape_cast %get3A_663 : vector<1x16xf32> to vector<16xf32>
        %add3A_665 = arith.addf %add3A_609, %get3A_664 : vector<16xf32>
        %add3A_666 = arith.constant 7 : i32
        %add3A_667 = arith.addi %add3A_253, %add3A_666 : i32
        %get3A_668 = arith.index_cast %add3A_667 : i32 to index
        %get3A_669 = arith.constant 48 : index
        %get3A_670 = tpu.vector_load %arg6[%get3A_668, %get3A_669] {strides = array<i32>} : memref<768x128xf32, #tpu.memory_space<vmem>>, vector<1x16xf32>,
        %get3A_671 = vector.shape_cast %get3A_670 : vector<1x16xf32> to vector<16xf32>
        %add3A_672 = arith.addf %add3A_616, %get3A_671 : vector<16xf32>
        %add3A_673 = arith.constant 7 : i32
        %add3A_674 = arith.addi %add3A_253, %add3A_673 : i32
        %get3A_675 = arith.index_cast %add3A_674 : i32 to index
        %get3A_676 = arith.constant 64 : index
        %get3A_677 = tpu.vector_load %arg6[%get3A_675, %get3A_676] {strides = array<i32>} : memref<768x128xf32, #tpu.memory_space<vmem>>, vector<1x16xf32>,
        %get3A_678 = vector.shape_cast %get3A_677 : vector<1x16xf32> to vector<16xf32>
        %add3A_679 = arith.addf %add3A_623, %get3A_678 : vector<16xf32>
        %add3A_680 = arith.constant 7 : i32
        %add3A_681 = arith.addi %add3A_253, %add3A_680 : i32
        %get3A_682 = arith.index_cast %add3A_681 : i32 to index
        %get3A_683 = arith.constant 80 : index
        %get3A_684 = tpu.vector_load %arg6[%get3A_682, %get3A_683] {strides = array<i32>} : memref<768x128xf32, #tpu.memory_space<vmem>>, vector<1x16xf32>,
        %get3A_685 = vector.shape_cast %get3A_684 : vector<1x16xf32> to vector<16xf32>
        %add3A_686 = arith.addf %add3A_630, %get3A_685 : vector<16xf32>
        %add3A_687 = arith.constant 7 : i32
        %add3A_688 = arith.addi %add3A_253, %add3A_687 : i32
        %get3A_689 = arith.index_cast %add3A_688 : i32 to index
        %get3A_690 = arith.constant 96 : index
        %get3A_691 = tpu.vector_load %arg6[%get3A_689, %get3A_690] {strides = array<i32>} : memref<768x128xf32, #tpu.memory_space<vmem>>, vector<1x16xf32>,
        %get3A_692 = vector.shape_cast %get3A_691 : vector<1x16xf32> to vector<16xf32>
        %add3A_693 = arith.addf %add3A_637, %get3A_692 : vector<16xf32>
        %add3A_694 = arith.constant 7 : i32
        %add3A_695 = arith.addi %add3A_253, %add3A_694 : i32
        %get3A_696 = arith.index_cast %add3A_695 : i32 to index
        %get3A_697 = arith.constant 112 : index
        %get3A_698 = tpu.vector_load %arg6[%get3A_696, %get3A_697] {strides = array<i32>} : memref<768x128xf32, #tpu.memory_space<vmem>>, vector<1x16xf32>,
        %get3A_699 = vector.shape_cast %get3A_698 : vector<1x16xf32> to vector<16xf32>
        %add3A_700 = arith.addf %add3A_644, %get3A_699 : vector<16xf32>
        scf.yield %add3A_651, %add3A_658, %add3A_665, %add3A_672, %add3A_679, %add3A_686, %add3A_693, %add3A_700 : vector<16xf32>, vector<16xf32>, vector<16xf32>, vector<16xf32>, vector<16xf32>, vector<16xf32>, vector<16xf32>, vector<16xf32>
      }
      %scan3A_161 = arith.constant 4 : i32
      %mul3A_162 = arith.constant 3.125000e-02 : f32
      %mul3A_163 = vector.broadcast %mul3A_162 : f32 to vector<16xf32>
      %mul3A_164 = arith.mulf %scan3A_160#0, %mul3A_163 : vector<16xf32>
      %add3A_165 = arith.constant 0 : i32
      %add3A_166 = arith.addi %add3A_165, %scan3A_149 : i32
      %swap3A = arith.index_cast %add3A_166 : i32 to index
      %swap3A_167 = arith.constant 0 : index
      %swap3A_168 = tpu.vector_load %arg7[%swap3A, %swap3A_167] {strides = array<i32>} : memref<24x128xf32, #tpu.memory_space<vmem>>, vector<1x16xf32>,
      %swap3A_169 = vector.shape_cast %swap3A_168 : vector<1x16xf32> to vector<16xf32>
      %swap3A_170 = vector.shape_cast %mul3A_164 : vector<16xf32> to vector<1x16xf32>
      tpu.vector_store %arg7[%swap3A, %swap3A_167], %swap3A_170 {strides = array<i32>} : memref<24x128xf32, #tpu.memory_space<vmem>>, vector<1x16xf32>,
      %mul3A_171 = arith.constant 3.125000e-02 : f32
      %mul3A_172 = vector.broadcast %mul3A_171 : f32 to vector<16xf32>
      %mul3A_173 = arith.mulf %scan3A_160#1, %mul3A_172 : vector<16xf32>
      %add3A_174 = arith.constant 0 : i32
      %add3A_175 = arith.addi %add3A_174, %scan3A_149 : i32
      %swap3A_176 = arith.index_cast %add3A_175 : i32 to index
      %swap3A_177 = arith.constant 16 : index
      %swap3A_178 = tpu.vector_load %arg7[%swap3A_176, %swap3A_177] {strides = array<i32>} : memref<24x128xf32, #tpu.memory_space<vmem>>, vector<1x16xf32>,
      %swap3A_179 = vector.shape_cast %swap3A_178 : vector<1x16xf32> to vector<16xf32>
      %swap3A_180 = vector.shape_cast %mul3A_173 : vector<16xf32> to vector<1x16xf32>
      tpu.vector_store %arg7[%swap3A_176, %swap3A_177], %swap3A_180 {strides = array<i32>} : memref<24x128xf32, #tpu.memory_space<vmem>>, vector<1x16xf32>,
      %mul3A_181 = arith.constant 3.125000e-02 : f32
      %mul3A_182 = vector.broadcast %mul3A_181 : f32 to vector<16xf32>
      %mul3A_183 = arith.mulf %scan3A_160#2, %mul3A_182 : vector<16xf32>
      %add3A_184 = arith.constant 0 : i32
      %add3A_185 = arith.addi %add3A_184, %scan3A_149 : i32
      %swap3A_186 = arith.index_cast %add3A_185 : i32 to index
      %swap3A_187 = arith.constant 32 : index
      %swap3A_188 = tpu.vector_load %arg7[%swap3A_186, %swap3A_187] {strides = array<i32>} : memref<24x128xf32, #tpu.memory_space<vmem>>, vector<1x16xf32>,
      %swap3A_189 = vector.shape_cast %swap3A_188 : vector<1x16xf32> to vector<16xf32>
      %swap3A_190 = vector.shape_cast %mul3A_183 : vector<16xf32> to vector<1x16xf32>
      tpu.vector_store %arg7[%swap3A_186, %swap3A_187], %swap3A_190 {strides = array<i32>} : memref<24x128xf32, #tpu.memory_space<vmem>>, vector<1x16xf32>,
      %mul3A_191 = arith.constant 3.125000e-02 : f32
      %mul3A_192 = vector.broadcast %mul3A_191 : f32 to vector<16xf32>
      %mul3A_193 = arith.mulf %scan3A_160#3, %mul3A_192 : vector<16xf32>
      %add3A_194 = arith.constant 0 : i32
      %add3A_195 = arith.addi %add3A_194, %scan3A_149 : i32
      %swap3A_196 = arith.index_cast %add3A_195 : i32 to index
      %swap3A_197 = arith.constant 48 : index
      %swap3A_198 = tpu.vector_load %arg7[%swap3A_196, %swap3A_197] {strides = array<i32>} : memref<24x128xf32, #tpu.memory_space<vmem>>, vector<1x16xf32>,
      %swap3A_199 = vector.shape_cast %swap3A_198 : vector<1x16xf32> to vector<16xf32>
      %swap3A_200 = vector.shape_cast %mul3A_193 : vector<16xf32> to vector<1x16xf32>
      tpu.vector_store %arg7[%swap3A_196, %swap3A_197], %swap3A_200 {strides = array<i32>} : memref<24x128xf32, #tpu.memory_space<vmem>>, vector<1x16xf32>,
      %mul3A_201 = arith.constant 3.125000e-02 : f32
      %mul3A_202 = vector.broadcast %mul3A_201 : f32 to vector<16xf32>
      %mul3A_203 = arith.mulf %scan3A_160#4, %mul3A_202 : vector<16xf32>
      %add3A_204 = arith.constant 0 : i32
      %add3A_205 = arith.addi %add3A_204, %scan3A_149 : i32
      %swap3A_206 = arith.index_cast %add3A_205 : i32 to index
      %swap3A_207 = arith.constant 64 : index
      %swap3A_208 = tpu.vector_load %arg7[%swap3A_206, %swap3A_207] {strides = array<i32>} : memref<24x128xf32, #tpu.memory_space<vmem>>, vector<1x16xf32>,
      %swap3A_209 = vector.shape_cast %swap3A_208 : vector<1x16xf32> to vector<16xf32>
      %swap3A_210 = vector.shape_cast %mul3A_203 : vector<16xf32> to vector<1x16xf32>
      tpu.vector_store %arg7[%swap3A_206, %swap3A_207], %swap3A_210 {strides = array<i32>} : memref<24x128xf32, #tpu.memory_space<vmem>>, vector<1x16xf32>,
      %mul3A_211 = arith.constant 3.125000e-02 : f32
      %mul3A_212 = vector.broadcast %mul3A_211 : f32 to vector<16xf32>
      %mul3A_213 = arith.mulf %scan3A_160#5, %mul3A_212 : vector<16xf32>
      %add3A_214 = arith.constant 0 : i32
      %add3A_215 = arith.addi %add3A_214, %scan3A_149 : i32
      %swap3A_216 = arith.index_cast %add3A_215 : i32 to index
      %swap3A_217 = arith.constant 80 : index
      %swap3A_218 = tpu.vector_load %arg7[%swap3A_216, %swap3A_217] {strides = array<i32>} : memref<24x128xf32, #tpu.memory_space<vmem>>, vector<1x16xf32>,
      %swap3A_219 = vector.shape_cast %swap3A_218 : vector<1x16xf32> to vector<16xf32>
      %swap3A_220 = vector.shape_cast %mul3A_213 : vector<16xf32> to vector<1x16xf32>
      tpu.vector_store %arg7[%swap3A_216, %swap3A_217], %swap3A_220 {strides = array<i32>} : memref<24x128xf32, #tpu.memory_space<vmem>>, vector<1x16xf32>,
      %mul3A_221 = arith.constant 3.125000e-02 : f32
      %mul3A_222 = vector.broadcast %mul3A_221 : f32 to vector<16xf32>
      %mul3A_223 = arith.mulf %scan3A_160#6, %mul3A_222 : vector<16xf32>
      %add3A_224 = arith.constant 0 : i32
      %add3A_225 = arith.addi %add3A_224, %scan3A_149 : i32
      %swap3A_226 = arith.index_cast %add3A_225 : i32 to index
      %swap3A_227 = arith.constant 96 : index
      %swap3A_228 = tpu.vector_load %arg7[%swap3A_226, %swap3A_227] {strides = array<i32>} : memref<24x128xf32, #tpu.memory_space<vmem>>, vector<1x16xf32>,
      %swap3A_229 = vector.shape_cast %swap3A_228 : vector<1x16xf32> to vector<16xf32>
      %swap3A_230 = vector.shape_cast %mul3A_223 : vector<16xf32> to vector<1x16xf32>
      tpu.vector_store %arg7[%swap3A_226, %swap3A_227], %swap3A_230 {strides = array<i32>} : memref<24x128xf32, #tpu.memory_space<vmem>>, vector<1x16xf32>,
      %mul3A_231 = arith.constant 3.125000e-02 : f32
      %mul3A_232 = vector.broadcast %mul3A_231 : f32 to vector<16xf32>
      %mul3A_233 = arith.mulf %scan3A_160#7, %mul3A_232 : vector<16xf32>
      %add3A_234 = arith.constant 0 : i32
      %add3A_235 = arith.addi %add3A_234, %scan3A_149 : i32
      %swap3A_236 = arith.index_cast %add3A_235 : i32 to index
      %swap3A_237 = arith.constant 112 : index
      %swap3A_238 = tpu.vector_load %arg7[%swap3A_236, %swap3A_237] {strides = array<i32>} : memref<24x128xf32, #tpu.memory_space<vmem>>, vector<1x16xf32>,
      %swap3A_239 = vector.shape_cast %swap3A_238 : vector<1x16xf32> to vector<16xf32>
      %swap3A_240 = vector.shape_cast %mul3A_233 : vector<16xf32> to vector<1x16xf32>
      tpu.vector_store %arg7[%swap3A_236, %swap3A_237], %swap3A_240 {strides = array<i32>} : memref<24x128xf32, #tpu.memory_space<vmem>>, vector<1x16xf32>,
      %scan3A_241 = arith.constant 0 : i32
      scf.yield %scan3A_241 : i32
    }
    %scan3A_88 = arith.constant 8 : i32
    %mul3A_89 = arith.constant 512 : i32
    %mul3A_90 = arith.muli %add3A, %mul3A_89 : i32
    %add3A_91 = arith.constant 504 : i32
    %add3A_92 = arith.addi %mul3A_90, %add3A_91 : i32
    %multiple_of3A_93 = tpu.assume_multiple %add3A_92, 8 : i32
    %dma_start3A_94 = arith.constant 0 : i32
    %dma_start3A_95 = arith.constant 0 : i32
    %dma_start3A_96 = tpu.memref_slice %arg7[%dma_start3A_94, %dma_start3A_95] : memref<24x128xf32, #tpu.memory_space<vmem>> -> memref<8x128xf32, #tpu.memory_space<vmem>>
    %dma_start3A_97 = arith.constant 0 : i32
    %dma_start3A_98 = tpu.memref_slice %arg4[%multiple_of3A_93, %dma_start3A_97] : memref<16384x128xf32, #tpu.memory_space<hbm>> -> memref<8x128xf32, #tpu.memory_space<hbm>>
    %dma_start3A_99 = arith.constant 0 : i32
    %dma_start3A_100 = tpu.memref_slice %arg4[%multiple_of3A_93, %dma_start3A_99] : memref<16384x128xf32, #tpu.memory_space<hbm>> -> memref<8x128xf32, #tpu.memory_space<hbm>>
    %dma_start3A_101 = arith.constant 0 : i32
    %dma_start3A_102 = arith.constant 0 : i32
    %dma_start3A_103 = tpu.memref_slice %arg7[%dma_start3A_101, %dma_start3A_102] : memref<24x128xf32, #tpu.memory_space<vmem>> -> memref<8x128xf32, #tpu.memory_space<vmem>>
    tpu.enqueue_dma source(%dma_start3A_103 : memref<8x128xf32, #tpu.memory_space<vmem>>) target(%dma_start3A_100 : memref<8x128xf32, #tpu.memory_space<hbm>>) target_semaphore(%arg11 : memref<!tpu.dma_semaphore, #tpu.memory_space<semaphore_mem>>)
    %mul3A_104 = arith.constant 512 : i32
    %mul3A_105 = arith.muli %add3A, %mul3A_104 : i32
    %add3A_106 = arith.constant 488 : i32
    %add3A_107 = arith.addi %mul3A_105, %add3A_106 : i32
    %multiple_of3A_108 = tpu.assume_multiple %add3A_107, 8 : i32
    %dma_wait3A_109 = arith.constant 8 : i32
    %dma_wait3A_110 = arith.constant 0 : i32
    %dma_wait3A_111 = tpu.memref_slice %arg7[%dma_wait3A_109, %dma_wait3A_110] : memref<24x128xf32, #tpu.memory_space<vmem>> -> memref<8x128xf32, #tpu.memory_space<vmem>>
    %dma_wait3A_112 = arith.constant 0 : i32
    %dma_wait3A_113 = tpu.memref_slice %arg4[%multiple_of3A_108, %dma_wait3A_112] : memref<16384x128xf32, #tpu.memory_space<hbm>> -> memref<8x128xf32, #tpu.memory_space<hbm>>
    %dma_wait3A_114 = arith.constant 0 : i32
    %dma_wait3A_115 = tpu.memref_slice %arg4[%multiple_of3A_108, %dma_wait3A_114] : memref<16384x128xf32, #tpu.memory_space<hbm>> -> memref<8x128xf32, #tpu.memory_space<hbm>>
    %dma_wait3A_116 = arith.constant 8 : i32
    %dma_wait3A_117 = arith.constant 0 : i32
    %dma_wait3A_118 = tpu.memref_slice %arg7[%dma_wait3A_116, %dma_wait3A_117] : memref<24x128xf32, #tpu.memory_space<vmem>> -> memref<8x128xf32, #tpu.memory_space<vmem>>
    tpu.wait_dma2 semaphore(%arg11 : memref<!tpu.dma_semaphore, #tpu.memory_space<semaphore_mem>>) src(%dma_wait3A_118 : memref<8x128xf32, #tpu.memory_space<vmem>>) dst(%dma_wait3A_115 : memref<8x128xf32, #tpu.memory_space<hbm>>)
    %mul3A_119 = arith.constant 512 : i32
    %mul3A_120 = arith.muli %add3A, %mul3A_119 : i32
    %add3A_121 = arith.constant 496 : i32
    %add3A_122 = arith.addi %mul3A_120, %add3A_121 : i32
    %multiple_of3A_123 = tpu.assume_multiple %add3A_122, 8 : i32
    %dma_wait3A_124 = arith.constant 16 : i32
    %dma_wait3A_125 = arith.constant 0 : i32
    %dma_wait3A_126 = tpu.memref_slice %arg7[%dma_wait3A_124, %dma_wait3A_125] : memref<24x128xf32, #tpu.memory_space<vmem>> -> memref<8x128xf32, #tpu.memory_space<vmem>>
    %dma_wait3A_127 = arith.constant 0 : i32
    %dma_wait3A_128 = tpu.memref_slice %arg4[%multiple_of3A_123, %dma_wait3A_127] : memref<16384x128xf32, #tpu.memory_space<hbm>> -> memref<8x128xf32, #tpu.memory_space<hbm>>
    %dma_wait3A_129 = arith.constant 0 : i32
    %dma_wait3A_130 = tpu.memref_slice %arg4[%multiple_of3A_123, %dma_wait3A_129] : memref<16384x128xf32, #tpu.memory_space<hbm>> -> memref<8x128xf32, #tpu.memory_space<hbm>>
    %dma_wait3A_131 = arith.constant 16 : i32
    %dma_wait3A_132 = arith.constant 0 : i32
    %dma_wait3A_133 = tpu.memref_slice %arg7[%dma_wait3A_131, %dma_wait3A_132] : memref<24x128xf32, #tpu.memory_space<vmem>> -> memref<8x128xf32, #tpu.memory_space<vmem>>
    tpu.wait_dma2 semaphore(%arg11 : memref<!tpu.dma_semaphore, #tpu.memory_space<semaphore_mem>>) src(%dma_wait3A_133 : memref<8x128xf32, #tpu.memory_space<vmem>>) dst(%dma_wait3A_130 : memref<8x128xf32, #tpu.memory_space<hbm>>)
    %mul3A_134 = arith.constant 512 : i32
    %mul3A_135 = arith.muli %add3A, %mul3A_134 : i32
    %add3A_136 = arith.constant 504 : i32
    %add3A_137 = arith.addi %mul3A_135, %add3A_136 : i32
    %multiple_of3A_138 = tpu.assume_multiple %add3A_137, 8 : i32
    %dma_wait3A_139 = arith.constant 0 : i32
    %dma_wait3A_140 = arith.constant 0 : i32
    %dma_wait3A_141 = tpu.memref_slice %arg7[%dma_wait3A_139, %dma_wait3A_140] : memref<24x128xf32, #tpu.memory_space<vmem>> -> memref<8x128xf32, #tpu.memory_space<vmem>>
    %dma_wait3A_142 = arith.constant 0 : i32
    %dma_wait3A_143 = tpu.memref_slice %arg4[%multiple_of3A_138, %dma_wait3A_142] : memref<16384x128xf32, #tpu.memory_space<hbm>> -> memref<8x128xf32, #tpu.memory_space<hbm>>
    %dma_wait3A_144 = arith.constant 0 : i32
    %dma_wait3A_145 = tpu.memref_slice %arg4[%multiple_of3A_138, %dma_wait3A_144] : memref<16384x128xf32, #tpu.memory_space<hbm>> -> memref<8x128xf32, #tpu.memory_space<hbm>>
    %dma_wait3A_146 = arith.constant 0 : i32
    %dma_wait3A_147 = arith.constant 0 : i32
    %dma_wait3A_148 = tpu.memref_slice %arg7[%dma_wait3A_146, %dma_wait3A_147] : memref<24x128xf32, #tpu.memory_space<vmem>> -> memref<8x128xf32, #tpu.memory_space<vmem>>
    tpu.wait_dma2 semaphore(%arg11 : memref<!tpu.dma_semaphore, #tpu.memory_space<semaphore_mem>>) src(%dma_wait3A_148 : memref<8x128xf32, #tpu.memory_space<vmem>>) dst(%dma_wait3A_145 : memref<8x128xf32, #tpu.memory_space<hbm>>)
    return
  }
}

</mosaic_0001>

<sc_bundles>
// kernel: kernel.3.cloned.1.call-start
scs
__scs_entry_jumppad:
0x0: {  	(pc) =	sbr.rel $0x88, $3  }
0x1: {  	(tag) =	ssettag $0x0;
	lr =	simm.s32 $0x1  }
0x2: {  	[smem:$0x3F9F] =	sst lr;
	_ =	strace $0xD0000000  }
0x3: {  	_ = 	snop  }
0x4: {  	_ = 	snop  }
0x5: {  	_ = 	snop  }
0x6: {  	_ = 	snop  }
0x7: {  	_ = 	snop  }
__scs_overlays_trampoline_lowered:
0x8: {  	[smem:$0x3FAE] =	sst s0  }
0x9: {  	[smem:$0x3FAF] =	sst s1  }
0xa: {  	[smem:$0x3FB0] =	sst s2  }
0xb: {  	[smem:$0x3FB1] =	sst s3  }
0xc: {  	[smem:$0x3FB2] =	sst s4  }
0xd: {  	[smem:$0x3FB3] =	sst s5  }
0xe: {  	[smem:$0x3FB4] =	sst s6  }
0xf: {  	[smem:$0x3FB5] =	sst s7  }
0x10: {  	[smem:$0x3FB6] =	sst s8  }
0x11: {  	[smem:$0x3FB7] =	sst s9;
	s0 =	simm.s32 @!p0 $0x0  }
0x12: {  	s1 =	sld [smem:$0x3F9D];
	s0 =	simm.s32 @p0 $0x1  }
0x13: {  	[smem:$0x3FB8] =	sst s0;
	s0 =	simm.s32 @!p1 $0x0  }
0x14: {  	s2 =	sld [smem:$0x3F9C];
	s0 =	simm.s32 @p1 $0x1  }
0x15: {  	[smem:$0x3FB9] =	sst s0;
	s0 =	simm.s32 @!p2 $0x0  }
0x16: {  	s3 =	sld [smem:$0x3FDB];
	s0 =	simm.s32 @p2 $0x1  }
0x17: {  	s4 =	simm.s32 $0x1BF5;
	[smem:$0x3FBB] =	sst s0  }
0x18: {  	s0 =	sld [smem:$0x3F9E];
	_ =	swait.ge [sflag:s4], $0x0  }
0x19: {  	s7 =	sld [smem:$0x3F9F]  }
0x1a: {  	s8 =	sadd.s32 $0xFFFFE003, lr  }
0x1b: {  	s9 =	sadd.s32 $0xFFFFFEF7, lr;
	s5 =	simm.s32 $0xFFFFFFFF;
	p2 =	slt.u32 s8, $0xFFFFF086  }
0x1c: {  	p1 =	slt.u32 s9, $0xF7A;
	s5 =	simm.s32 @!p2 $0x0  }
0x1d: {  	s5 =	simm.s32 @p1 $0x1;
	p0 =	seq.s32 s7, s2  }
0x1e: {  	s7 =	smul.u32 @!p0 $0xF7A, s2;
	p2 =	seq.s32 @!p0 s5, $0x0  }
0x1f: {  	s9 =	smul.u32 $0xF7A, s1;
	s8 =	simm.s32 @!p0 $0x1BF5;
	p2 =	por !p2, p0  }
0x20: {  	[sflag:s8] =	ssyncset.s32 @!p0 $0xFFFFF086;
	s6 =	sadd.s32 @!p0 s3, s7;
	s7 =	simm.s32 @!p0 $0x108  }
0x21: {  	s3 =	sadd.s32 s3, s9;
	s6 =	sadd.s32 @!p0 $0x88, s6;
	s7 =	simm.s32 @p2 $0x1082  }
0x22: {  	[simem:s7], [sflag:s8] =	dma.local @!p0 [hbm:s6], $0xF7A  }
0x23: {  	s9 =	sor.u32 $0xD0000000, s2;
	s6 =	simm.s32 $0x108;
	_ =	swait.ge @!p0 [sflag:s8], $0x0  }
0x24: {  	s3 =	sadd.s32 $0x88, s3;
	s6 =	simm.s32 @!p1 $0x1082;
	[sflag:s4] =	ssyncset.s32 $0xFFFFF086  }
0x25: {  	[simem:s6], [sflag:s4] =	dma.local [hbm:s3], $0xF7A  }
0x26: {  	[smem:$0x3F9F] =	sst s1;
	(tag) =	ssettag s2;
	_ =	strace s9  }
0x27: {  	s1 =	sld [smem:$0x3FAF]  }
0x28: {  	s2 =	sld [smem:$0x3FB0]  }
0x29: {  	s4 =	sld [smem:$0x3FB2]  }
0x2a: {  	p0 =	seq.s32 s5, $0x0;
	s5 =	sld [smem:$0x3FB3]  }
0x2b: {  	s6 =	sld [smem:$0x3FB4]  }
0x2c: {  	s7 =	sld [smem:$0x3FB5]  }
0x2d: {  	s3 =	simm.s32 $0x108;
	s8 =	sld [smem:$0x3FB6]  }
0x2e: {  	s3 =	simm.s32 @!p0 $0x1082;
	s9 =	sld [smem:$0x3FB7]  }
0x2f: {  	lr =	sadd.s32 s0, s3;
	s0 =	sld [smem:$0x3FAE]  }
0x30: {  	s3 =	sld [smem:$0x3FB1]  }
0x31: {  	[smem:$0x3FBA] =	sst s10  }
0x32: {  	s10 =	sld [smem:$0x3FB8];
	_ =	sdelay $0x3  }
0x33: {  	p0 =	seq.s32 s10, $0x1;
	s10 =	sld [smem:$0x3FBA];
	_ =	sdelay $0x3  }
0x34: {  	[smem:$0x3FBA] =	sst s10  }
0x35: {  	s10 =	sld [smem:$0x3FB9];
	_ =	sdelay $0x3  }
0x36: {  	p1 =	seq.s32 s10, $0x1;
	s10 =	sld [smem:$0x3FBA];
	_ =	sdelay $0x3  }
0x37: {  	[smem:$0x3FBA] =	sst s10  }
0x38: {  	s10 =	sld [smem:$0x3FBB]  }
0x39: {  	_ = 	snop;
	(pc) =	sbr.ind lr, $3  }
0x3a: {  	_ = 	snop  }
0x3b: {  	_ = 	snop  }
0x3c: {  	p2 =	seq.s32 s10, $0x1;
	s10 =	sld [smem:$0x3FBA]  }
0x3d: {  	_ =	shalt  }
0x3e: {  	_ =	shalt  }
0x3f: {  	_ =	shalt  }
0x40: {  	_ =	shalt  }
0x41: {  	_ =	shalt  }
0x42: {  	_ =	shalt  }
0x43: {  	_ =	shalt  }
0x44: {  	_ =	shalt  }
0x45: {  	_ =	shalt  }
0x46: {  	_ =	shalt  }
0x47: {  	_ =	shalt  }
0x48: {  	_ =	shalt  }
0x49: {  	_ =	shalt  }
0x4a: {  	_ =	shalt  }
0x4b: {  	_ =	shalt  }
0x4c: {  	_ =	shalt  }
0x4d: {  	_ =	shalt  }
0x4e: {  	_ =	shalt  }
0x4f: {  	_ =	shalt  }
0x50: {  	_ =	shalt  }
0x51: {  	_ =	shalt  }
0x52: {  	_ =	shalt  }
0x53: {  	_ =	shalt  }
0x54: {  	_ =	shalt  }
0x55: {  	_ =	shalt  }
0x56: {  	_ =	shalt  }
0x57: {  	_ =	shalt  }
0x58: {  	_ =	shalt  }
0x59: {  	_ =	shalt  }
0x5a: {  	_ =	shalt  }
0x5b: {  	_ =	shalt  }
0x5c: {  	_ =	shalt  }
0x5d: {  	_ =	shalt  }
0x5e: {  	_ =	shalt  }
0x5f: {  	_ =	shalt  }
0x60: {  	_ =	shalt  }
0x61: {  	_ =	shalt  }
0x62: {  	_ =	shalt  }
0x63: {  	_ =	shalt  }
0x64: {  	_ =	shalt  }
0x65: {  	_ =	shalt  }
0x66: {  	_ =	shalt  }
0x67: {  	_ =	shalt  }
0x68: {  	_ =	shalt  }
0x69: {  	_ =	shalt  }
0x6a: {  	_ =	shalt  }
0x6b: {  	_ =	shalt  }
0x6c: {  	_ =	shalt  }
0x6d: {  	_ =	shalt  }
0x6e: {  	_ =	shalt  }
0x6f: {  	_ =	shalt  }
0x70: {  	_ =	shalt  }
0x71: {  	_ =	shalt  }
0x72: {  	_ =	shalt  }
0x73: {  	_ =	shalt  }
0x74: {  	_ =	shalt  }
0x75: {  	_ =	shalt  }
0x76: {  	_ =	shalt  }
0x77: {  	_ =	shalt  }
0x78: {  	_ =	shalt  }
0x79: {  	_ =	shalt  }
0x7a: {  	_ =	shalt  }
0x7b: {  	_ =	shalt  }
0x7c: {  	_ =	shalt  }
0x7d: {  	_ =	shalt  }
0x7e: {  	_ =	shalt  }
0x7f: {  	_ =	shalt  }
0x80: {  	_ =	shalt  }
0x81: {  	_ =	shalt  }
0x82: {  	_ =	shalt  }
0x83: {  	_ =	shalt  }
0x84: {  	_ =	shalt  }
0x85: {  	_ =	shalt  }
0x86: {  	_ =	shalt  }
0x87: {  	_ =	shalt  }
.Lfunc_end0:
.L_simem_size_0:
called_computation_lowered:
.L_overlay_start_0:
0x88: {  	s2 =	sld [smem:$0x3FD9]  }
0x89: {  	s3 =	sld [smem:$0x3FFE];
	_ =	sdelay $0x1  }
0x8a: {  	s1 =	srdreg.scid  }
0x8b: {  	s0 =	sand.u32 $0x1, s1  }
0x8c: {  	s17 =	sshll.u32 s0, $0xA;
	s2 =	sadd.s32 s3, s2  }
0x8d: {  	s2 =	sadd.s32 s2, s17  }
0x8e: {  	[smem:$0x3FC6] =	sst s2  }
0x8f: {  	_ = 	snop  }
0x90: {  	s2 =	sld [smem:$0x3FC9]  }
0x91: {  	s18 =	sld [smem:$0x3FD0];
	(tm) =	ssettm $0x1  }
0x92: {  	s4 =	sld [smem:$0x3FFB];
	_ =	sdelay $0x3  }
0x93: {  	_ =	strace s4  }
0x94: {  	s4 =	sld [smem:$0x3FFC];
	_ =	sdelay $0x3  }
0x95: {  	_ =	strace s4  }
0x96: {  	s4 =	sld [smem:$0x3FFD];
	_ =	sdelay $0x3  }
0x97: {  	_ =	strace s4  }
0x98: {  	_ =	strace $0x8FFFFFFF  }
0x99: {  	s19 =	sld [smem:$0x3FDB];
	_ =	sdelay $0x1  }
0x9a: {  	s5 =	simm.s32 $_scs_section_size  }
0x9b: {  	s6 =	simm.s32 $_size__tile_overlayer_lowered;
	s7 =	simm.s32 $_tile_overlayer_lowered  }
0x9c: {  	s22 =	simm.s32 $0x1BFF;
	s21 =	sshll.u32 s7, $0x1;
	s4 =	sadd.s32 s5, s19  }
0x9d: {  	s8 =	simm.s32 $0x0;
	s20 =	sshll.u32 s6, $0x1;
	s6 =	sadd.s32 s21, s4  }
0x9e: {  	[timem:s8], [sflag:s22] =	dma.local [hbm:s6], s20  }
0x9f: {  	_ =	swait.ge [sflag:s22], s20  }
0xa0: {  	s5 =	ssub.s32 $0x0, s20;
	[sflag:s22] =	ssyncset.done $0x0  }
0xa1: {  	[sflag:s22] =	ssyncadd.s32 s5;
	_ =	sdelay $0x1  }
0xa2: {  	s23 =	simm.s32 $0x1B8B  }
0xa3: {  	_ =	swait.ge [sflag:s23], $0x1  }
0xa4: {  	[sflag:s23] =	ssyncset.done $0x0  }
0xa5: {  	s25 =	simm.s32 $0x1B8E;
	s24 =	sld [smem:$0x3FFE];
	[sflag:s23] =	ssyncadd.s32 $0xFFFFFFFF  }
0xa6: {  	s26 =	simm.s32 $execute0_lowered;
	[smem:$0x3FD2] =	sst s25  }
0xa7: {  	s6 =	sshll.u32 s26, $0x1;
	_ =	strace $0x80000046;
	[dreg:$0x1] =	wrdreg $0xFFFFFFFF  }
0xa8: {  	s28 =	simm.s32 $_size_execute0_lowered;
	s4 =	sadd.s32 s4, s6;
	[dreg:$0x0] =	wrdreg $0x0  }
0xa9: {  	s6 =	sshll.u32 s28, $0x1;
	[dreg:$0x2] =	wrdreg s4  }
0xaa: {  	[dreg:$0x3] =	wrdreg s6  }
0xab: {  	[dreg:$0x4] =	wrdreg $0xC0  }
0xac: {  	_ =	task [dreg:s8], $0x5FFFF  }
0xad: {  	[dreg:$0x1] =	wrdreg $0xFFFFFFFF  }
0xae: {  	[dreg:$0x0] =	wrdreg $0x60  }
0xaf: {  	[dreg:$0x2] =	wrdreg s2  }
0xb0: {  	[dreg:$0x3] =	wrdreg s24  }
0xb1: {  	[dreg:$0x4] =	wrdreg s18  }
0xb2: {  	[dreg:$0x5] =	wrdreg $0x9  }
0xb3: {  	_ =	task.clear_ibuf [dreg:s8], $0x6FFFF;
	_ =	strace $0x90000046  }
0xb4: {  	s29 =	simm.s32 $0x9;
	_ =	strace $0x80000048  }
0xb5: {  	_ =	swait.ge [sflag:s29], $0x1  }
0xb6: {  	[sflag:s29] =	ssyncadd.s32 $0xFFFFFFFF  }
0xb7: {  	_ =	strace $0x90000048  }
0xb8: {  	_ =	sfence  }
0xb9: {  	s30 =	sld [smem:$0x0];
	_ =	sdelay $0x2  }
0xba: {  	s31 =	sshll.u32 s1, $0xD;
	s1 =	sshrl.u32 s1, $0x2  }
0xbb: {  	s3 =	sand.u32 $0x4000, s31;
	s1 =	sadd.s32 s1, s30  }
0xbc: {  	s0 =	sor.u32 s3, s0;
	s1 =	sshll.u32 s1, $0x11  }
0xbd: {  	s0 =	sor.u32 s1, s0  }
0xbe: {  	s0 =	sadd.s32 $0x8F2B, s0  }
0xbf: {  	[sflag:s0] =	ssyncadd.remote.s32 $0x1  }
0xc0: {  	_ =	sfence.sel $0xFFFF  }
0xc1: {  	[dreg:$0x0] =	wrdreg $0xFFFFFFFF;
	(pc) =	sbr.abs _section_cstart, $3  }
0xc2: {  	[dreg:$0x1] =	wrdreg $0xFFFFFFFF  }
0xc3: {  	_ =	task.clear_ibuf [dreg:s8], $0x2FFFF;
	_ =	strace $0x9FFFFFFF  }
0xc4: {  	(tm) =	ssettm $0x7FFFFFFF  }
0xc5: {  	_ =	shalt  }
tec
execute0_lowered:
.L_overlay_start_1:
0x0: {  	(tag) =	ssettag $0x1  }
0x1: {  	s1 =	rddreg [dreg:$0x0]  }
0x2: {  	s0 =	rddreg [dreg:$0x1]  }
0x3: {  	s3 =	rddreg [dreg:$0x2];
	s2 =	srdreg.scid  }
0x4: {  	s5 =	stileid.u32;
	s4 =	simm.s32 $0x0;
	s11 =	simm.s32 $0x5  }
0x5: {  	s12 =	simm.s32 $0x80;
	s13 =	simm.s32 $0x4000;
	s14 =	simm.s32 $0x8000  }
0x6: {  	s19 =	simm.s32 $0x14000;
	s20 =	simm.s32 $0x18000;
	s21 =	simm.s32 $0x1  }
0x7: {  	s22 =	simm.s32 $0x1C000;
	s23 =	simm.s32 $0x2;
	s24 =	simm.s32 $0x1C400  }
0x8: {  	s25 =	simm.s32 $0x3;
	s26 =	simm.s32 $0x1C800;
	s28 =	simm.s32 $0x4  }
0x9: {  	s29 =	simm.s32 $0x0;
	s2 =	sand.u32 $0x1, s2;
	s5 =	sshll.u32 s5, $0x1  }
0xa: {  	[smem:$0x7FF] =	sst s4;
	s6 =	sor.u32 s2, s5;
	s2 =	ssub.s32 $0x2, s2  }
0xb: {  	_ =	strace $0x80000047;
	s5 =	sshll.u32 s6, $0xB;
	s7 =	sshrl.u32 s2, $0x1  }
0xc: {  	s31 =	sshll.u32 s6, $0xD;
	s6 =	sshll.u32 s6, $0x9;
	s0 =	sadd.s32 s5, s0  }
0xd: {  	s2 =	ssub.s32 s2, s7;
	s7 =	sadd.s32 s3, s31;
	s8 =	sor.u32 $0x8, s6  }
0xe: {  	s5 =	sadd.s32 $0x400, s0;
	s9 =	sadd.s32 $0x1F80, s7;
	s10 =	smax.u32 s2, $0x1  }
.LBB2_1:
0xf: {  	[tilespmem:s4], [sflag:$0x5] =	stream.linear.gather [hbm4b:s5+s4], $0x4000, $0x38;
	[tilespmem:$0x1CC00] =	vst v63  }
0x10: {  	_ =	swait.ge [sflag:s11], $0x4000  }
0x11: {  	[sflag:s11] =	ssyncset.done $0x0  }
0x12: {  	[sflag:s11] =	ssyncadd.s32 $0xFFFFC000  }
0x13: {  	[tilespmem:s13], [sflag:$0x1] =	stream.indirect.gather [hbm4b:s1+s12], $0x80, s4, s12, $0xb8;
	[tilespmem:$0x1CC00] =	vst v63  }
0x14: {  	_ = 	snop  }
0x15: {  	[tilespmem:s14], [sflag:$0x1] =	stream.indirect.gather [hbm4b:s1+s12], $0x80, s12, s12, $0xb8;
	[tilespmem:$0x1CC00] =	vst v63  }
0x16: {  	s0 =	simm.s32 $0x100;
	s2 =	simm.s32 $0xC000  }
0x17: {  	[tilespmem:s2], [sflag:$0x2] =	stream.indirect.gather [hbm4b:s1+s12], $0x80, s0, s12, $0xb8;
	[tilespmem:$0x1CC00] =	vst v63  }
0x18: {  	s18 =	simm.s32 $0x180;
	s31 =	simm.s32 $0x10000;
	s30 =	simm.s32 $0x0  }
0x19: {  	[tilespmem:s31], [sflag:$0x2] =	stream.indirect.gather [hbm4b:s1+s12], $0x80, s18, s12, $0xb8;
	[tilespmem:$0x1CC00] =	vst v63  }
.LBB2_2:
0x1a: {  	s0 =	smul.u32 $0x3, s30;
	_ =	sdelay $0x1  }
0x1b: {  	s31 =	sadd.s32 $0x2, s0  }
0x1c: {  	s0 =	sshll.u32 s31, $0x8  }
0x1d: {  	s0 =	sand.u32 $0x3FFFFF00, s0  }
0x1e: {  	[tilespmem:s19], [sflag:$0x3] =	stream.indirect.gather [hbm4b:s1+s12], $0x80, s0, s12, $0xb8;
	[tilespmem:$0x1CC00] =	vst v63  }
0x1f: {  	s0 =	sor.u32 $0x80, s0  }
0x20: {  	[tilespmem:s20], [sflag:$0x3] =	stream.indirect.gather [hbm4b:s1+s12], $0x80, s0, s12, $0xb8;
	[tilespmem:$0x1CC00] =	vst v63  }
0x21: {  	_ =	swait.ge [sflag:s21], $0x4000  }
0x22: {  	[sflag:s21] =	ssyncset.done $0x0  }
0x23: {  	[sflag:s21] =	ssyncadd.s32 $0xFFFFC000  }
0x24: {  	_ =	swait.ge [sflag:s21], $0x4000  }
0x25: {  	p0 =	seq.s32 s30, $0x0;
	[sflag:s21] =	ssyncset.done $0x0  }
0x26: {  	s15 =	simm.s32 @!p0 $0x4;
	[sflag:s21] =	ssyncadd.s32 $0xFFFFC000  }
0x27: {  	s2 =	smul.u32 $0x18, s30;
	_ =	swait.ge @!p0 [sflag:s15], $0x400  }
0x28: {  	s16 =	simm.s32 $0x4200;
	[sflag:s15] =	ssyncset.done @!p0 $0x0  }
0x29: {  	s0 =	sadd.s32 s6, s2;
	[sflag:s15] =	ssyncadd.s32 @!p0 $0xFFFFFC00;
	s15 =	simm.s32 $0x0  }
.LBB2_3:
0x2a: {  	v2 =	vmov s16;
	_ =	sdelay $0x3  }
0x2b: {  	s17 =	simm.s32 $0x0  }
0x2c: {  	v7 =	vld.idx.msk [tilespmem:v2+s17+$0x180 ss:$0x1], $0xffff  }
0x2d: {  	v8 =	vld.idx.msk [tilespmem:v2+s17+$0x190 ss:$0x1], $0xffff  }
0x2e: {  	v9 =	vld.idx.msk [tilespmem:v2+s17+$0x1A0 ss:$0x1], $0xffff  }
0x2f: {  	v10 =	vld.idx.msk [tilespmem:v2+s17+$0x1B0 ss:$0x1], $0xffff  }
0x30: {  	v1 =	vld.idx.msk [tilespmem:v2+s17+$0x1C0 ss:$0x1], $0xffff  }
0x31: {  	v0 =	vld.idx.msk [tilespmem:v2+s17+$0x1D0 ss:$0x1], $0xffff  }
0x32: {  	v15 =	vld.idx.msk [tilespmem:v2+s17+$0x100 ss:$0x1], $0xffff  }
0x33: {  	v17 =	vld.idx.msk [tilespmem:v2+s17+$0x110 ss:$0x1], $0xffff  }
0x34: {  	v14 =	vld.idx.msk [tilespmem:v2+s17+$0x120 ss:$0x1], $0xffff  }
0x35: {  	v16 =	vld.idx.msk [tilespmem:v2+s17+$0x130 ss:$0x1], $0xffff  }
0x36: {  	v4 =	vld.idx.msk [tilespmem:v2+s17+$0x140 ss:$0x1], $0xffff  }
0x37: {  	v3 =	vld.idx.msk [tilespmem:v2+s17+$0x150 ss:$0x1], $0xffff  }
0x38: {  	v18 =	vld.idx.msk [tilespmem:v2+s17+$0x80 ss:$0x1], $0xffff  }
0x39: {  	v21 =	vld.idx.msk [tilespmem:v2+s17+$0x90 ss:$0x1], $0xffff  }
0x3a: {  	v19 =	vld.idx.msk [tilespmem:v2+s17+$0xA0 ss:$0x1], $0xffff  }
0x3b: {  	v20 =	vld.idx.msk [tilespmem:v2+s17+$0xB0 ss:$0x1], $0xffff  }
0x3c: {  	v6 =	vld.idx.msk [tilespmem:v2+s17+$0xC0 ss:$0x1], $0xffff  }
0x3d: {  	v5 =	vld.idx.msk [tilespmem:v2+s17+$0xD0 ss:$0x1], $0xffff  }
0x3e: {  	v22 =	vld.idx.msk [tilespmem:v2+s17+$0x0 ss:$0x1], $0xffff  }
0x3f: {  	v25 =	vld.idx.msk [tilespmem:v2+s17+$0x10 ss:$0x1], $0xffff  }
0x40: {  	v26 =	vld.idx.msk [tilespmem:v2+s17+$0x20 ss:$0x1], $0xffff  }
0x41: {  	v27 =	vld.idx.msk [tilespmem:v2+s17+$0x30 ss:$0x1], $0xffff  }
0x42: {  	v12 =	vld.idx.msk [tilespmem:v2+s17+$0x40 ss:$0x1], $0xffff  }
0x43: {  	v11 =	vld.idx.msk [tilespmem:v2+s17+$0x50 ss:$0x1], $0xffff  }
0x44: {  	v28 =	vld.idx.msk [tilespmem:v2+s17+$0xFFFFFF80 ss:$0x1], $0xffff  }
0x45: {  	v31 =	vld.idx.msk [tilespmem:v2+s17+$0xFFFFFF90 ss:$0x1], $0xffff  }
0x46: {  	v29 =	vld.idx.msk [tilespmem:v2+s17+$0xFFFFFF00 ss:$0x1], $0xffff  }
0x47: {  	v30 =	vld.idx.msk [tilespmem:v2+s17+$0xFFFFFF10 ss:$0x1], $0xffff  }
0x48: {  	v23 =	vld.idx.msk [tilespmem:v2+s17+$0xFFFFFE80 ss:$0x1], $0xffff  }
0x49: {  	v24 =	vld.idx.msk [tilespmem:v2+s17+$0xFFFFFE90 ss:$0x1], $0xffff  }
0x4a: {  	v32 =	vld.idx.msk [tilespmem:v2+s17+$0xFFFFFE00 ss:$0x1], $0xffff  }
0x4b: {  	v33 =	vld.idx.msk [tilespmem:v2+s17+$0xFFFFFE10 ss:$0x1], $0xffff  }
0x4c: {  	v34 =	vld.idx.msk [tilespmem:v2+s17+$0xFFFFFE20 ss:$0x1], $0xffff  }
0x4d: {  	v35 =	vld.idx.msk [tilespmem:v2+s17+$0xFFFFFE30 ss:$0x1], $0xffff  }
0x4e: {  	v36 =	vld.idx.msk [tilespmem:v2+s17+$0xFFFFFEA0 ss:$0x1], $0xffff  }
0x4f: {  	v37 =	vld.idx.msk [tilespmem:v2+s17+$0xFFFFFEB0 ss:$0x1], $0xffff  }
0x50: {  	v13 =	vimm.f32 $0.0e+00;
	v38 =	vld.idx.msk [tilespmem:v2+s17+$0xFFFFFF20 ss:$0x1], $0xffff  }
0x51: {  	v39 =	vld.idx.msk [tilespmem:v2+s17+$0xFFFFFF30 ss:$0x1], $0xffff;
	v32 =	vadd.f32 v32, v13;
	v33 =	vadd.f32 v33, v13  }
0x52: {  	v40 =	vld.idx.msk [tilespmem:v2+s17+$0xFFFFFFA0 ss:$0x1], $0xffff;
	v34 =	vadd.f32 v34, v13;
	v35 =	vadd.f32 v35, v13  }
0x53: {  	v41 =	vld.idx.msk [tilespmem:v2+s17+$0xFFFFFFB0 ss:$0x1], $0xffff;
	v32 =	vadd.f32 v23, v32;
	v33 =	vadd.f32 v24, v33  }
0x54: {  	v23 =	vld.idx.msk [tilespmem:v2+s17+$0xFFFFFFC0 ss:$0x1], $0xffff;
	v34 =	vadd.f32 v36, v34;
	v35 =	vadd.f32 v37, v35  }
0x55: {  	v24 =	vld.idx.msk [tilespmem:v2+s17+$0xFFFFFFD0 ss:$0x1], $0xffff;
	v32 =	vadd.f32 v29, v32;
	v33 =	vadd.f32 v30, v33  }
0x56: {  	v29 =	vld.idx.msk [tilespmem:v2+s17+$0xFFFFFF40 ss:$0x1], $0xffff;
	v34 =	vadd.f32 v38, v34;
	v35 =	vadd.f32 v39, v35  }
0x57: {  	v30 =	vld.idx.msk [tilespmem:v2+s17+$0xFFFFFF50 ss:$0x1], $0xffff;
	v28 =	vadd.f32 v28, v32;
	v33 =	vadd.f32 v31, v33  }
0x58: {  	v31 =	vld.idx.msk [tilespmem:v2+s17+$0xFFFFFEC0 ss:$0x1], $0xffff;
	v34 =	vadd.f32 v40, v34;
	v35 =	vadd.f32 v41, v35  }
0x59: {  	v32 =	vld.idx.msk [tilespmem:v2+s17+$0xFFFFFED0 ss:$0x1], $0xffff;
	v22 =	vadd.f32 v22, v28;
	v28 =	vadd.f32 v25, v33  }
0x5a: {  	v33 =	vld.idx.msk [tilespmem:v2+s17+$0xFFFFFE40 ss:$0x1], $0xffff;
	v25 =	vadd.f32 v26, v34;
	v26 =	vadd.f32 v27, v35  }
0x5b: {  	v34 =	vld.idx.msk [tilespmem:v2+s17+$0xFFFFFE50 ss:$0x1], $0xffff;
	v27 =	vadd.f32 v18, v22;
	v28 =	vadd.f32 v21, v28  }
0x5c: {  	s18 =	simm.s32 $0x1000;
	v35 =	vld.idx.msk [tilespmem:v2+s17+$0xFFFFFE60 ss:$0x1], $0xffff;
	v22 =	vimm.f32 $0.0e+00;
	v21 =	vimm.f32 $0.0e+00;
	v18 =	vimm.f32 $0.0e+00  }
.LBB2_4:
0x5d: {  	p1 =	sne.s32 s18, $0x3000;
	v36 =	vld.idx.msk [tilespmem:v2+s17+$0xFFFFFE70 ss:$0x1], $0xffff;
	v19 =	vadd.f32 v19, v25;
	v20 =	vadd.f32 v20, v26  }
0x5e: {  	v37 =	vld.idx.msk [tilespmem:v2+s17+$0xFFFFFEE0 ss:$0x1], $0xffff;
	v15 =	vadd.f32 v15, v27;
	v17 =	vadd.f32 v17, v28  }
0x5f: {  	v38 =	vld.idx.msk [tilespmem:v2+s17+$0xFFFFFEF0 ss:$0x1], $0xffff;
	v14 =	vadd.f32 v14, v19;
	v16 =	vadd.f32 v16, v20  }
0x60: {  	v19 =	vld.idx.msk [tilespmem:v2+s17+$0xFFFFFF60 ss:$0x1], $0xffff;
	v25 =	vadd.f32 v7, v15;
	v26 =	vadd.f32 v8, v17  }
0x61: {  	v7 =	vld.idx.msk [tilespmem:v2+s17+$0xFFFFFF70 ss:$0x1], $0xffff;
	v27 =	vadd.f32 v9, v14;
	v28 =	vadd.f32 v10, v16  }
0x62: {  	v8 =	vadd.f32 v33, v13;
	v9 =	vadd.f32 v34, v22;
	v10 =	vld.idx.msk [tilespmem:v2+s17+$0xFFFFFFE0 ss:$0x1], $0xffff  }
0x63: {  	v13 =	vadd.f32 v35, v21;
	v14 =	vadd.f32 v36, v18;
	v15 =	vld.idx.msk [tilespmem:v2+s17+$0xFFFFFFF0 ss:$0x1], $0xffff  }
0x64: {  	v8 =	vadd.f32 v31, v8;
	v9 =	vadd.f32 v32, v9;
	v16 =	vld.idx.msk [tilespmem:v2+s17+$0x60 ss:$0x1], $0xffff  }
0x65: {  	v13 =	vadd.f32 v37, v13;
	v14 =	vadd.f32 v38, v14;
	v17 =	vld.idx.msk [tilespmem:v2+s17+$0x70 ss:$0x1], $0xffff  }
0x66: {  	v8 =	vadd.f32 v29, v8;
	v9 =	vadd.f32 v30, v9;
	v18 =	vld.idx.msk [tilespmem:v2+s17+$0xE0 ss:$0x1], $0xffff  }
0x67: {  	v13 =	vadd.f32 v19, v13;
	v7 =	vadd.f32 v7, v14;
	v14 =	vld.idx.msk [tilespmem:v2+s17+$0xF0 ss:$0x1], $0xffff  }
0x68: {  	v8 =	vadd.f32 v23, v8;
	v9 =	vadd.f32 v24, v9;
	v19 =	vld.idx.msk [tilespmem:v2+s17+$0x160 ss:$0x1], $0xffff  }
0x69: {  	v10 =	vadd.f32 v10, v13;
	v7 =	vadd.f32 v15, v7;
	v13 =	vld.idx.msk [tilespmem:v2+s17+$0x170 ss:$0x1], $0xffff  }
0x6a: {  	v8 =	vadd.f32 v12, v8;
	v9 =	vadd.f32 v11, v9;
	v11 =	vld.idx.msk [tilespmem:v2+s17+$0x1E0 ss:$0x1], $0xffff  }
0x6b: {  	v10 =	vadd.f32 v16, v10;
	v12 =	vadd.f32 v17, v7;
	v15 =	vld.idx.msk [tilespmem:v2+s17+$0x1F0 ss:$0x1], $0xffff;
	s17 =	sshra.s32 s18, $0x2  }
0x6c: {  	v6 =	vadd.f32 v6, v8;
	v5 =	vadd.f32 v5, v9;
	v7 =	vld.idx.msk [tilespmem:v2+s17+$0x180 ss:$0x1], $0xffff  }
0x6d: {  	v16 =	vadd.f32 v18, v10;
	v12 =	vadd.f32 v14, v12;
	v8 =	vld.idx.msk [tilespmem:v2+s17+$0x190 ss:$0x1], $0xffff  }
0x6e: {  	v4 =	vadd.f32 v4, v6;
	v3 =	vadd.f32 v3, v5;
	v9 =	vld.idx.msk [tilespmem:v2+s17+$0x1A0 ss:$0x1], $0xffff  }
0x6f: {  	v5 =	vadd.f32 v19, v16;
	v6 =	vadd.f32 v13, v12;
	v10 =	vld.idx.msk [tilespmem:v2+s17+$0x1B0 ss:$0x1], $0xffff  }
0x70: {  	v13 =	vadd.f32 v1, v4;
	v22 =	vadd.f32 v0, v3;
	v1 =	vld.idx.msk [tilespmem:v2+s17+$0x1C0 ss:$0x1], $0xffff  }
0x71: {  	v21 =	vadd.f32 v11, v5;
	v18 =	vadd.f32 v15, v6;
	v0 =	vld.idx.msk [tilespmem:v2+s17+$0x1D0 ss:$0x1], $0xffff  }
0x72: {  	v15 =	vld.idx.msk [tilespmem:v2+s17+$0x100 ss:$0x1], $0xffff  }
0x73: {  	v17 =	vld.idx.msk [tilespmem:v2+s17+$0x110 ss:$0x1], $0xffff  }
0x74: {  	v14 =	vld.idx.msk [tilespmem:v2+s17+$0x120 ss:$0x1], $0xffff  }
0x75: {  	v16 =	vld.idx.msk [tilespmem:v2+s17+$0x130 ss:$0x1], $0xffff  }
0x76: {  	v4 =	vld.idx.msk [tilespmem:v2+s17+$0x140 ss:$0x1], $0xffff  }
0x77: {  	v3 =	vld.idx.msk [tilespmem:v2+s17+$0x150 ss:$0x1], $0xffff  }
0x78: {  	v36 =	vld.idx.msk [tilespmem:v2+s17+$0x80 ss:$0x1], $0xffff  }
0x79: {  	v37 =	vld.idx.msk [tilespmem:v2+s17+$0x90 ss:$0x1], $0xffff  }
0x7a: {  	v19 =	vld.idx.msk [tilespmem:v2+s17+$0xA0 ss:$0x1], $0xffff  }
0x7b: {  	v20 =	vld.idx.msk [tilespmem:v2+s17+$0xB0 ss:$0x1], $0xffff  }
0x7c: {  	v6 =	vld.idx.msk [tilespmem:v2+s17+$0xC0 ss:$0x1], $0xffff  }
0x7d: {  	v5 =	vld.idx.msk [tilespmem:v2+s17+$0xD0 ss:$0x1], $0xffff  }
0x7e: {  	v34 =	vld.idx.msk [tilespmem:v2+s17+$0x0 ss:$0x1], $0xffff  }
0x7f: {  	v35 =	vld.idx.msk [tilespmem:v2+s17+$0x10 ss:$0x1], $0xffff  }
0x80: {  	v38 =	vld.idx.msk [tilespmem:v2+s17+$0x20 ss:$0x1], $0xffff  }
0x81: {  	v39 =	vld.idx.msk [tilespmem:v2+s17+$0x30 ss:$0x1], $0xffff  }
0x82: {  	v12 =	vld.idx.msk [tilespmem:v2+s17+$0x40 ss:$0x1], $0xffff  }
0x83: {  	v11 =	vld.idx.msk [tilespmem:v2+s17+$0x50 ss:$0x1], $0xffff  }
0x84: {  	v32 =	vld.idx.msk [tilespmem:v2+s17+$0xFFFFFF80 ss:$0x1], $0xffff  }
0x85: {  	v33 =	vld.idx.msk [tilespmem:v2+s17+$0xFFFFFF90 ss:$0x1], $0xffff  }
0x86: {  	v29 =	vld.idx.msk [tilespmem:v2+s17+$0xFFFFFF00 ss:$0x1], $0xffff  }
0x87: {  	v30 =	vld.idx.msk [tilespmem:v2+s17+$0xFFFFFF10 ss:$0x1], $0xffff  }
0x88: {  	v23 =	vld.idx.msk [tilespmem:v2+s17+$0xFFFFFE80 ss:$0x1], $0xffff  }
0x89: {  	v24 =	vld.idx.msk [tilespmem:v2+s17+$0xFFFFFE90 ss:$0x1], $0xffff  }
0x8a: {  	v31 =	vld.idx.msk [tilespmem:v2+s17+$0xFFFFFE00 ss:$0x1], $0xffff  }
0x8b: {  	v40 =	vld.idx.msk [tilespmem:v2+s17+$0xFFFFFE10 ss:$0x1], $0xffff  }
0x8c: {  	v41 =	vld.idx.msk [tilespmem:v2+s17+$0xFFFFFE20 ss:$0x1], $0xffff  }
0x8d: {  	v42 =	vld.idx.msk [tilespmem:v2+s17+$0xFFFFFE30 ss:$0x1], $0xffff  }
0x8e: {  	v43 =	vld.idx.msk [tilespmem:v2+s17+$0xFFFFFEA0 ss:$0x1], $0xffff  }
0x8f: {  	v44 =	vld.idx.msk [tilespmem:v2+s17+$0xFFFFFEB0 ss:$0x1], $0xffff  }
0x90: {  	v45 =	vld.idx.msk [tilespmem:v2+s17+$0xFFFFFF20 ss:$0x1], $0xffff  }
0x91: {  	v46 =	vld.idx.msk [tilespmem:v2+s17+$0xFFFFFF30 ss:$0x1], $0xffff  }
0x92: {  	v25 =	vadd.f32 v31, v25;
	v26 =	vadd.f32 v40, v26;
	v40 =	vld.idx.msk [tilespmem:v2+s17+$0xFFFFFFA0 ss:$0x1], $0xffff  }
0x93: {  	v27 =	vadd.f32 v41, v27;
	v28 =	vadd.f32 v42, v28;
	v41 =	vld.idx.msk [tilespmem:v2+s17+$0xFFFFFFB0 ss:$0x1], $0xffff  }
0x94: {  	v25 =	vadd.f32 v23, v25;
	v26 =	vadd.f32 v24, v26;
	v23 =	vld.idx.msk [tilespmem:v2+s17+$0xFFFFFFC0 ss:$0x1], $0xffff  }
0x95: {  	v27 =	vadd.f32 v43, v27;
	v28 =	vadd.f32 v44, v28;
	v24 =	vld.idx.msk [tilespmem:v2+s17+$0xFFFFFFD0 ss:$0x1], $0xffff  }
0x96: {  	v25 =	vadd.f32 v29, v25;
	v26 =	vadd.f32 v30, v26;
	v29 =	vld.idx.msk [tilespmem:v2+s17+$0xFFFFFF40 ss:$0x1], $0xffff  }
0x97: {  	v27 =	vadd.f32 v45, v27;
	v28 =	vadd.f32 v46, v28;
	v30 =	vld.idx.msk [tilespmem:v2+s17+$0xFFFFFF50 ss:$0x1], $0xffff  }
.Ltmp0:
0x98: {  	v25 =	vadd.f32 v32, v25;
	v26 =	vadd.f32 v33, v26;
	v31 =	vld.idx.msk [tilespmem:v2+s17+$0xFFFFFEC0 ss:$0x1], $0xffff;
	(pc) =	sbr.rel @p1 .LBB2_4-.Ltmp0, $4  }
0x99: {  	v27 =	vadd.f32 v40, v27;
	v28 =	vadd.f32 v41, v28;
	v32 =	vld.idx.msk [tilespmem:v2+s17+$0xFFFFFED0 ss:$0x1], $0xffff  }
0x9a: {  	v40 =	vadd.f32 v34, v25;
	v41 =	vadd.f32 v35, v26;
	v33 =	vld.idx.msk [tilespmem:v2+s17+$0xFFFFFE40 ss:$0x1], $0xffff  }
0x9b: {  	v25 =	vadd.f32 v38, v27;
	v26 =	vadd.f32 v39, v28;
	v34 =	vld.idx.msk [tilespmem:v2+s17+$0xFFFFFE50 ss:$0x1], $0xffff  }
0x9c: {  	s18 =	sadd.s32 $0x1000, s18;
	v27 =	vadd.f32 v36, v40;
	v28 =	vadd.f32 v37, v41;
	v35 =	vld.idx.msk [tilespmem:v2+s17+$0xFFFFFE60 ss:$0x1], $0xffff  }
0x9d: {  	_ =	sdelay $0x1  }
0x9e: {  	v19 =	vadd.f32 v19, v25;
	v20 =	vadd.f32 v20, v26  }
0x9f: {  	v15 =	vadd.f32 v15, v27;
	v17 =	vadd.f32 v17, v28  }
0xa0: {  	v36 =	vld.idx.msk [tilespmem:v2+s17+$0xFFFFFE70 ss:$0x1], $0xffff;
	v14 =	vadd.f32 v14, v19;
	v16 =	vadd.f32 v16, v20  }
0xa1: {  	v37 =	vld.idx.msk [tilespmem:v2+s17+$0xFFFFFEE0 ss:$0x1], $0xffff;
	v13 =	vadd.f32 v33, v13;
	v7 =	vadd.f32 v7, v15  }
0xa2: {  	v38 =	vld.idx.msk [tilespmem:v2+s17+$0xFFFFFEF0 ss:$0x1], $0xffff;
	v8 =	vadd.f32 v8, v17;
	v40 =	vadd.f32 v34, v22  }
0xa3: {  	v39 =	vld.idx.msk [tilespmem:v2+s17+$0xFFFFFF60 ss:$0x1], $0xffff;
	v9 =	vadd.f32 v9, v14;
	v10 =	vadd.f32 v10, v16  }
0xa4: {  	v41 =	vld.idx.msk [tilespmem:v2+s17+$0xFFFFFF70 ss:$0x1], $0xffff;
	v42 =	vadd.f32 v35, v21;
	v13 =	vadd.f32 v31, v13  }
0xa5: {  	v43 =	vld.idx.msk [tilespmem:v2+s17+$0xFFFFFFE0 ss:$0x1], $0xffff;
	v18 =	vadd.f32 v36, v18;
	v16 =	vadd.f32 v32, v40  }
0xa6: {  	v44 =	vld.idx.msk [tilespmem:v2+s17+$0xFFFFFFF0 ss:$0x1], $0xffff;
	v19 =	vadd.f32 v37, v42;
	v13 =	vadd.f32 v29, v13  }
0xa7: {  	v45 =	vld.idx.msk [tilespmem:v2+s17+$0x60 ss:$0x1], $0xffff;
	v15 =	vadd.f32 v38, v18;
	v16 =	vadd.f32 v30, v16  }
0xa8: {  	v46 =	vld.idx.msk [tilespmem:v2+s17+$0x70 ss:$0x1], $0xffff;
	v14 =	vadd.f32 v39, v19;
	v13 =	vadd.f32 v23, v13  }
0xa9: {  	v47 =	vld.idx.msk [tilespmem:v2+s17+$0xE0 ss:$0x1], $0xffff;
	v15 =	vadd.f32 v41, v15;
	v16 =	vadd.f32 v24, v16  }
0xaa: {  	v48 =	vld.idx.msk [tilespmem:v2+s17+$0xF0 ss:$0x1], $0xffff;
	v14 =	vadd.f32 v43, v14;
	v12 =	vadd.f32 v12, v13  }
0xab: {  	v49 =	vld.idx.msk [tilespmem:v2+s17+$0x160 ss:$0x1], $0xffff;
	v15 =	vadd.f32 v44, v15;
	v11 =	vadd.f32 v11, v16  }
0xac: {  	v50 =	vld.idx.msk [tilespmem:v2+s17+$0x170 ss:$0x1], $0xffff;
	v14 =	vadd.f32 v45, v14;
	v6 =	vadd.f32 v6, v12  }
0xad: {  	v51 =	vld.idx.msk [tilespmem:v2+s17+$0x1E0 ss:$0x1], $0xffff;
	v15 =	vadd.f32 v46, v15;
	v5 =	vadd.f32 v5, v11  }
0xae: {  	v52 =	vld.idx.msk [tilespmem:v2+s17+$0x1F0 ss:$0x1], $0xffff;
	s18 =	sshll.u32 s15, $0x7;
	v54 =	vmul.f32 $3.125000000e-02, v7;
	v53 =	vadd.f32 v47, v14;
	v4 =	vadd.f32 v4, v6  }
0xaf: {  	s17 =	sand.u32 $0x3FFFFF80, s18;
	v56 =	vmul.f32 $3.125000000e-02, v8;
	v55 =	vadd.f32 v48, v15;
	v3 =	vadd.f32 v3, v5  }
0xb0: {  	v58 =	vmul.f32 $3.125000000e-02, v9;
	[tilespmem:s17+$0x1C000] =	vst v54;
	v57 =	vadd.f32 v49, v53;
	v1 =	vadd.f32 v1, v4  }
0xb1: {  	s15 =	sadd.s32 $0x1, s15;
	v60 =	vmul.f32 $3.125000000e-02, v10;
	[tilespmem:s17+$0x1C010] =	vst v56;
	v59 =	vadd.f32 v50, v55;
	v0 =	vadd.f32 v0, v3  }
0xb2: {  	p1 =	sne.s32 s15, $0x8;
	[tilespmem:s17+$0x1C020] =	vst v58;
	v61 =	vadd.f32 v51, v57;
	v1 =	vmul.f32 $3.125000000e-02, v1  }
.Ltmp1:
0xb3: {  	[tilespmem:s17+$0x1C030] =	vst v60;
	v2 =	vadd.f32 v52, v59;
	v0 =	vmul.f32 $3.125000000e-02, v0;
	(pc) =	sbr.rel @p1 .LBB2_3-.Ltmp1, $4  }
0xb4: {  	[tilespmem:s17+$0x1C040] =	vst v1;
	v62 =	vmul.f32 $3.125000000e-02, v61  }
0xb5: {  	[tilespmem:s17+$0x1C050] =	vst v0;
	v63 =	vmul.f32 $3.125000000e-02, v2  }
0xb6: {  	[tilespmem:s17+$0x1C060] =	vst v62  }
0xb7: {  	s16 =	sadd.s32 $0x1000, s16;
	[tilespmem:s17+$0x1C070] =	vst v63  }
0xb8: {  	s0 =	sshll.u32 s0, $0x4  }
0xb9: {  	s15 =	smul.u32 $0xC00, s30;
	s0 =	sadd.s32 s3, s0  }
0xba: {  	[hbm4b:s0+s4] =	stream.linear.scatter [tilespmem:s22], [sflag:$0x4], $0x400, $0x38;
	[tilespmem:$0x1CC00] =	vst v63  }
0xbb: {  	s0 =	sshra.s32 s15, $0x2  }
0xbc: {  	s15 =	sadd.s32 $0x300, s0  }
0xbd: {  	[tilespmem:s13], [sflag:$0x1] =	stream.indirect.gather [hbm4b:s1+s12], $0x80, s15, s12, $0xb8;
	[tilespmem:$0x1CC00] =	vst v63  }
0xbe: {  	s18 =	sadd.s32 $0x380, s0  }
0xbf: {  	[tilespmem:s14], [sflag:$0x1] =	stream.indirect.gather [hbm4b:s1+s12], $0x80, s18, s12, $0xb8;
	[tilespmem:$0x1CC00] =	vst v63  }
0xc0: {  	_ =	swait.ge [sflag:s23], $0x4000  }
0xc1: {  	[sflag:s23] =	ssyncset.done $0x0  }
0xc2: {  	[sflag:s23] =	ssyncadd.s32 $0xFFFFC000  }
0xc3: {  	_ =	swait.ge [sflag:s23], $0x4000  }
0xc4: {  	[sflag:s23] =	ssyncset.done $0x0  }
0xc5: {  	s15 =	simm.s32 @!p0 $0x4;
	[sflag:s23] =	ssyncadd.s32 $0xFFFFC000  }
0xc6: {  	_ =	swait.ge @!p0 [sflag:s15], $0x400  }
0xc7: {  	s2 =	sadd.s32 s8, s2;
	[sflag:s15] =	ssyncset.done @!p0 $0x0  }
0xc8: {  	s16 =	simm.s32 $0x4000;
	[sflag:s15] =	ssyncadd.s32 @!p0 $0xFFFFFC00;
	s15 =	simm.s32 $0x0  }
.LBB2_7:
0xc9: {  	v2 =	vmov s16;
	_ =	sdelay $0x3  }
0xca: {  	s17 =	simm.s32 $0x0  }
0xcb: {  	v7 =	vld.idx.msk [tilespmem:v2+s17+$0x8380 ss:$0x1], $0xffff  }
0xcc: {  	v8 =	vld.idx.msk [tilespmem:v2+s17+$0x8390 ss:$0x1], $0xffff  }
0xcd: {  	v9 =	vld.idx.msk [tilespmem:v2+s17+$0x83A0 ss:$0x1], $0xffff  }
0xce: {  	v10 =	vld.idx.msk [tilespmem:v2+s17+$0x83B0 ss:$0x1], $0xffff  }
0xcf: {  	v1 =	vld.idx.msk [tilespmem:v2+s17+$0x83C0 ss:$0x1], $0xffff  }
0xd0: {  	v0 =	vld.idx.msk [tilespmem:v2+s17+$0x83D0 ss:$0x1], $0xffff  }
0xd1: {  	v15 =	vld.idx.msk [tilespmem:v2+s17+$0x8300 ss:$0x1], $0xffff  }
0xd2: {  	v17 =	vld.idx.msk [tilespmem:v2+s17+$0x8310 ss:$0x1], $0xffff  }
0xd3: {  	v14 =	vld.idx.msk [tilespmem:v2+s17+$0x8320 ss:$0x1], $0xffff  }
0xd4: {  	v16 =	vld.idx.msk [tilespmem:v2+s17+$0x8330 ss:$0x1], $0xffff  }
0xd5: {  	v4 =	vld.idx.msk [tilespmem:v2+s17+$0x8340 ss:$0x1], $0xffff  }
0xd6: {  	v3 =	vld.idx.msk [tilespmem:v2+s17+$0x8350 ss:$0x1], $0xffff  }
0xd7: {  	v18 =	vld.idx.msk [tilespmem:v2+s17+$0x8280 ss:$0x1], $0xffff  }
0xd8: {  	v21 =	vld.idx.msk [tilespmem:v2+s17+$0x8290 ss:$0x1], $0xffff  }
0xd9: {  	v19 =	vld.idx.msk [tilespmem:v2+s17+$0x82A0 ss:$0x1], $0xffff  }
0xda: {  	v20 =	vld.idx.msk [tilespmem:v2+s17+$0x82B0 ss:$0x1], $0xffff  }
0xdb: {  	v6 =	vld.idx.msk [tilespmem:v2+s17+$0x82C0 ss:$0x1], $0xffff  }
0xdc: {  	v5 =	vld.idx.msk [tilespmem:v2+s17+$0x82D0 ss:$0x1], $0xffff  }
0xdd: {  	v22 =	vld.idx.msk [tilespmem:v2+s17+$0x8200 ss:$0x1], $0xffff  }
0xde: {  	v25 =	vld.idx.msk [tilespmem:v2+s17+$0x8210 ss:$0x1], $0xffff  }
0xdf: {  	v26 =	vld.idx.msk [tilespmem:v2+s17+$0x8220 ss:$0x1], $0xffff  }
0xe0: {  	v27 =	vld.idx.msk [tilespmem:v2+s17+$0x8230 ss:$0x1], $0xffff  }
0xe1: {  	v12 =	vld.idx.msk [tilespmem:v2+s17+$0x8240 ss:$0x1], $0xffff  }
0xe2: {  	v11 =	vld.idx.msk [tilespmem:v2+s17+$0x8250 ss:$0x1], $0xffff  }
0xe3: {  	v28 =	vld.idx.msk [tilespmem:v2+s17+$0x8180 ss:$0x1], $0xffff  }
0xe4: {  	v31 =	vld.idx.msk [tilespmem:v2+s17+$0x8190 ss:$0x1], $0xffff  }
0xe5: {  	v29 =	vld.idx.msk [tilespmem:v2+s17+$0x8100 ss:$0x1], $0xffff  }
0xe6: {  	v30 =	vld.idx.msk [tilespmem:v2+s17+$0x8110 ss:$0x1], $0xffff  }
0xe7: {  	v23 =	vld.idx.msk [tilespmem:v2+s17+$0x8080 ss:$0x1], $0xffff  }
0xe8: {  	v24 =	vld.idx.msk [tilespmem:v2+s17+$0x8090 ss:$0x1], $0xffff  }
0xe9: {  	v32 =	vld.idx.msk [tilespmem:v2+s17+$0x8000 ss:$0x1], $0xffff  }
0xea: {  	v33 =	vld.idx.msk [tilespmem:v2+s17+$0x8010 ss:$0x1], $0xffff  }
0xeb: {  	v34 =	vld.idx.msk [tilespmem:v2+s17+$0x8020 ss:$0x1], $0xffff  }
0xec: {  	v35 =	vld.idx.msk [tilespmem:v2+s17+$0x8030 ss:$0x1], $0xffff  }
0xed: {  	v36 =	vld.idx.msk [tilespmem:v2+s17+$0x80A0 ss:$0x1], $0xffff  }
0xee: {  	v37 =	vld.idx.msk [tilespmem:v2+s17+$0x80B0 ss:$0x1], $0xffff  }
0xef: {  	v13 =	vimm.f32 $0.0e+00;
	v38 =	vld.idx.msk [tilespmem:v2+s17+$0x8120 ss:$0x1], $0xffff  }
0xf0: {  	v39 =	vld.idx.msk [tilespmem:v2+s17+$0x8130 ss:$0x1], $0xffff;
	v32 =	vadd.f32 v32, v13;
	v33 =	vadd.f32 v33, v13  }
0xf1: {  	v40 =	vld.idx.msk [tilespmem:v2+s17+$0x81A0 ss:$0x1], $0xffff;
	v34 =	vadd.f32 v34, v13;
	v35 =	vadd.f32 v35, v13  }
0xf2: {  	v41 =	vld.idx.msk [tilespmem:v2+s17+$0x81B0 ss:$0x1], $0xffff;
	v32 =	vadd.f32 v23, v32;
	v33 =	vadd.f32 v24, v33  }
0xf3: {  	v23 =	vld.idx.msk [tilespmem:v2+s17+$0x81C0 ss:$0x1], $0xffff;
	v34 =	vadd.f32 v36, v34;
	v35 =	vadd.f32 v37, v35  }
0xf4: {  	v24 =	vld.idx.msk [tilespmem:v2+s17+$0x81D0 ss:$0x1], $0xffff;
	v32 =	vadd.f32 v29, v32;
	v33 =	vadd.f32 v30, v33  }
0xf5: {  	v29 =	vld.idx.msk [tilespmem:v2+s17+$0x8140 ss:$0x1], $0xffff;
	v34 =	vadd.f32 v38, v34;
	v35 =	vadd.f32 v39, v35  }
0xf6: {  	v30 =	vld.idx.msk [tilespmem:v2+s17+$0x8150 ss:$0x1], $0xffff;
	v28 =	vadd.f32 v28, v32;
	v33 =	vadd.f32 v31, v33  }
0xf7: {  	v31 =	vld.idx.msk [tilespmem:v2+s17+$0x80C0 ss:$0x1], $0xffff;
	v34 =	vadd.f32 v40, v34;
	v35 =	vadd.f32 v41, v35  }
0xf8: {  	v32 =	vld.idx.msk [tilespmem:v2+s17+$0x80D0 ss:$0x1], $0xffff;
	v22 =	vadd.f32 v22, v28;
	v28 =	vadd.f32 v25, v33  }
0xf9: {  	v33 =	vld.idx.msk [tilespmem:v2+s17+$0x8040 ss:$0x1], $0xffff;
	v25 =	vadd.f32 v26, v34;
	v26 =	vadd.f32 v27, v35  }
0xfa: {  	v34 =	vld.idx.msk [tilespmem:v2+s17+$0x8050 ss:$0x1], $0xffff;
	v27 =	vadd.f32 v18, v22;
	v28 =	vadd.f32 v21, v28  }
0xfb: {  	s18 =	simm.s32 $0x1000;
	v35 =	vld.idx.msk [tilespmem:v2+s17+$0x8060 ss:$0x1], $0xffff;
	v22 =	vimm.f32 $0.0e+00;
	v21 =	vimm.f32 $0.0e+00;
	v18 =	vimm.f32 $0.0e+00  }
.LBB2_8:
0xfc: {  	p1 =	sne.s32 s18, $0x3000;
	v36 =	vld.idx.msk [tilespmem:v2+s17+$0x8070 ss:$0x1], $0xffff;
	v19 =	vadd.f32 v19, v25;
	v20 =	vadd.f32 v20, v26  }
0xfd: {  	v37 =	vld.idx.msk [tilespmem:v2+s17+$0x80E0 ss:$0x1], $0xffff;
	v15 =	vadd.f32 v15, v27;
	v17 =	vadd.f32 v17, v28  }
0xfe: {  	v38 =	vld.idx.msk [tilespmem:v2+s17+$0x80F0 ss:$0x1], $0xffff;
	v14 =	vadd.f32 v14, v19;
	v16 =	vadd.f32 v16, v20  }
0xff: {  	v19 =	vld.idx.msk [tilespmem:v2+s17+$0x8160 ss:$0x1], $0xffff;
	v25 =	vadd.f32 v7, v15;
	v26 =	vadd.f32 v8, v17  }
0x100: {  	v7 =	vld.idx.msk [tilespmem:v2+s17+$0x8170 ss:$0x1], $0xffff;
	v27 =	vadd.f32 v9, v14;
	v28 =	vadd.f32 v10, v16  }
0x101: {  	v8 =	vadd.f32 v33, v13;
	v9 =	vadd.f32 v34, v22;
	v10 =	vld.idx.msk [tilespmem:v2+s17+$0x81E0 ss:$0x1], $0xffff  }
0x102: {  	v13 =	vadd.f32 v35, v21;
	v14 =	vadd.f32 v36, v18;
	v15 =	vld.idx.msk [tilespmem:v2+s17+$0x81F0 ss:$0x1], $0xffff  }
0x103: {  	v8 =	vadd.f32 v31, v8;
	v9 =	vadd.f32 v32, v9;
	v16 =	vld.idx.msk [tilespmem:v2+s17+$0x8260 ss:$0x1], $0xffff  }
0x104: {  	v13 =	vadd.f32 v37, v13;
	v14 =	vadd.f32 v38, v14;
	v17 =	vld.idx.msk [tilespmem:v2+s17+$0x8270 ss:$0x1], $0xffff  }
0x105: {  	v8 =	vadd.f32 v29, v8;
	v9 =	vadd.f32 v30, v9;
	v18 =	vld.idx.msk [tilespmem:v2+s17+$0x82E0 ss:$0x1], $0xffff  }
0x106: {  	v13 =	vadd.f32 v19, v13;
	v7 =	vadd.f32 v7, v14;
	v14 =	vld.idx.msk [tilespmem:v2+s17+$0x82F0 ss:$0x1], $0xffff  }
0x107: {  	v8 =	vadd.f32 v23, v8;
	v9 =	vadd.f32 v24, v9;
	v19 =	vld.idx.msk [tilespmem:v2+s17+$0x8360 ss:$0x1], $0xffff  }
0x108: {  	v10 =	vadd.f32 v10, v13;
	v7 =	vadd.f32 v15, v7;
	v13 =	vld.idx.msk [tilespmem:v2+s17+$0x8370 ss:$0x1], $0xffff  }
0x109: {  	v8 =	vadd.f32 v12, v8;
	v9 =	vadd.f32 v11, v9;
	v11 =	vld.idx.msk [tilespmem:v2+s17+$0x83E0 ss:$0x1], $0xffff  }
0x10a: {  	v10 =	vadd.f32 v16, v10;
	v12 =	vadd.f32 v17, v7;
	v15 =	vld.idx.msk [tilespmem:v2+s17+$0x83F0 ss:$0x1], $0xffff;
	s17 =	sshra.s32 s18, $0x2  }
0x10b: {  	v6 =	vadd.f32 v6, v8;
	v5 =	vadd.f32 v5, v9;
	v7 =	vld.idx.msk [tilespmem:v2+s17+$0x8380 ss:$0x1], $0xffff  }
0x10c: {  	v16 =	vadd.f32 v18, v10;
	v12 =	vadd.f32 v14, v12;
	v8 =	vld.idx.msk [tilespmem:v2+s17+$0x8390 ss:$0x1], $0xffff  }
0x10d: {  	v4 =	vadd.f32 v4, v6;
	v3 =	vadd.f32 v3, v5;
	v9 =	vld.idx.msk [tilespmem:v2+s17+$0x83A0 ss:$0x1], $0xffff  }
0x10e: {  	v5 =	vadd.f32 v19, v16;
	v6 =	vadd.f32 v13, v12;
	v10 =	vld.idx.msk [tilespmem:v2+s17+$0x83B0 ss:$0x1], $0xffff  }
0x10f: {  	v13 =	vadd.f32 v1, v4;
	v22 =	vadd.f32 v0, v3;
	v1 =	vld.idx.msk [tilespmem:v2+s17+$0x83C0 ss:$0x1], $0xffff  }
0x110: {  	v21 =	vadd.f32 v11, v5;
	v18 =	vadd.f32 v15, v6;
	v0 =	vld.idx.msk [tilespmem:v2+s17+$0x83D0 ss:$0x1], $0xffff  }
0x111: {  	v15 =	vld.idx.msk [tilespmem:v2+s17+$0x8300 ss:$0x1], $0xffff  }
0x112: {  	v17 =	vld.idx.msk [tilespmem:v2+s17+$0x8310 ss:$0x1], $0xffff  }
0x113: {  	v14 =	vld.idx.msk [tilespmem:v2+s17+$0x8320 ss:$0x1], $0xffff  }
0x114: {  	v16 =	vld.idx.msk [tilespmem:v2+s17+$0x8330 ss:$0x1], $0xffff  }
0x115: {  	v4 =	vld.idx.msk [tilespmem:v2+s17+$0x8340 ss:$0x1], $0xffff  }
0x116: {  	v3 =	vld.idx.msk [tilespmem:v2+s17+$0x8350 ss:$0x1], $0xffff  }
0x117: {  	v36 =	vld.idx.msk [tilespmem:v2+s17+$0x8280 ss:$0x1], $0xffff  }
0x118: {  	v37 =	vld.idx.msk [tilespmem:v2+s17+$0x8290 ss:$0x1], $0xffff  }
0x119: {  	v19 =	vld.idx.msk [tilespmem:v2+s17+$0x82A0 ss:$0x1], $0xffff  }
0x11a: {  	v20 =	vld.idx.msk [tilespmem:v2+s17+$0x82B0 ss:$0x1], $0xffff  }
0x11b: {  	v6 =	vld.idx.msk [tilespmem:v2+s17+$0x82C0 ss:$0x1], $0xffff  }
0x11c: {  	v5 =	vld.idx.msk [tilespmem:v2+s17+$0x82D0 ss:$0x1], $0xffff  }
0x11d: {  	v34 =	vld.idx.msk [tilespmem:v2+s17+$0x8200 ss:$0x1], $0xffff  }
0x11e: {  	v35 =	vld.idx.msk [tilespmem:v2+s17+$0x8210 ss:$0x1], $0xffff  }
0x11f: {  	v38 =	vld.idx.msk [tilespmem:v2+s17+$0x8220 ss:$0x1], $0xffff  }
0x120: {  	v39 =	vld.idx.msk [tilespmem:v2+s17+$0x8230 ss:$0x1], $0xffff  }
0x121: {  	v12 =	vld.idx.msk [tilespmem:v2+s17+$0x8240 ss:$0x1], $0xffff  }
0x122: {  	v11 =	vld.idx.msk [tilespmem:v2+s17+$0x8250 ss:$0x1], $0xffff  }
0x123: {  	v32 =	vld.idx.msk [tilespmem:v2+s17+$0x8180 ss:$0x1], $0xffff  }
0x124: {  	v33 =	vld.idx.msk [tilespmem:v2+s17+$0x8190 ss:$0x1], $0xffff  }
0x125: {  	v29 =	vld.idx.msk [tilespmem:v2+s17+$0x8100 ss:$0x1], $0xffff  }
0x126: {  	v30 =	vld.idx.msk [tilespmem:v2+s17+$0x8110 ss:$0x1], $0xffff  }
0x127: {  	v23 =	vld.idx.msk [tilespmem:v2+s17+$0x8080 ss:$0x1], $0xffff  }
0x128: {  	v24 =	vld.idx.msk [tilespmem:v2+s17+$0x8090 ss:$0x1], $0xffff  }
0x129: {  	v31 =	vld.idx.msk [tilespmem:v2+s17+$0x8000 ss:$0x1], $0xffff  }
0x12a: {  	v40 =	vld.idx.msk [tilespmem:v2+s17+$0x8010 ss:$0x1], $0xffff  }
0x12b: {  	v41 =	vld.idx.msk [tilespmem:v2+s17+$0x8020 ss:$0x1], $0xffff  }
0x12c: {  	v42 =	vld.idx.msk [tilespmem:v2+s17+$0x8030 ss:$0x1], $0xffff  }
0x12d: {  	v43 =	vld.idx.msk [tilespmem:v2+s17+$0x80A0 ss:$0x1], $0xffff  }
0x12e: {  	v44 =	vld.idx.msk [tilespmem:v2+s17+$0x80B0 ss:$0x1], $0xffff  }
0x12f: {  	v45 =	vld.idx.msk [tilespmem:v2+s17+$0x8120 ss:$0x1], $0xffff  }
0x130: {  	v46 =	vld.idx.msk [tilespmem:v2+s17+$0x8130 ss:$0x1], $0xffff  }
0x131: {  	v25 =	vadd.f32 v31, v25;
	v26 =	vadd.f32 v40, v26;
	v40 =	vld.idx.msk [tilespmem:v2+s17+$0x81A0 ss:$0x1], $0xffff  }
0x132: {  	v27 =	vadd.f32 v41, v27;
	v28 =	vadd.f32 v42, v28;
	v41 =	vld.idx.msk [tilespmem:v2+s17+$0x81B0 ss:$0x1], $0xffff  }
0x133: {  	v25 =	vadd.f32 v23, v25;
	v26 =	vadd.f32 v24, v26;
	v23 =	vld.idx.msk [tilespmem:v2+s17+$0x81C0 ss:$0x1], $0xffff  }
0x134: {  	v27 =	vadd.f32 v43, v27;
	v28 =	vadd.f32 v44, v28;
	v24 =	vld.idx.msk [tilespmem:v2+s17+$0x81D0 ss:$0x1], $0xffff  }
0x135: {  	v25 =	vadd.f32 v29, v25;
	v26 =	vadd.f32 v30, v26;
	v29 =	vld.idx.msk [tilespmem:v2+s17+$0x8140 ss:$0x1], $0xffff  }
0x136: {  	v27 =	vadd.f32 v45, v27;
	v28 =	vadd.f32 v46, v28;
	v30 =	vld.idx.msk [tilespmem:v2+s17+$0x8150 ss:$0x1], $0xffff  }
.Ltmp2:
0x137: {  	v25 =	vadd.f32 v32, v25;
	v26 =	vadd.f32 v33, v26;
	v31 =	vld.idx.msk [tilespmem:v2+s17+$0x80C0 ss:$0x1], $0xffff;
	(pc) =	sbr.rel @p1 .LBB2_8-.Ltmp2, $4  }
0x138: {  	v27 =	vadd.f32 v40, v27;
	v28 =	vadd.f32 v41, v28;
	v32 =	vld.idx.msk [tilespmem:v2+s17+$0x80D0 ss:$0x1], $0xffff  }
0x139: {  	v40 =	vadd.f32 v34, v25;
	v41 =	vadd.f32 v35, v26;
	v33 =	vld.idx.msk [tilespmem:v2+s17+$0x8040 ss:$0x1], $0xffff  }
0x13a: {  	v25 =	vadd.f32 v38, v27;
	v26 =	vadd.f32 v39, v28;
	v34 =	vld.idx.msk [tilespmem:v2+s17+$0x8050 ss:$0x1], $0xffff  }
0x13b: {  	s18 =	sadd.s32 $0x1000, s18;
	v27 =	vadd.f32 v36, v40;
	v28 =	vadd.f32 v37, v41;
	v35 =	vld.idx.msk [tilespmem:v2+s17+$0x8060 ss:$0x1], $0xffff  }
0x13c: {  	_ =	sdelay $0x1  }
0x13d: {  	v19 =	vadd.f32 v19, v25;
	v20 =	vadd.f32 v20, v26  }
0x13e: {  	v15 =	vadd.f32 v15, v27;
	v17 =	vadd.f32 v17, v28  }
0x13f: {  	v36 =	vld.idx.msk [tilespmem:v2+s17+$0x8070 ss:$0x1], $0xffff;
	v14 =	vadd.f32 v14, v19;
	v16 =	vadd.f32 v16, v20  }
0x140: {  	v37 =	vld.idx.msk [tilespmem:v2+s17+$0x80E0 ss:$0x1], $0xffff;
	v13 =	vadd.f32 v33, v13;
	v7 =	vadd.f32 v7, v15  }
0x141: {  	v38 =	vld.idx.msk [tilespmem:v2+s17+$0x80F0 ss:$0x1], $0xffff;
	v8 =	vadd.f32 v8, v17;
	v40 =	vadd.f32 v34, v22  }
0x142: {  	v39 =	vld.idx.msk [tilespmem:v2+s17+$0x8160 ss:$0x1], $0xffff;
	v9 =	vadd.f32 v9, v14;
	v10 =	vadd.f32 v10, v16  }
0x143: {  	v41 =	vld.idx.msk [tilespmem:v2+s17+$0x8170 ss:$0x1], $0xffff;
	v42 =	vadd.f32 v35, v21;
	v13 =	vadd.f32 v31, v13  }
0x144: {  	v43 =	vld.idx.msk [tilespmem:v2+s17+$0x81E0 ss:$0x1], $0xffff;
	v18 =	vadd.f32 v36, v18;
	v16 =	vadd.f32 v32, v40  }
0x145: {  	v44 =	vld.idx.msk [tilespmem:v2+s17+$0x81F0 ss:$0x1], $0xffff;
	v19 =	vadd.f32 v37, v42;
	v13 =	vadd.f32 v29, v13  }
0x146: {  	v45 =	vld.idx.msk [tilespmem:v2+s17+$0x8260 ss:$0x1], $0xffff;
	v15 =	vadd.f32 v38, v18;
	v16 =	vadd.f32 v30, v16  }
0x147: {  	v46 =	vld.idx.msk [tilespmem:v2+s17+$0x8270 ss:$0x1], $0xffff;
	v14 =	vadd.f32 v39, v19;
	v13 =	vadd.f32 v23, v13  }
0x148: {  	v47 =	vld.idx.msk [tilespmem:v2+s17+$0x82E0 ss:$0x1], $0xffff;
	v15 =	vadd.f32 v41, v15;
	v16 =	vadd.f32 v24, v16  }
0x149: {  	v48 =	vld.idx.msk [tilespmem:v2+s17+$0x82F0 ss:$0x1], $0xffff;
	v14 =	vadd.f32 v43, v14;
	v12 =	vadd.f32 v12, v13  }
0x14a: {  	v49 =	vld.idx.msk [tilespmem:v2+s17+$0x8360 ss:$0x1], $0xffff;
	v15 =	vadd.f32 v44, v15;
	v11 =	vadd.f32 v11, v16  }
0x14b: {  	v50 =	vld.idx.msk [tilespmem:v2+s17+$0x8370 ss:$0x1], $0xffff;
	v14 =	vadd.f32 v45, v14;
	v6 =	vadd.f32 v6, v12  }
0x14c: {  	v51 =	vld.idx.msk [tilespmem:v2+s17+$0x83E0 ss:$0x1], $0xffff;
	v15 =	vadd.f32 v46, v15;
	v5 =	vadd.f32 v5, v11  }
0x14d: {  	v52 =	vld.idx.msk [tilespmem:v2+s17+$0x83F0 ss:$0x1], $0xffff;
	s18 =	sshll.u32 s15, $0x7;
	v54 =	vmul.f32 $3.125000000e-02, v7;
	v53 =	vadd.f32 v47, v14;
	v4 =	vadd.f32 v4, v6  }
0x14e: {  	s17 =	sand.u32 $0x3FFFFF80, s18;
	v56 =	vmul.f32 $3.125000000e-02, v8;
	v55 =	vadd.f32 v48, v15;
	v3 =	vadd.f32 v3, v5  }
0x14f: {  	v58 =	vmul.f32 $3.125000000e-02, v9;
	[tilespmem:s17+$0x1C400] =	vst v54;
	v57 =	vadd.f32 v49, v53;
	v1 =	vadd.f32 v1, v4  }
0x150: {  	s15 =	sadd.s32 $0x1, s15;
	v60 =	vmul.f32 $3.125000000e-02, v10;
	[tilespmem:s17+$0x1C410] =	vst v56;
	v59 =	vadd.f32 v50, v55;
	v0 =	vadd.f32 v0, v3  }
0x151: {  	p1 =	sne.s32 s15, $0x8;
	[tilespmem:s17+$0x1C420] =	vst v58;
	v61 =	vadd.f32 v51, v57;
	v1 =	vmul.f32 $3.125000000e-02, v1  }
.Ltmp3:
0x152: {  	[tilespmem:s17+$0x1C430] =	vst v60;
	v2 =	vadd.f32 v52, v59;
	v0 =	vmul.f32 $3.125000000e-02, v0;
	(pc) =	sbr.rel @p1 .LBB2_7-.Ltmp3, $4  }
0x153: {  	[tilespmem:s17+$0x1C440] =	vst v1;
	v62 =	vmul.f32 $3.125000000e-02, v61  }
0x154: {  	[tilespmem:s17+$0x1C450] =	vst v0;
	v63 =	vmul.f32 $3.125000000e-02, v2  }
0x155: {  	[tilespmem:s17+$0x1C460] =	vst v62  }
0x156: {  	s16 =	sadd.s32 $0x1000, s16;
	[tilespmem:s17+$0x1C470] =	vst v63  }
0x157: {  	s2 =	sshll.u32 s2, $0x4  }
0x158: {  	p1 =	seq.s32 s30, $0x14;
	s2 =	sadd.s32 s3, s2  }
0x159: {  	[hbm4b:s2+s4] =	stream.linear.scatter [tilespmem:s24], [sflag:$0x4], $0x400, $0x38;
	[tilespmem:$0x1CC00] =	vst v63  }
0x15a: {  	s15 =	simm.s32 @!p1 $0x80;
	s16 =	simm.s32 @!p1 $0xC000;
	s2 =	sadd.s32 @!p1 $0x400, s0  }
0x15b: {  	[tilespmem:s16], [sflag:$0x2] =	stream.indirect.gather @!p1 [hbm4b:s1+s15], $0x80, s2, s15, $0xb8;
	[tilespmem:$0x1CC00] =	vst v63  }
0x15c: {  	s0 =	sadd.s32 @!p1 $0x480, s0;
	s2 =	simm.s32 @!p1 $0x10000  }
0x15d: {  	[tilespmem:s2], [sflag:$0x2] =	stream.indirect.gather @!p1 [hbm4b:s1+s15], $0x80, s0, s15, $0xb8;
	[tilespmem:$0x1CC00] =	vst v63  }
0x15e: {  	_ =	swait.ge [sflag:s25], $0x4000  }
0x15f: {  	[sflag:s25] =	ssyncset.done $0x0  }
0x160: {  	[sflag:s25] =	ssyncadd.s32 $0xFFFFC000  }
0x161: {  	_ =	swait.ge [sflag:s25], $0x4000  }
0x162: {  	[sflag:s25] =	ssyncset.done $0x0  }
0x163: {  	s0 =	simm.s32 @!p0 $0x4;
	[sflag:s25] =	ssyncadd.s32 $0xFFFFC000  }
0x164: {  	_ =	swait.ge @!p0 [sflag:s0], $0x400  }
0x165: {  	[sflag:s0] =	ssyncset.done @!p0 $0x0  }
0x166: {  	s2 =	simm.s32 $0x4000;
	[sflag:s0] =	ssyncadd.s32 @!p0 $0xFFFFFC00;
	s0 =	simm.s32 $0x0  }
.LBB2_11:
0x167: {  	v2 =	vmov s2;
	_ =	sdelay $0x3  }
0x168: {  	s15 =	simm.s32 $0x0  }
0x169: {  	v7 =	vld.idx.msk [tilespmem:v2+s15+$0x10380 ss:$0x1], $0xffff  }
0x16a: {  	v8 =	vld.idx.msk [tilespmem:v2+s15+$0x10390 ss:$0x1], $0xffff  }
0x16b: {  	v9 =	vld.idx.msk [tilespmem:v2+s15+$0x103A0 ss:$0x1], $0xffff  }
0x16c: {  	v10 =	vld.idx.msk [tilespmem:v2+s15+$0x103B0 ss:$0x1], $0xffff  }
0x16d: {  	v1 =	vld.idx.msk [tilespmem:v2+s15+$0x103C0 ss:$0x1], $0xffff  }
0x16e: {  	v0 =	vld.idx.msk [tilespmem:v2+s15+$0x103D0 ss:$0x1], $0xffff  }
0x16f: {  	v15 =	vld.idx.msk [tilespmem:v2+s15+$0x10300 ss:$0x1], $0xffff  }
0x170: {  	v17 =	vld.idx.msk [tilespmem:v2+s15+$0x10310 ss:$0x1], $0xffff  }
0x171: {  	v14 =	vld.idx.msk [tilespmem:v2+s15+$0x10320 ss:$0x1], $0xffff  }
0x172: {  	v16 =	vld.idx.msk [tilespmem:v2+s15+$0x10330 ss:$0x1], $0xffff  }
0x173: {  	v4 =	vld.idx.msk [tilespmem:v2+s15+$0x10340 ss:$0x1], $0xffff  }
0x174: {  	v3 =	vld.idx.msk [tilespmem:v2+s15+$0x10350 ss:$0x1], $0xffff  }
0x175: {  	v18 =	vld.idx.msk [tilespmem:v2+s15+$0x10280 ss:$0x1], $0xffff  }
0x176: {  	v21 =	vld.idx.msk [tilespmem:v2+s15+$0x10290 ss:$0x1], $0xffff  }
0x177: {  	v19 =	vld.idx.msk [tilespmem:v2+s15+$0x102A0 ss:$0x1], $0xffff  }
0x178: {  	v20 =	vld.idx.msk [tilespmem:v2+s15+$0x102B0 ss:$0x1], $0xffff  }
0x179: {  	v6 =	vld.idx.msk [tilespmem:v2+s15+$0x102C0 ss:$0x1], $0xffff  }
0x17a: {  	v5 =	vld.idx.msk [tilespmem:v2+s15+$0x102D0 ss:$0x1], $0xffff  }
0x17b: {  	v22 =	vld.idx.msk [tilespmem:v2+s15+$0x10200 ss:$0x1], $0xffff  }
0x17c: {  	v25 =	vld.idx.msk [tilespmem:v2+s15+$0x10210 ss:$0x1], $0xffff  }
0x17d: {  	v26 =	vld.idx.msk [tilespmem:v2+s15+$0x10220 ss:$0x1], $0xffff  }
0x17e: {  	v27 =	vld.idx.msk [tilespmem:v2+s15+$0x10230 ss:$0x1], $0xffff  }
0x17f: {  	v12 =	vld.idx.msk [tilespmem:v2+s15+$0x10240 ss:$0x1], $0xffff  }
0x180: {  	v11 =	vld.idx.msk [tilespmem:v2+s15+$0x10250 ss:$0x1], $0xffff  }
0x181: {  	v28 =	vld.idx.msk [tilespmem:v2+s15+$0x10180 ss:$0x1], $0xffff  }
0x182: {  	v31 =	vld.idx.msk [tilespmem:v2+s15+$0x10190 ss:$0x1], $0xffff  }
0x183: {  	v29 =	vld.idx.msk [tilespmem:v2+s15+$0x10100 ss:$0x1], $0xffff  }
0x184: {  	v30 =	vld.idx.msk [tilespmem:v2+s15+$0x10110 ss:$0x1], $0xffff  }
0x185: {  	v23 =	vld.idx.msk [tilespmem:v2+s15+$0x10080 ss:$0x1], $0xffff  }
0x186: {  	v24 =	vld.idx.msk [tilespmem:v2+s15+$0x10090 ss:$0x1], $0xffff  }
0x187: {  	v32 =	vld.idx.msk [tilespmem:v2+s15+$0x10000 ss:$0x1], $0xffff  }
0x188: {  	v33 =	vld.idx.msk [tilespmem:v2+s15+$0x10010 ss:$0x1], $0xffff  }
0x189: {  	v34 =	vld.idx.msk [tilespmem:v2+s15+$0x10020 ss:$0x1], $0xffff  }
0x18a: {  	v35 =	vld.idx.msk [tilespmem:v2+s15+$0x10030 ss:$0x1], $0xffff  }
0x18b: {  	v36 =	vld.idx.msk [tilespmem:v2+s15+$0x100A0 ss:$0x1], $0xffff  }
0x18c: {  	v37 =	vld.idx.msk [tilespmem:v2+s15+$0x100B0 ss:$0x1], $0xffff  }
0x18d: {  	v13 =	vimm.f32 $0.0e+00;
	v38 =	vld.idx.msk [tilespmem:v2+s15+$0x10120 ss:$0x1], $0xffff  }
0x18e: {  	v39 =	vld.idx.msk [tilespmem:v2+s15+$0x10130 ss:$0x1], $0xffff;
	v32 =	vadd.f32 v32, v13;
	v33 =	vadd.f32 v33, v13  }
0x18f: {  	v40 =	vld.idx.msk [tilespmem:v2+s15+$0x101A0 ss:$0x1], $0xffff;
	v34 =	vadd.f32 v34, v13;
	v35 =	vadd.f32 v35, v13  }
0x190: {  	v41 =	vld.idx.msk [tilespmem:v2+s15+$0x101B0 ss:$0x1], $0xffff;
	v32 =	vadd.f32 v23, v32;
	v33 =	vadd.f32 v24, v33  }
0x191: {  	v23 =	vld.idx.msk [tilespmem:v2+s15+$0x101C0 ss:$0x1], $0xffff;
	v34 =	vadd.f32 v36, v34;
	v35 =	vadd.f32 v37, v35  }
0x192: {  	v24 =	vld.idx.msk [tilespmem:v2+s15+$0x101D0 ss:$0x1], $0xffff;
	v32 =	vadd.f32 v29, v32;
	v33 =	vadd.f32 v30, v33  }
0x193: {  	v29 =	vld.idx.msk [tilespmem:v2+s15+$0x10140 ss:$0x1], $0xffff;
	v34 =	vadd.f32 v38, v34;
	v35 =	vadd.f32 v39, v35  }
0x194: {  	v30 =	vld.idx.msk [tilespmem:v2+s15+$0x10150 ss:$0x1], $0xffff;
	v28 =	vadd.f32 v28, v32;
	v33 =	vadd.f32 v31, v33  }
0x195: {  	v31 =	vld.idx.msk [tilespmem:v2+s15+$0x100C0 ss:$0x1], $0xffff;
	v34 =	vadd.f32 v40, v34;
	v35 =	vadd.f32 v41, v35  }
0x196: {  	v32 =	vld.idx.msk [tilespmem:v2+s15+$0x100D0 ss:$0x1], $0xffff;
	v22 =	vadd.f32 v22, v28;
	v28 =	vadd.f32 v25, v33  }
0x197: {  	v33 =	vld.idx.msk [tilespmem:v2+s15+$0x10040 ss:$0x1], $0xffff;
	v25 =	vadd.f32 v26, v34;
	v26 =	vadd.f32 v27, v35  }
0x198: {  	v34 =	vld.idx.msk [tilespmem:v2+s15+$0x10050 ss:$0x1], $0xffff;
	v27 =	vadd.f32 v18, v22;
	v28 =	vadd.f32 v21, v28  }
0x199: {  	s16 =	simm.s32 $0x1000;
	v35 =	vld.idx.msk [tilespmem:v2+s15+$0x10060 ss:$0x1], $0xffff;
	v22 =	vimm.f32 $0.0e+00;
	v21 =	vimm.f32 $0.0e+00;
	v18 =	vimm.f32 $0.0e+00  }
.LBB2_12:
0x19a: {  	p0 =	sne.s32 s16, $0x3000;
	v36 =	vld.idx.msk [tilespmem:v2+s15+$0x10070 ss:$0x1], $0xffff;
	v19 =	vadd.f32 v19, v25;
	v20 =	vadd.f32 v20, v26  }
0x19b: {  	v37 =	vld.idx.msk [tilespmem:v2+s15+$0x100E0 ss:$0x1], $0xffff;
	v15 =	vadd.f32 v15, v27;
	v17 =	vadd.f32 v17, v28  }
0x19c: {  	v38 =	vld.idx.msk [tilespmem:v2+s15+$0x100F0 ss:$0x1], $0xffff;
	v14 =	vadd.f32 v14, v19;
	v16 =	vadd.f32 v16, v20  }
0x19d: {  	v19 =	vld.idx.msk [tilespmem:v2+s15+$0x10160 ss:$0x1], $0xffff;
	v25 =	vadd.f32 v7, v15;
	v26 =	vadd.f32 v8, v17  }
0x19e: {  	v7 =	vld.idx.msk [tilespmem:v2+s15+$0x10170 ss:$0x1], $0xffff;
	v27 =	vadd.f32 v9, v14;
	v28 =	vadd.f32 v10, v16  }
0x19f: {  	v8 =	vadd.f32 v33, v13;
	v9 =	vadd.f32 v34, v22;
	v10 =	vld.idx.msk [tilespmem:v2+s15+$0x101E0 ss:$0x1], $0xffff  }
0x1a0: {  	v13 =	vadd.f32 v35, v21;
	v14 =	vadd.f32 v36, v18;
	v15 =	vld.idx.msk [tilespmem:v2+s15+$0x101F0 ss:$0x1], $0xffff  }
0x1a1: {  	v8 =	vadd.f32 v31, v8;
	v9 =	vadd.f32 v32, v9;
	v16 =	vld.idx.msk [tilespmem:v2+s15+$0x10260 ss:$0x1], $0xffff  }
0x1a2: {  	v13 =	vadd.f32 v37, v13;
	v14 =	vadd.f32 v38, v14;
	v17 =	vld.idx.msk [tilespmem:v2+s15+$0x10270 ss:$0x1], $0xffff  }
0x1a3: {  	v8 =	vadd.f32 v29, v8;
	v9 =	vadd.f32 v30, v9;
	v18 =	vld.idx.msk [tilespmem:v2+s15+$0x102E0 ss:$0x1], $0xffff  }
0x1a4: {  	v13 =	vadd.f32 v19, v13;
	v7 =	vadd.f32 v7, v14;
	v14 =	vld.idx.msk [tilespmem:v2+s15+$0x102F0 ss:$0x1], $0xffff  }
0x1a5: {  	v8 =	vadd.f32 v23, v8;
	v9 =	vadd.f32 v24, v9;
	v19 =	vld.idx.msk [tilespmem:v2+s15+$0x10360 ss:$0x1], $0xffff  }
0x1a6: {  	v10 =	vadd.f32 v10, v13;
	v7 =	vadd.f32 v15, v7;
	v13 =	vld.idx.msk [tilespmem:v2+s15+$0x10370 ss:$0x1], $0xffff  }
0x1a7: {  	v8 =	vadd.f32 v12, v8;
	v9 =	vadd.f32 v11, v9;
	v11 =	vld.idx.msk [tilespmem:v2+s15+$0x103E0 ss:$0x1], $0xffff  }
0x1a8: {  	v10 =	vadd.f32 v16, v10;
	v12 =	vadd.f32 v17, v7;
	v15 =	vld.idx.msk [tilespmem:v2+s15+$0x103F0 ss:$0x1], $0xffff;
	s15 =	sshra.s32 s16, $0x2  }
0x1a9: {  	v6 =	vadd.f32 v6, v8;
	v5 =	vadd.f32 v5, v9;
	v7 =	vld.idx.msk [tilespmem:v2+s15+$0x10380 ss:$0x1], $0xffff  }
0x1aa: {  	v16 =	vadd.f32 v18, v10;
	v12 =	vadd.f32 v14, v12;
	v8 =	vld.idx.msk [tilespmem:v2+s15+$0x10390 ss:$0x1], $0xffff  }
0x1ab: {  	v4 =	vadd.f32 v4, v6;
	v3 =	vadd.f32 v3, v5;
	v9 =	vld.idx.msk [tilespmem:v2+s15+$0x103A0 ss:$0x1], $0xffff  }
0x1ac: {  	v5 =	vadd.f32 v19, v16;
	v6 =	vadd.f32 v13, v12;
	v10 =	vld.idx.msk [tilespmem:v2+s15+$0x103B0 ss:$0x1], $0xffff  }
0x1ad: {  	v13 =	vadd.f32 v1, v4;
	v22 =	vadd.f32 v0, v3;
	v1 =	vld.idx.msk [tilespmem:v2+s15+$0x103C0 ss:$0x1], $0xffff  }
0x1ae: {  	v21 =	vadd.f32 v11, v5;
	v18 =	vadd.f32 v15, v6;
	v0 =	vld.idx.msk [tilespmem:v2+s15+$0x103D0 ss:$0x1], $0xffff  }
0x1af: {  	v15 =	vld.idx.msk [tilespmem:v2+s15+$0x10300 ss:$0x1], $0xffff  }
0x1b0: {  	v17 =	vld.idx.msk [tilespmem:v2+s15+$0x10310 ss:$0x1], $0xffff  }
0x1b1: {  	v14 =	vld.idx.msk [tilespmem:v2+s15+$0x10320 ss:$0x1], $0xffff  }
0x1b2: {  	v16 =	vld.idx.msk [tilespmem:v2+s15+$0x10330 ss:$0x1], $0xffff  }
0x1b3: {  	v4 =	vld.idx.msk [tilespmem:v2+s15+$0x10340 ss:$0x1], $0xffff  }
0x1b4: {  	v3 =	vld.idx.msk [tilespmem:v2+s15+$0x10350 ss:$0x1], $0xffff  }
0x1b5: {  	v36 =	vld.idx.msk [tilespmem:v2+s15+$0x10280 ss:$0x1], $0xffff  }
0x1b6: {  	v37 =	vld.idx.msk [tilespmem:v2+s15+$0x10290 ss:$0x1], $0xffff  }
0x1b7: {  	v19 =	vld.idx.msk [tilespmem:v2+s15+$0x102A0 ss:$0x1], $0xffff  }
0x1b8: {  	v20 =	vld.idx.msk [tilespmem:v2+s15+$0x102B0 ss:$0x1], $0xffff  }
0x1b9: {  	v6 =	vld.idx.msk [tilespmem:v2+s15+$0x102C0 ss:$0x1], $0xffff  }
0x1ba: {  	v5 =	vld.idx.msk [tilespmem:v2+s15+$0x102D0 ss:$0x1], $0xffff  }
0x1bb: {  	v34 =	vld.idx.msk [tilespmem:v2+s15+$0x10200 ss:$0x1], $0xffff  }
0x1bc: {  	v35 =	vld.idx.msk [tilespmem:v2+s15+$0x10210 ss:$0x1], $0xffff  }
0x1bd: {  	v38 =	vld.idx.msk [tilespmem:v2+s15+$0x10220 ss:$0x1], $0xffff  }
0x1be: {  	v39 =	vld.idx.msk [tilespmem:v2+s15+$0x10230 ss:$0x1], $0xffff  }
0x1bf: {  	v12 =	vld.idx.msk [tilespmem:v2+s15+$0x10240 ss:$0x1], $0xffff  }
0x1c0: {  	v11 =	vld.idx.msk [tilespmem:v2+s15+$0x10250 ss:$0x1], $0xffff  }
0x1c1: {  	v32 =	vld.idx.msk [tilespmem:v2+s15+$0x10180 ss:$0x1], $0xffff  }
0x1c2: {  	v33 =	vld.idx.msk [tilespmem:v2+s15+$0x10190 ss:$0x1], $0xffff  }
0x1c3: {  	v29 =	vld.idx.msk [tilespmem:v2+s15+$0x10100 ss:$0x1], $0xffff  }
0x1c4: {  	v30 =	vld.idx.msk [tilespmem:v2+s15+$0x10110 ss:$0x1], $0xffff  }
0x1c5: {  	v23 =	vld.idx.msk [tilespmem:v2+s15+$0x10080 ss:$0x1], $0xffff  }
0x1c6: {  	v24 =	vld.idx.msk [tilespmem:v2+s15+$0x10090 ss:$0x1], $0xffff  }
0x1c7: {  	v31 =	vld.idx.msk [tilespmem:v2+s15+$0x10000 ss:$0x1], $0xffff  }
0x1c8: {  	v40 =	vld.idx.msk [tilespmem:v2+s15+$0x10010 ss:$0x1], $0xffff  }
0x1c9: {  	v41 =	vld.idx.msk [tilespmem:v2+s15+$0x10020 ss:$0x1], $0xffff  }
0x1ca: {  	v42 =	vld.idx.msk [tilespmem:v2+s15+$0x10030 ss:$0x1], $0xffff  }
0x1cb: {  	v43 =	vld.idx.msk [tilespmem:v2+s15+$0x100A0 ss:$0x1], $0xffff  }
0x1cc: {  	v44 =	vld.idx.msk [tilespmem:v2+s15+$0x100B0 ss:$0x1], $0xffff  }
0x1cd: {  	v45 =	vld.idx.msk [tilespmem:v2+s15+$0x10120 ss:$0x1], $0xffff  }
0x1ce: {  	v46 =	vld.idx.msk [tilespmem:v2+s15+$0x10130 ss:$0x1], $0xffff  }
0x1cf: {  	v25 =	vadd.f32 v31, v25;
	v26 =	vadd.f32 v40, v26;
	v40 =	vld.idx.msk [tilespmem:v2+s15+$0x101A0 ss:$0x1], $0xffff  }
0x1d0: {  	v27 =	vadd.f32 v41, v27;
	v28 =	vadd.f32 v42, v28;
	v41 =	vld.idx.msk [tilespmem:v2+s15+$0x101B0 ss:$0x1], $0xffff  }
0x1d1: {  	v25 =	vadd.f32 v23, v25;
	v26 =	vadd.f32 v24, v26;
	v23 =	vld.idx.msk [tilespmem:v2+s15+$0x101C0 ss:$0x1], $0xffff  }
0x1d2: {  	v27 =	vadd.f32 v43, v27;
	v28 =	vadd.f32 v44, v28;
	v24 =	vld.idx.msk [tilespmem:v2+s15+$0x101D0 ss:$0x1], $0xffff  }
0x1d3: {  	v25 =	vadd.f32 v29, v25;
	v26 =	vadd.f32 v30, v26;
	v29 =	vld.idx.msk [tilespmem:v2+s15+$0x10140 ss:$0x1], $0xffff  }
0x1d4: {  	v27 =	vadd.f32 v45, v27;
	v28 =	vadd.f32 v46, v28;
	v30 =	vld.idx.msk [tilespmem:v2+s15+$0x10150 ss:$0x1], $0xffff  }
.Ltmp4:
0x1d5: {  	v25 =	vadd.f32 v32, v25;
	v26 =	vadd.f32 v33, v26;
	v31 =	vld.idx.msk [tilespmem:v2+s15+$0x100C0 ss:$0x1], $0xffff;
	(pc) =	sbr.rel @p0 .LBB2_12-.Ltmp4, $4  }
0x1d6: {  	v27 =	vadd.f32 v40, v27;
	v28 =	vadd.f32 v41, v28;
	v32 =	vld.idx.msk [tilespmem:v2+s15+$0x100D0 ss:$0x1], $0xffff  }
0x1d7: {  	v40 =	vadd.f32 v34, v25;
	v41 =	vadd.f32 v35, v26;
	v33 =	vld.idx.msk [tilespmem:v2+s15+$0x10040 ss:$0x1], $0xffff  }
0x1d8: {  	v25 =	vadd.f32 v38, v27;
	v26 =	vadd.f32 v39, v28;
	v34 =	vld.idx.msk [tilespmem:v2+s15+$0x10050 ss:$0x1], $0xffff  }
0x1d9: {  	s16 =	sadd.s32 $0x1000, s16;
	v27 =	vadd.f32 v36, v40;
	v28 =	vadd.f32 v37, v41;
	v35 =	vld.idx.msk [tilespmem:v2+s15+$0x10060 ss:$0x1], $0xffff  }
0x1da: {  	_ =	sdelay $0x1  }
0x1db: {  	v19 =	vadd.f32 v19, v25;
	v20 =	vadd.f32 v20, v26  }
0x1dc: {  	v15 =	vadd.f32 v15, v27;
	v17 =	vadd.f32 v17, v28  }
0x1dd: {  	v36 =	vld.idx.msk [tilespmem:v2+s15+$0x10070 ss:$0x1], $0xffff;
	v14 =	vadd.f32 v14, v19;
	v16 =	vadd.f32 v16, v20  }
0x1de: {  	v37 =	vld.idx.msk [tilespmem:v2+s15+$0x100E0 ss:$0x1], $0xffff;
	v13 =	vadd.f32 v33, v13;
	v7 =	vadd.f32 v7, v15  }
0x1df: {  	v38 =	vld.idx.msk [tilespmem:v2+s15+$0x100F0 ss:$0x1], $0xffff;
	v8 =	vadd.f32 v8, v17;
	v40 =	vadd.f32 v34, v22  }
0x1e0: {  	v39 =	vld.idx.msk [tilespmem:v2+s15+$0x10160 ss:$0x1], $0xffff;
	v9 =	vadd.f32 v9, v14;
	v10 =	vadd.f32 v10, v16  }
0x1e1: {  	v41 =	vld.idx.msk [tilespmem:v2+s15+$0x10170 ss:$0x1], $0xffff;
	v42 =	vadd.f32 v35, v21;
	v13 =	vadd.f32 v31, v13  }
0x1e2: {  	v43 =	vld.idx.msk [tilespmem:v2+s15+$0x101E0 ss:$0x1], $0xffff;
	v18 =	vadd.f32 v36, v18;
	v16 =	vadd.f32 v32, v40  }
0x1e3: {  	v44 =	vld.idx.msk [tilespmem:v2+s15+$0x101F0 ss:$0x1], $0xffff;
	v19 =	vadd.f32 v37, v42;
	v13 =	vadd.f32 v29, v13  }
0x1e4: {  	v45 =	vld.idx.msk [tilespmem:v2+s15+$0x10260 ss:$0x1], $0xffff;
	v15 =	vadd.f32 v38, v18;
	v16 =	vadd.f32 v30, v16  }
0x1e5: {  	v46 =	vld.idx.msk [tilespmem:v2+s15+$0x10270 ss:$0x1], $0xffff;
	v14 =	vadd.f32 v39, v19;
	v13 =	vadd.f32 v23, v13  }
0x1e6: {  	v47 =	vld.idx.msk [tilespmem:v2+s15+$0x102E0 ss:$0x1], $0xffff;
	v15 =	vadd.f32 v41, v15;
	v16 =	vadd.f32 v24, v16  }
0x1e7: {  	v48 =	vld.idx.msk [tilespmem:v2+s15+$0x102F0 ss:$0x1], $0xffff;
	v14 =	vadd.f32 v43, v14;
	v12 =	vadd.f32 v12, v13  }
0x1e8: {  	v49 =	vld.idx.msk [tilespmem:v2+s15+$0x10360 ss:$0x1], $0xffff;
	v15 =	vadd.f32 v44, v15;
	v11 =	vadd.f32 v11, v16  }
0x1e9: {  	v50 =	vld.idx.msk [tilespmem:v2+s15+$0x10370 ss:$0x1], $0xffff;
	v14 =	vadd.f32 v45, v14;
	v6 =	vadd.f32 v6, v12  }
0x1ea: {  	v51 =	vld.idx.msk [tilespmem:v2+s15+$0x103E0 ss:$0x1], $0xffff;
	v15 =	vadd.f32 v46, v15;
	v5 =	vadd.f32 v5, v11  }
0x1eb: {  	v52 =	vld.idx.msk [tilespmem:v2+s15+$0x103F0 ss:$0x1], $0xffff;
	s18 =	sshll.u32 s0, $0x7;
	v54 =	vmul.f32 $3.125000000e-02, v7;
	v53 =	vadd.f32 v47, v14;
	v4 =	vadd.f32 v4, v6  }
0x1ec: {  	s15 =	sand.u32 $0x3FFFFF80, s18;
	v56 =	vmul.f32 $3.125000000e-02, v8;
	v55 =	vadd.f32 v48, v15;
	v3 =	vadd.f32 v3, v5  }
0x1ed: {  	v58 =	vmul.f32 $3.125000000e-02, v9;
	[tilespmem:s15+$0x1C800] =	vst v54;
	v57 =	vadd.f32 v49, v53;
	v1 =	vadd.f32 v1, v4  }
0x1ee: {  	s0 =	sadd.s32 $0x1, s0;
	v60 =	vmul.f32 $3.125000000e-02, v10;
	[tilespmem:s15+$0x1C810] =	vst v56;
	v59 =	vadd.f32 v50, v55;
	v0 =	vadd.f32 v0, v3  }
0x1ef: {  	p0 =	sne.s32 s0, $0x8;
	[tilespmem:s15+$0x1C820] =	vst v58;
	v61 =	vadd.f32 v51, v57;
	v1 =	vmul.f32 $3.125000000e-02, v1  }
.Ltmp5:
0x1f0: {  	[tilespmem:s15+$0x1C830] =	vst v60;
	v2 =	vadd.f32 v52, v59;
	v0 =	vmul.f32 $3.125000000e-02, v0;
	(pc) =	sbr.rel @p0 .LBB2_11-.Ltmp5, $4  }
0x1f1: {  	[tilespmem:s15+$0x1C840] =	vst v1;
	v62 =	vmul.f32 $3.125000000e-02, v61  }
0x1f2: {  	[tilespmem:s15+$0x1C850] =	vst v0;
	v63 =	vmul.f32 $3.125000000e-02, v2  }
0x1f3: {  	[tilespmem:s15+$0x1C860] =	vst v62  }
0x1f4: {  	s2 =	sadd.s32 $0x1000, s2;
	[tilespmem:s15+$0x1C870] =	vst v63  }
0x1f5: {  	s30 =	sadd.s32 $0x1, s30  }
0x1f6: {  	p0 =	sne.s32 s30, $0x15  }
.Ltmp6:
0x1f7: {  	_ = 	snop;
	(pc) =	sbr.rel @p0 .LBB2_2-.Ltmp6, $4  }
0x1f8: {  	_ = 	snop  }
0x1f9: {  	s0 =	sshll.u32 s31, $0x7  }
0x1fa: {  	s0 =	sadd.s32 s0, s7  }
0x1fb: {  	[hbm4b:s0+s4] =	stream.linear.scatter [tilespmem:s26], [sflag:$0x4], $0x400, $0x38;
	[tilespmem:$0x1CC00] =	vst v63  }
0x1fc: {  	_ =	swait.ge [sflag:s21], $0x4000  }
0x1fd: {  	[sflag:s21] =	ssyncset.done $0x0  }
0x1fe: {  	[sflag:s21] =	ssyncadd.s32 $0xFFFFC000  }
0x1ff: {  	_ =	swait.ge [sflag:s21], $0x4000  }
0x200: {  	[sflag:s21] =	ssyncset.done $0x0  }
0x201: {  	[sflag:s21] =	ssyncadd.s32 $0xFFFFC000  }
0x202: {  	_ =	swait.ge [sflag:s28], $0x400  }
0x203: {  	[sflag:s28] =	ssyncset.done $0x0  }
0x204: {  	s0 =	simm.s32 $0x0;
	s2 =	simm.s32 $0x4200;
	[sflag:s28] =	ssyncadd.s32 $0xFFFFFC00  }
.LBB2_16:
0x205: {  	v2 =	vmov s2;
	_ =	sdelay $0x3  }
0x206: {  	s15 =	simm.s32 $0x0  }
0x207: {  	v7 =	vld.idx.msk [tilespmem:v2+s15+$0x180 ss:$0x1], $0xffff  }
0x208: {  	v8 =	vld.idx.msk [tilespmem:v2+s15+$0x190 ss:$0x1], $0xffff  }
0x209: {  	v9 =	vld.idx.msk [tilespmem:v2+s15+$0x1A0 ss:$0x1], $0xffff  }
0x20a: {  	v10 =	vld.idx.msk [tilespmem:v2+s15+$0x1B0 ss:$0x1], $0xffff  }
0x20b: {  	v1 =	vld.idx.msk [tilespmem:v2+s15+$0x1C0 ss:$0x1], $0xffff  }
0x20c: {  	v0 =	vld.idx.msk [tilespmem:v2+s15+$0x1D0 ss:$0x1], $0xffff  }
0x20d: {  	v15 =	vld.idx.msk [tilespmem:v2+s15+$0x100 ss:$0x1], $0xffff  }
0x20e: {  	v17 =	vld.idx.msk [tilespmem:v2+s15+$0x110 ss:$0x1], $0xffff  }
0x20f: {  	v14 =	vld.idx.msk [tilespmem:v2+s15+$0x120 ss:$0x1], $0xffff  }
0x210: {  	v16 =	vld.idx.msk [tilespmem:v2+s15+$0x130 ss:$0x1], $0xffff  }
0x211: {  	v4 =	vld.idx.msk [tilespmem:v2+s15+$0x140 ss:$0x1], $0xffff  }
0x212: {  	v3 =	vld.idx.msk [tilespmem:v2+s15+$0x150 ss:$0x1], $0xffff  }
0x213: {  	v18 =	vld.idx.msk [tilespmem:v2+s15+$0x80 ss:$0x1], $0xffff  }
0x214: {  	v21 =	vld.idx.msk [tilespmem:v2+s15+$0x90 ss:$0x1], $0xffff  }
0x215: {  	v19 =	vld.idx.msk [tilespmem:v2+s15+$0xA0 ss:$0x1], $0xffff  }
0x216: {  	v20 =	vld.idx.msk [tilespmem:v2+s15+$0xB0 ss:$0x1], $0xffff  }
0x217: {  	v6 =	vld.idx.msk [tilespmem:v2+s15+$0xC0 ss:$0x1], $0xffff  }
0x218: {  	v5 =	vld.idx.msk [tilespmem:v2+s15+$0xD0 ss:$0x1], $0xffff  }
0x219: {  	v22 =	vld.idx.msk [tilespmem:v2+s15+$0x0 ss:$0x1], $0xffff  }
0x21a: {  	v25 =	vld.idx.msk [tilespmem:v2+s15+$0x10 ss:$0x1], $0xffff  }
0x21b: {  	v26 =	vld.idx.msk [tilespmem:v2+s15+$0x20 ss:$0x1], $0xffff  }
0x21c: {  	v27 =	vld.idx.msk [tilespmem:v2+s15+$0x30 ss:$0x1], $0xffff  }
0x21d: {  	v12 =	vld.idx.msk [tilespmem:v2+s15+$0x40 ss:$0x1], $0xffff  }
0x21e: {  	v11 =	vld.idx.msk [tilespmem:v2+s15+$0x50 ss:$0x1], $0xffff  }
0x21f: {  	v28 =	vld.idx.msk [tilespmem:v2+s15+$0xFFFFFF80 ss:$0x1], $0xffff  }
0x220: {  	v31 =	vld.idx.msk [tilespmem:v2+s15+$0xFFFFFF90 ss:$0x1], $0xffff  }
0x221: {  	v29 =	vld.idx.msk [tilespmem:v2+s15+$0xFFFFFF00 ss:$0x1], $0xffff  }
0x222: {  	v30 =	vld.idx.msk [tilespmem:v2+s15+$0xFFFFFF10 ss:$0x1], $0xffff  }
0x223: {  	v23 =	vld.idx.msk [tilespmem:v2+s15+$0xFFFFFE80 ss:$0x1], $0xffff  }
0x224: {  	v24 =	vld.idx.msk [tilespmem:v2+s15+$0xFFFFFE90 ss:$0x1], $0xffff  }
0x225: {  	v32 =	vld.idx.msk [tilespmem:v2+s15+$0xFFFFFE00 ss:$0x1], $0xffff  }
0x226: {  	v33 =	vld.idx.msk [tilespmem:v2+s15+$0xFFFFFE10 ss:$0x1], $0xffff  }
0x227: {  	v34 =	vld.idx.msk [tilespmem:v2+s15+$0xFFFFFE20 ss:$0x1], $0xffff  }
0x228: {  	v35 =	vld.idx.msk [tilespmem:v2+s15+$0xFFFFFE30 ss:$0x1], $0xffff  }
0x229: {  	v36 =	vld.idx.msk [tilespmem:v2+s15+$0xFFFFFEA0 ss:$0x1], $0xffff  }
0x22a: {  	v37 =	vld.idx.msk [tilespmem:v2+s15+$0xFFFFFEB0 ss:$0x1], $0xffff  }
0x22b: {  	v13 =	vimm.f32 $0.0e+00;
	v38 =	vld.idx.msk [tilespmem:v2+s15+$0xFFFFFF20 ss:$0x1], $0xffff  }
0x22c: {  	v39 =	vld.idx.msk [tilespmem:v2+s15+$0xFFFFFF30 ss:$0x1], $0xffff;
	v32 =	vadd.f32 v32, v13;
	v33 =	vadd.f32 v33, v13  }
0x22d: {  	v40 =	vld.idx.msk [tilespmem:v2+s15+$0xFFFFFFA0 ss:$0x1], $0xffff;
	v34 =	vadd.f32 v34, v13;
	v35 =	vadd.f32 v35, v13  }
0x22e: {  	v41 =	vld.idx.msk [tilespmem:v2+s15+$0xFFFFFFB0 ss:$0x1], $0xffff;
	v32 =	vadd.f32 v23, v32;
	v33 =	vadd.f32 v24, v33  }
0x22f: {  	v23 =	vld.idx.msk [tilespmem:v2+s15+$0xFFFFFFC0 ss:$0x1], $0xffff;
	v34 =	vadd.f32 v36, v34;
	v35 =	vadd.f32 v37, v35  }
0x230: {  	v24 =	vld.idx.msk [tilespmem:v2+s15+$0xFFFFFFD0 ss:$0x1], $0xffff;
	v32 =	vadd.f32 v29, v32;
	v33 =	vadd.f32 v30, v33  }
0x231: {  	v29 =	vld.idx.msk [tilespmem:v2+s15+$0xFFFFFF40 ss:$0x1], $0xffff;
	v34 =	vadd.f32 v38, v34;
	v35 =	vadd.f32 v39, v35  }
0x232: {  	v30 =	vld.idx.msk [tilespmem:v2+s15+$0xFFFFFF50 ss:$0x1], $0xffff;
	v28 =	vadd.f32 v28, v32;
	v33 =	vadd.f32 v31, v33  }
0x233: {  	v31 =	vld.idx.msk [tilespmem:v2+s15+$0xFFFFFEC0 ss:$0x1], $0xffff;
	v34 =	vadd.f32 v40, v34;
	v35 =	vadd.f32 v41, v35  }
0x234: {  	v32 =	vld.idx.msk [tilespmem:v2+s15+$0xFFFFFED0 ss:$0x1], $0xffff;
	v22 =	vadd.f32 v22, v28;
	v28 =	vadd.f32 v25, v33  }
0x235: {  	v33 =	vld.idx.msk [tilespmem:v2+s15+$0xFFFFFE40 ss:$0x1], $0xffff;
	v25 =	vadd.f32 v26, v34;
	v26 =	vadd.f32 v27, v35  }
0x236: {  	v34 =	vld.idx.msk [tilespmem:v2+s15+$0xFFFFFE50 ss:$0x1], $0xffff;
	v27 =	vadd.f32 v18, v22;
	v28 =	vadd.f32 v21, v28  }
0x237: {  	s16 =	simm.s32 $0x1000;
	v35 =	vld.idx.msk [tilespmem:v2+s15+$0xFFFFFE60 ss:$0x1], $0xffff;
	v22 =	vimm.f32 $0.0e+00;
	v21 =	vimm.f32 $0.0e+00;
	v18 =	vimm.f32 $0.0e+00  }
.LBB2_17:
0x238: {  	p0 =	sne.s32 s16, $0x3000;
	v36 =	vld.idx.msk [tilespmem:v2+s15+$0xFFFFFE70 ss:$0x1], $0xffff;
	v19 =	vadd.f32 v19, v25;
	v20 =	vadd.f32 v20, v26  }
0x239: {  	v37 =	vld.idx.msk [tilespmem:v2+s15+$0xFFFFFEE0 ss:$0x1], $0xffff;
	v15 =	vadd.f32 v15, v27;
	v17 =	vadd.f32 v17, v28  }
0x23a: {  	v38 =	vld.idx.msk [tilespmem:v2+s15+$0xFFFFFEF0 ss:$0x1], $0xffff;
	v14 =	vadd.f32 v14, v19;
	v16 =	vadd.f32 v16, v20  }
0x23b: {  	v19 =	vld.idx.msk [tilespmem:v2+s15+$0xFFFFFF60 ss:$0x1], $0xffff;
	v25 =	vadd.f32 v7, v15;
	v26 =	vadd.f32 v8, v17  }
0x23c: {  	v7 =	vld.idx.msk [tilespmem:v2+s15+$0xFFFFFF70 ss:$0x1], $0xffff;
	v27 =	vadd.f32 v9, v14;
	v28 =	vadd.f32 v10, v16  }
0x23d: {  	v8 =	vadd.f32 v33, v13;
	v9 =	vadd.f32 v34, v22;
	v10 =	vld.idx.msk [tilespmem:v2+s15+$0xFFFFFFE0 ss:$0x1], $0xffff  }
0x23e: {  	v13 =	vadd.f32 v35, v21;
	v14 =	vadd.f32 v36, v18;
	v15 =	vld.idx.msk [tilespmem:v2+s15+$0xFFFFFFF0 ss:$0x1], $0xffff  }
0x23f: {  	v8 =	vadd.f32 v31, v8;
	v9 =	vadd.f32 v32, v9;
	v16 =	vld.idx.msk [tilespmem:v2+s15+$0x60 ss:$0x1], $0xffff  }
0x240: {  	v13 =	vadd.f32 v37, v13;
	v14 =	vadd.f32 v38, v14;
	v17 =	vld.idx.msk [tilespmem:v2+s15+$0x70 ss:$0x1], $0xffff  }
0x241: {  	v8 =	vadd.f32 v29, v8;
	v9 =	vadd.f32 v30, v9;
	v18 =	vld.idx.msk [tilespmem:v2+s15+$0xE0 ss:$0x1], $0xffff  }
0x242: {  	v13 =	vadd.f32 v19, v13;
	v7 =	vadd.f32 v7, v14;
	v14 =	vld.idx.msk [tilespmem:v2+s15+$0xF0 ss:$0x1], $0xffff  }
0x243: {  	v8 =	vadd.f32 v23, v8;
	v9 =	vadd.f32 v24, v9;
	v19 =	vld.idx.msk [tilespmem:v2+s15+$0x160 ss:$0x1], $0xffff  }
0x244: {  	v10 =	vadd.f32 v10, v13;
	v7 =	vadd.f32 v15, v7;
	v13 =	vld.idx.msk [tilespmem:v2+s15+$0x170 ss:$0x1], $0xffff  }
0x245: {  	v8 =	vadd.f32 v12, v8;
	v9 =	vadd.f32 v11, v9;
	v11 =	vld.idx.msk [tilespmem:v2+s15+$0x1E0 ss:$0x1], $0xffff  }
0x246: {  	v10 =	vadd.f32 v16, v10;
	v12 =	vadd.f32 v17, v7;
	v15 =	vld.idx.msk [tilespmem:v2+s15+$0x1F0 ss:$0x1], $0xffff;
	s15 =	sshra.s32 s16, $0x2  }
0x247: {  	v6 =	vadd.f32 v6, v8;
	v5 =	vadd.f32 v5, v9;
	v7 =	vld.idx.msk [tilespmem:v2+s15+$0x180 ss:$0x1], $0xffff  }
0x248: {  	v16 =	vadd.f32 v18, v10;
	v12 =	vadd.f32 v14, v12;
	v8 =	vld.idx.msk [tilespmem:v2+s15+$0x190 ss:$0x1], $0xffff  }
0x249: {  	v4 =	vadd.f32 v4, v6;
	v3 =	vadd.f32 v3, v5;
	v9 =	vld.idx.msk [tilespmem:v2+s15+$0x1A0 ss:$0x1], $0xffff  }
0x24a: {  	v5 =	vadd.f32 v19, v16;
	v6 =	vadd.f32 v13, v12;
	v10 =	vld.idx.msk [tilespmem:v2+s15+$0x1B0 ss:$0x1], $0xffff  }
0x24b: {  	v13 =	vadd.f32 v1, v4;
	v22 =	vadd.f32 v0, v3;
	v1 =	vld.idx.msk [tilespmem:v2+s15+$0x1C0 ss:$0x1], $0xffff  }
0x24c: {  	v21 =	vadd.f32 v11, v5;
	v18 =	vadd.f32 v15, v6;
	v0 =	vld.idx.msk [tilespmem:v2+s15+$0x1D0 ss:$0x1], $0xffff  }
0x24d: {  	v15 =	vld.idx.msk [tilespmem:v2+s15+$0x100 ss:$0x1], $0xffff  }
0x24e: {  	v17 =	vld.idx.msk [tilespmem:v2+s15+$0x110 ss:$0x1], $0xffff  }
0x24f: {  	v14 =	vld.idx.msk [tilespmem:v2+s15+$0x120 ss:$0x1], $0xffff  }
0x250: {  	v16 =	vld.idx.msk [tilespmem:v2+s15+$0x130 ss:$0x1], $0xffff  }
0x251: {  	v4 =	vld.idx.msk [tilespmem:v2+s15+$0x140 ss:$0x1], $0xffff  }
0x252: {  	v3 =	vld.idx.msk [tilespmem:v2+s15+$0x150 ss:$0x1], $0xffff  }
0x253: {  	v36 =	vld.idx.msk [tilespmem:v2+s15+$0x80 ss:$0x1], $0xffff  }
0x254: {  	v37 =	vld.idx.msk [tilespmem:v2+s15+$0x90 ss:$0x1], $0xffff  }
0x255: {  	v19 =	vld.idx.msk [tilespmem:v2+s15+$0xA0 ss:$0x1], $0xffff  }
0x256: {  	v20 =	vld.idx.msk [tilespmem:v2+s15+$0xB0 ss:$0x1], $0xffff  }
0x257: {  	v6 =	vld.idx.msk [tilespmem:v2+s15+$0xC0 ss:$0x1], $0xffff  }
0x258: {  	v5 =	vld.idx.msk [tilespmem:v2+s15+$0xD0 ss:$0x1], $0xffff  }
0x259: {  	v34 =	vld.idx.msk [tilespmem:v2+s15+$0x0 ss:$0x1], $0xffff  }
0x25a: {  	v35 =	vld.idx.msk [tilespmem:v2+s15+$0x10 ss:$0x1], $0xffff  }
0x25b: {  	v38 =	vld.idx.msk [tilespmem:v2+s15+$0x20 ss:$0x1], $0xffff  }
0x25c: {  	v39 =	vld.idx.msk [tilespmem:v2+s15+$0x30 ss:$0x1], $0xffff  }
0x25d: {  	v12 =	vld.idx.msk [tilespmem:v2+s15+$0x40 ss:$0x1], $0xffff  }
0x25e: {  	v11 =	vld.idx.msk [tilespmem:v2+s15+$0x50 ss:$0x1], $0xffff  }
0x25f: {  	v32 =	vld.idx.msk [tilespmem:v2+s15+$0xFFFFFF80 ss:$0x1], $0xffff  }
0x260: {  	v33 =	vld.idx.msk [tilespmem:v2+s15+$0xFFFFFF90 ss:$0x1], $0xffff  }
0x261: {  	v29 =	vld.idx.msk [tilespmem:v2+s15+$0xFFFFFF00 ss:$0x1], $0xffff  }
0x262: {  	v30 =	vld.idx.msk [tilespmem:v2+s15+$0xFFFFFF10 ss:$0x1], $0xffff  }
0x263: {  	v23 =	vld.idx.msk [tilespmem:v2+s15+$0xFFFFFE80 ss:$0x1], $0xffff  }
0x264: {  	v24 =	vld.idx.msk [tilespmem:v2+s15+$0xFFFFFE90 ss:$0x1], $0xffff  }
0x265: {  	v31 =	vld.idx.msk [tilespmem:v2+s15+$0xFFFFFE00 ss:$0x1], $0xffff  }
0x266: {  	v40 =	vld.idx.msk [tilespmem:v2+s15+$0xFFFFFE10 ss:$0x1], $0xffff  }
0x267: {  	v41 =	vld.idx.msk [tilespmem:v2+s15+$0xFFFFFE20 ss:$0x1], $0xffff  }
0x268: {  	v42 =	vld.idx.msk [tilespmem:v2+s15+$0xFFFFFE30 ss:$0x1], $0xffff  }
0x269: {  	v43 =	vld.idx.msk [tilespmem:v2+s15+$0xFFFFFEA0 ss:$0x1], $0xffff  }
0x26a: {  	v44 =	vld.idx.msk [tilespmem:v2+s15+$0xFFFFFEB0 ss:$0x1], $0xffff  }
0x26b: {  	v45 =	vld.idx.msk [tilespmem:v2+s15+$0xFFFFFF20 ss:$0x1], $0xffff  }
0x26c: {  	v46 =	vld.idx.msk [tilespmem:v2+s15+$0xFFFFFF30 ss:$0x1], $0xffff  }
0x26d: {  	v25 =	vadd.f32 v31, v25;
	v26 =	vadd.f32 v40, v26;
	v40 =	vld.idx.msk [tilespmem:v2+s15+$0xFFFFFFA0 ss:$0x1], $0xffff  }
0x26e: {  	v27 =	vadd.f32 v41, v27;
	v28 =	vadd.f32 v42, v28;
	v41 =	vld.idx.msk [tilespmem:v2+s15+$0xFFFFFFB0 ss:$0x1], $0xffff  }
0x26f: {  	v25 =	vadd.f32 v23, v25;
	v26 =	vadd.f32 v24, v26;
	v23 =	vld.idx.msk [tilespmem:v2+s15+$0xFFFFFFC0 ss:$0x1], $0xffff  }
0x270: {  	v27 =	vadd.f32 v43, v27;
	v28 =	vadd.f32 v44, v28;
	v24 =	vld.idx.msk [tilespmem:v2+s15+$0xFFFFFFD0 ss:$0x1], $0xffff  }
0x271: {  	v25 =	vadd.f32 v29, v25;
	v26 =	vadd.f32 v30, v26;
	v29 =	vld.idx.msk [tilespmem:v2+s15+$0xFFFFFF40 ss:$0x1], $0xffff  }
0x272: {  	v27 =	vadd.f32 v45, v27;
	v28 =	vadd.f32 v46, v28;
	v30 =	vld.idx.msk [tilespmem:v2+s15+$0xFFFFFF50 ss:$0x1], $0xffff  }
.Ltmp7:
0x273: {  	v25 =	vadd.f32 v32, v25;
	v26 =	vadd.f32 v33, v26;
	v31 =	vld.idx.msk [tilespmem:v2+s15+$0xFFFFFEC0 ss:$0x1], $0xffff;
	(pc) =	sbr.rel @p0 .LBB2_17-.Ltmp7, $4  }
0x274: {  	v27 =	vadd.f32 v40, v27;
	v28 =	vadd.f32 v41, v28;
	v32 =	vld.idx.msk [tilespmem:v2+s15+$0xFFFFFED0 ss:$0x1], $0xffff  }
0x275: {  	v40 =	vadd.f32 v34, v25;
	v41 =	vadd.f32 v35, v26;
	v33 =	vld.idx.msk [tilespmem:v2+s15+$0xFFFFFE40 ss:$0x1], $0xffff  }
0x276: {  	v25 =	vadd.f32 v38, v27;
	v26 =	vadd.f32 v39, v28;
	v34 =	vld.idx.msk [tilespmem:v2+s15+$0xFFFFFE50 ss:$0x1], $0xffff  }
0x277: {  	s16 =	sadd.s32 $0x1000, s16;
	v27 =	vadd.f32 v36, v40;
	v28 =	vadd.f32 v37, v41;
	v35 =	vld.idx.msk [tilespmem:v2+s15+$0xFFFFFE60 ss:$0x1], $0xffff  }
0x278: {  	_ =	sdelay $0x1  }
0x279: {  	v19 =	vadd.f32 v19, v25;
	v20 =	vadd.f32 v20, v26  }
0x27a: {  	v15 =	vadd.f32 v15, v27;
	v17 =	vadd.f32 v17, v28  }
0x27b: {  	v36 =	vld.idx.msk [tilespmem:v2+s15+$0xFFFFFE70 ss:$0x1], $0xffff;
	v14 =	vadd.f32 v14, v19;
	v16 =	vadd.f32 v16, v20  }
0x27c: {  	v37 =	vld.idx.msk [tilespmem:v2+s15+$0xFFFFFEE0 ss:$0x1], $0xffff;
	v13 =	vadd.f32 v33, v13;
	v7 =	vadd.f32 v7, v15  }
0x27d: {  	v38 =	vld.idx.msk [tilespmem:v2+s15+$0xFFFFFEF0 ss:$0x1], $0xffff;
	v8 =	vadd.f32 v8, v17;
	v40 =	vadd.f32 v34, v22  }
0x27e: {  	v39 =	vld.idx.msk [tilespmem:v2+s15+$0xFFFFFF60 ss:$0x1], $0xffff;
	v9 =	vadd.f32 v9, v14;
	v10 =	vadd.f32 v10, v16  }
0x27f: {  	v41 =	vld.idx.msk [tilespmem:v2+s15+$0xFFFFFF70 ss:$0x1], $0xffff;
	v42 =	vadd.f32 v35, v21;
	v13 =	vadd.f32 v31, v13  }
0x280: {  	v43 =	vld.idx.msk [tilespmem:v2+s15+$0xFFFFFFE0 ss:$0x1], $0xffff;
	v18 =	vadd.f32 v36, v18;
	v16 =	vadd.f32 v32, v40  }
0x281: {  	v44 =	vld.idx.msk [tilespmem:v2+s15+$0xFFFFFFF0 ss:$0x1], $0xffff;
	v19 =	vadd.f32 v37, v42;
	v13 =	vadd.f32 v29, v13  }
0x282: {  	v45 =	vld.idx.msk [tilespmem:v2+s15+$0x60 ss:$0x1], $0xffff;
	v15 =	vadd.f32 v38, v18;
	v16 =	vadd.f32 v30, v16  }
0x283: {  	v46 =	vld.idx.msk [tilespmem:v2+s15+$0x70 ss:$0x1], $0xffff;
	v14 =	vadd.f32 v39, v19;
	v13 =	vadd.f32 v23, v13  }
0x284: {  	v47 =	vld.idx.msk [tilespmem:v2+s15+$0xE0 ss:$0x1], $0xffff;
	v15 =	vadd.f32 v41, v15;
	v16 =	vadd.f32 v24, v16  }
0x285: {  	v48 =	vld.idx.msk [tilespmem:v2+s15+$0xF0 ss:$0x1], $0xffff;
	v14 =	vadd.f32 v43, v14;
	v12 =	vadd.f32 v12, v13  }
0x286: {  	v49 =	vld.idx.msk [tilespmem:v2+s15+$0x160 ss:$0x1], $0xffff;
	v15 =	vadd.f32 v44, v15;
	v11 =	vadd.f32 v11, v16  }
0x287: {  	v50 =	vld.idx.msk [tilespmem:v2+s15+$0x170 ss:$0x1], $0xffff;
	v14 =	vadd.f32 v45, v14;
	v6 =	vadd.f32 v6, v12  }
0x288: {  	v51 =	vld.idx.msk [tilespmem:v2+s15+$0x1E0 ss:$0x1], $0xffff;
	v15 =	vadd.f32 v46, v15;
	v5 =	vadd.f32 v5, v11  }
0x289: {  	v52 =	vld.idx.msk [tilespmem:v2+s15+$0x1F0 ss:$0x1], $0xffff;
	s31 =	sshll.u32 s0, $0x7;
	v54 =	vmul.f32 $3.125000000e-02, v7;
	v53 =	vadd.f32 v47, v14;
	v4 =	vadd.f32 v4, v6  }
0x28a: {  	s15 =	sand.u32 $0x3FFFFF80, s31;
	v56 =	vmul.f32 $3.125000000e-02, v8;
	v55 =	vadd.f32 v48, v15;
	v3 =	vadd.f32 v3, v5  }
0x28b: {  	v58 =	vmul.f32 $3.125000000e-02, v9;
	[tilespmem:s15+$0x1C000] =	vst v54;
	v57 =	vadd.f32 v49, v53;
	v1 =	vadd.f32 v1, v4  }
0x28c: {  	s0 =	sadd.s32 $0x1, s0;
	v60 =	vmul.f32 $3.125000000e-02, v10;
	[tilespmem:s15+$0x1C010] =	vst v56;
	v59 =	vadd.f32 v50, v55;
	v0 =	vadd.f32 v0, v3  }
0x28d: {  	p0 =	sne.s32 s0, $0x8;
	[tilespmem:s15+$0x1C020] =	vst v58;
	v61 =	vadd.f32 v51, v57;
	v1 =	vmul.f32 $3.125000000e-02, v1  }
.Ltmp8:
0x28e: {  	[tilespmem:s15+$0x1C030] =	vst v60;
	v2 =	vadd.f32 v52, v59;
	v0 =	vmul.f32 $3.125000000e-02, v0;
	(pc) =	sbr.rel @p0 .LBB2_16-.Ltmp8, $4  }
0x28f: {  	[tilespmem:s15+$0x1C040] =	vst v1;
	v62 =	vmul.f32 $3.125000000e-02, v61  }
0x290: {  	[tilespmem:s15+$0x1C050] =	vst v0;
	v63 =	vmul.f32 $3.125000000e-02, v2  }
0x291: {  	[tilespmem:s15+$0x1C060] =	vst v62  }
0x292: {  	s2 =	sadd.s32 $0x1000, s2;
	[tilespmem:s15+$0x1C070] =	vst v63  }
0x293: {  	[hbm4b:s9+s4] =	stream.linear.scatter [tilespmem:s22], [sflag:$0x4], $0x400, $0x38;
	[tilespmem:$0x1CC00] =	vst v63  }
0x294: {  	_ =	swait.ge [sflag:s28], $0x400  }
0x295: {  	[sflag:s28] =	ssyncset.done $0x0  }
0x296: {  	s29 =	sadd.s32 $0x1, s29;
	[sflag:s28] =	ssyncadd.s32 $0xFFFFFC00  }
0x297: {  	p0 =	sne.s32 s29, s10;
	_ =	swait.ge [sflag:s28], $0x400  }
.Ltmp9:
0x298: {  	[sflag:s28] =	ssyncset.done $0x0;
	(pc) =	sbr.rel @p0 .LBB2_1-.Ltmp9, $4  }
0x299: {  	[sflag:s28] =	ssyncadd.s32 $0xFFFFFC00  }
0x29a: {  	_ =	swait.ge [sflag:s28], $0x400  }
0x29b: {  	[sflag:s28] =	ssyncset.done $0x0  }
0x29c: {  	[sflag:s28] =	ssyncadd.s32 $0xFFFFFC00  }
0x29d: {  	_ =	sfence.sel $0x180000  }
0x29e: {  	[bflag:$0x0] =	sbarrier.arrive $0xFFFF  }
0x29f: {  	_ =	strace $0x90000047  }
0x2a0: {  	s0 =	stileid.u32;
	[bflag:$0x2] =	sbarrier.arrive $0xFFFF  }
0x2a1: {  	p0 =	sne.s32 s0, $0x0;
	s0 =	rddreg [dreg:$0x3]  }
0x2a2: {  	s0 =	sadd.s32 @!p0 $0x100000, s0  }
0x2a3: {  	[sflag:s0] =	ssyncadd.tile.s32 @!p0 $0x1;
	_ =	shalt  }
.Lfunc_end2:
_tile_overlayer_lowered:
.L_overlay_start_2:
0x2a4: {  	(tag) =	ssettag $0x2  }
0x2a5: {  	s0 =	rddreg [dreg:$0x0];
	s2 =	stileid.u32  }
0x2a6: {  	s1 =	rddreg [dreg:$0x1];
	p0 =	sne.s32 s2, $0x0  }
0x2a7: {  	s3 =	rddreg [dreg:$0x2];
	[bflag:$0x3] =	sbarrier.arrive $0xFFFF;
	s2 =	simm.s32 @!p0 $0x1C05  }
0x2a8: {  	[timem:s3], [sflag:s2] =	dma.local @!p0 [hbm:s0], s1  }
0x2a9: {  	s0 =	simm.s32 @!p0 $0x5  }
0x2aa: {  	_ =	swait.ge @!p0 [sflag:s0], s1  }
0x2ab: {  	s1 =	ssub.s32 @!p0 $0x0, s1;
	[sflag:s0] =	ssyncset.done @!p0 $0x0  }
0x2ac: {  	[sflag:s0] =	ssyncadd.s32 @!p0 s1  }
0x2ad: {  	[bflag:$0x3] =	sbarrier.arrive $0xFFFF  }
0x2ae: {  	_ =	shalt  }

</sc_bundles>
